<compile_context>
chip_gen: v7x
topology: tpu7x:2x2x1
jax: 0.10.2.dev20260603
libtpu: 0.0.44.dev20260713+nightly
codegen_flags: <defaults>
</compile_context>

<pallas_src>
import functools

import jax
import jax.numpy as jnp
from jax import lax
from jax.experimental import pallas as pl
from jax.experimental.pallas import tpu as pltpu
from jax.experimental.pallas import tpu_sc as plsc

L = 8
NT = 1024
D = 1024
N = 4
S = 2048
ROWS = N * S
NC = 2
NS = 16
NW = NC * NS
RPW = ROWS // NW
B = 4
NB = RPW // B
NBUF = 3
LANES = 16


def _fire(w_hbm, idx_v, gath_v, sem, b, buf):
    for l in range(L):
        pltpu.async_copy(
            w_hbm.at[idx_v.at[l, pl.ds(b * B, B)]],
            gath_v.at[buf, l],
            sem,
        )


def _drain(dummy_hbm, gath_v, sem, buf):
    pltpu.make_async_copy(
        dummy_hbm,
        gath_v.at[buf],
        sem,
    ).wait()


def _accum(gath_v, outb_v, buf):
    for j in range(B):
        def cbody(c, _, j=j):
            o = pl.ds(pl.multiple_of(c * LANES, LANES), LANES)
            acc = gath_v[buf, 0, j, o]
            for l in range(1, L):
                acc = acc + gath_v[buf, l, j, o]
            outb_v[j, o] = acc
            return 0
        lax.fori_loop(0, D // LANES, cbody, 0)


def _body(x_hbm, w_hbm, dummy_hbm, out_hbm, idx_v, gath_v, outb_v,
          sem0, sem1, sem2):
    sems = (sem0, sem1, sem2)
    cid = lax.axis_index("c")
    sid = lax.axis_index("s")
    wid = sid * NC + cid
    n = wid // (S // RPW)
    s0 = (wid % (S // RPW)) * RPW
    row0 = wid * RPW

    for l in range(L):
        pltpu.sync_copy(x_hbm.at[n, l, pl.ds(s0, RPW)], idx_v.at[l])

    def off_body(i, _):
        o = pl.ds(pl.multiple_of(i * LANES, LANES), LANES)
        for l in range(1, L):
            idx_v[l, o] = idx_v[l, o] + (l * NT)
        return 0
    lax.fori_loop(0, RPW // LANES, off_body, 0)

    _fire(w_hbm, idx_v, gath_v, sems[0], 0, 0)
    _fire(w_hbm, idx_v, gath_v, sems[1], 1, 1)

    def step(t, _):
        for k in range(NBUF):
            @pl.when(t % NBUF == k)
            def _(k=k):
                _fire(w_hbm, idx_v, gath_v, sems[(k + 2) % NBUF],
                      jnp.minimum(t + 2, NB - 1), (k + 2) % NBUF)
                _drain(dummy_hbm, gath_v, sems[k], k)
                _accum(gath_v, outb_v, k)
                pltpu.sync_copy(outb_v,
                                out_hbm.at[pl.ds(row0 + t * B, B)])
        return 0

    lax.fori_loop(0, NB, step, 0)
    _drain(dummy_hbm, gath_v, sems[NB % NBUF], NB % NBUF)
    _drain(dummy_hbm, gath_v, sems[(NB + 1) % NBUF], (NB + 1) % NBUF)


_mek = functools.partial(
    pl.kernel,
    out_type=jax.ShapeDtypeStruct((ROWS, D), jnp.float32),
    mesh=plsc.VectorSubcoreMesh(core_axis_name="c", subcore_axis_name="s"),
    scratch_types=[
        pltpu.VMEM((L, RPW), jnp.int32),
        pltpu.VMEM((NBUF, L, B, D), jnp.float32),
        pltpu.VMEM((B, D), jnp.float32),
        pltpu.SemaphoreType.DMA,
        pltpu.SemaphoreType.DMA,
        pltpu.SemaphoreType.DMA,
    ],
)(_body)


@jax.jit
def kernel(x, weight):
    x = x.astype(jnp.int32)
    w_flat = weight.reshape(L * NT, D)
    dummy = jnp.zeros((L, B, D), jnp.float32)
    out = _mek(x, w_flat, dummy)
    return out.reshape(N, S, D)

# --- scband reference (transcript-rebuilt; emitter-appended) ---
"""Pipeline reference for scband-multi-embedding-86294482911710 (READ-ONLY COPY).

The authoritative reference and input builder live on the scoring server;
editing this copy changes nothing except your own understanding.
"""

import jax, jax.numpy as jnp
import numpy as np

MAX_N_LEVELS = 8
N_TOKENS = 1024
TOKEN_DIM = 1024

def setup_inputs(seed: int = 0) -> dict:
    key = jax.random.key(seed)
    k1, k2 = jax.random.split(key)
    x = jax.random.randint(k1, (4, MAX_N_LEVELS, 2048), 0, N_TOKENS, dtype=jnp.int64 if jax.config.jax_enable_x64 else jnp.int32)
    weight = jax.random.normal(k2, (MAX_N_LEVELS, N_TOKENS, TOKEN_DIM), dtype=jnp.float32)
    return {"x": x, "weight": weight}

def reference(x, weight):
    # Original: one_hot(x, K) then einsum('l k d, n l s k -> n s d', weight, onehot)
    # which is mathematically a per-level gather followed by a sum over levels:
    # out[n, s, d] = sum_l weight[l, x[n, l, s], d]
    L = weight.shape[0]
    idx_l = jnp.arange(L).reshape(1, L, 1)  # [1, L, 1] broadcasts against x [N, L, S]
    gathered = weight[idx_l, x]             # [N, L, S, D]
    out = gathered.sum(axis=1)              # [N, S, D]
    return out

if __name__ == "__main__":
    import jax
    _d = setup_inputs()
    print(jax.jit(kernel)(*tuple(_d.values())))

</pallas_src>

<mosaic_0001>
#map = affine_map<(d0, d1) -> (0, 0, 0)>
#map1 = affine_map<(d0, d1) -> (0, 0)>
module attributes {stable_mosaic.version = 14 : i64} {
  func.func @_body(%arg0: i32, %arg1: i32, %arg2: memref<4x8x2048xi32, #tpu.memory_space<hbm>>, %arg3: memref<8192x1024xf32, #tpu.memory_space<hbm>>, %arg4: memref<8x4x1024xf32, #tpu.memory_space<hbm>>, %arg5: memref<8192x1024xf32, #tpu.memory_space<hbm>>, %arg6: memref<8x256xi32, #tpu.memory_space<vmem>>, %arg7: memref<3x8x4x1024xf32, #tpu.memory_space<vmem>>, %arg8: memref<4x1024xf32, #tpu.memory_space<vmem>>, %arg9: memref<!tpu.dma_semaphore, #tpu.memory_space<semaphore_mem>>, %arg10: memref<!tpu.dma_semaphore, #tpu.memory_space<semaphore_mem>>, %arg11: memref<!tpu.dma_semaphore, #tpu.memory_space<semaphore_mem>>) attributes {dimension_semantics = [#tpu.dimension_semantics<core_parallel>, #tpu.dimension_semantics<subcore_parallel>], iteration_bounds = array<i64: 2, 16>, scalar_prefetch = 0 : i64, scratch_operands = 6 : i64, tpu.core_type = #tpu.core_type<sc_vector_subcore>, window_params = [{transform_indices = #map}, {transform_indices = #map1}, {transform_indices = #map}, {transform_indices = #map1}]} {
    %mul3A = arith.constant 2 : i32
    %mul3A_0 = arith.muli %arg1, %mul3A : i32
    %add3A = arith.addi %mul3A_0, %arg0 : i32
    %jit3A = arith.constant 8 : i32
    %div3A = arith.divsi %add3A, %jit3A : i32
    %sign3A = arith.constant 0 : i32
    %sign3A_1 = arith.cmpi sgt, %add3A, %sign3A : i32
    %sign3A_2 = arith.extui %sign3A_1 : i1 to i32
    %sign3A_3 = arith.constant 0 : i32
    %sign3A_4 = arith.cmpi slt, %add3A, %sign3A_3 : i32
    %sign3A_5 = arith.extui %sign3A_4 : i1 to i32
    %sign3A_6 = arith.subi %sign3A_2, %sign3A_5 : i32
    %sign3A_7 = arith.constant 0 : i32
    %sign3A_8 = arith.cmpi sgt, %jit3A, %sign3A_7 : i32
    %sign3A_9 = arith.extui %sign3A_8 : i1 to i32
    %sign3A_10 = arith.constant 0 : i32
    %sign3A_11 = arith.cmpi slt, %jit3A, %sign3A_10 : i32
    %sign3A_12 = arith.extui %sign3A_11 : i1 to i32
    %sign3A_13 = arith.subi %sign3A_9, %sign3A_12 : i32
    %ne3A = arith.cmpi ne, %sign3A_6, %sign3A_13 : i32
    %rem3A = arith.remsi %add3A, %jit3A : i32
    %ne3A_14 = arith.constant 0 : i32
    %ne3A_15 = arith.cmpi ne, %rem3A, %ne3A_14 : i32
    %and3A = arith.andi %ne3A, %ne3A_15 : i1
    %sub3A = arith.constant 1 : i32
    %sub3A_16 = arith.subi %div3A, %sub3A : i32
    %select_n3A = arith.select %and3A, %sub3A_16, %div3A : i32
    %jit3A_17 = arith.constant 8 : i32
    %eq3A = arith.constant 0 : i32
    %eq3A_18 = arith.cmpi eq, %jit3A_17, %eq3A : i32
    %jit3A_19 = arith.constant 1 : i32
    %select_n3A_20 = arith.select %eq3A_18, %jit3A_19, %jit3A_17 : i32
    %rem3A_21 = arith.remsi %add3A, %select_n3A_20 : i32
    %ne3A_22 = arith.constant 0 : i32
    %ne3A_23 = arith.cmpi ne, %rem3A_21, %ne3A_22 : i32
    %lt3A = arith.constant 0 : i32
    %lt3A_24 = arith.cmpi slt, %rem3A_21, %lt3A : i32
    %lt3A_25 = arith.constant 0 : i32
    %lt3A_26 = arith.cmpi slt, %select_n3A_20, %lt3A_25 : i32
    %ne3A_27 = arith.xori %lt3A_24, %lt3A_26 : i1
    %and3A_28 = arith.andi %ne3A_27, %ne3A_23 : i1
    %add3A_29 = arith.addi %rem3A_21, %select_n3A_20 : i32
    %select_n3A_30 = arith.select %and3A_28, %add3A_29, %rem3A_21 : i32
    %mul3A_31 = arith.constant 256 : i32
    %mul3A_32 = arith.muli %select_n3A_30, %mul3A_31 : i32
    %mul3A_33 = arith.constant 256 : i32
    %mul3A_34 = arith.muli %add3A, %mul3A_33 : i32
    %run_scoped3A = arith.constant 0 : i32
    %run_scoped3A_35 = arith.constant 0 : i32
    "tpu.region"() ({
      %run_scoped3A_291 = tpu.sem_alloc : memref<!tpu.dma_semaphore, #tpu.memory_space<semaphore_mem>>
      %dma_start3A_292 = arith.constant 0 : i32
      %dma_start3A_293 = tpu.memref_slice %arg6[%run_scoped3A_35, %dma_start3A_292] : memref<8x256xi32, #tpu.memory_space<vmem>> -> memref<1x256xi32, #tpu.memory_space<vmem>>
      %dma_start3A_294 = tpu.memref_squeeze %dma_start3A_293 : memref<1x256xi32, #tpu.memory_space<vmem>> -> memref<256xi32, #tpu.memory_space<vmem>>
      %dma_start3A_295 = tpu.memref_slice %arg2[%select_n3A, %run_scoped3A, %mul3A_32] : memref<4x8x2048xi32, #tpu.memory_space<hbm>> -> memref<1x1x256xi32, #tpu.memory_space<hbm>>
      %dma_start3A_296 = tpu.memref_squeeze %dma_start3A_295 : memref<1x1x256xi32, #tpu.memory_space<hbm>> -> memref<256xi32, #tpu.memory_space<hbm>>
      %dma_start3A_297 = arith.constant 0 : i32
      %dma_start3A_298 = tpu.memref_slice %arg6[%run_scoped3A_35, %dma_start3A_297] : memref<8x256xi32, #tpu.memory_space<vmem>> -> memref<1x256xi32, #tpu.memory_space<vmem>>
      %dma_start3A_299 = tpu.memref_squeeze %dma_start3A_298 : memref<1x256xi32, #tpu.memory_space<vmem>> -> memref<256xi32, #tpu.memory_space<vmem>>
      %dma_start3A_300 = tpu.memref_slice %arg2[%select_n3A, %run_scoped3A, %mul3A_32] : memref<4x8x2048xi32, #tpu.memory_space<hbm>> -> memref<1x1x256xi32, #tpu.memory_space<hbm>>
      %dma_start3A_301 = tpu.memref_squeeze %dma_start3A_300 : memref<1x1x256xi32, #tpu.memory_space<hbm>> -> memref<256xi32, #tpu.memory_space<hbm>>
      tpu.enqueue_dma source(%dma_start3A_301 : memref<256xi32, #tpu.memory_space<hbm>>) target(%dma_start3A_299 : memref<256xi32, #tpu.memory_space<vmem>>) target_semaphore(%run_scoped3A_291 : memref<!tpu.dma_semaphore, #tpu.memory_space<semaphore_mem>>)
      %dma_wait3A_302 = arith.constant 0 : i32
      %dma_wait3A_303 = tpu.memref_slice %arg6[%run_scoped3A_35, %dma_wait3A_302] : memref<8x256xi32, #tpu.memory_space<vmem>> -> memref<1x256xi32, #tpu.memory_space<vmem>>
      %dma_wait3A_304 = tpu.memref_squeeze %dma_wait3A_303 : memref<1x256xi32, #tpu.memory_space<vmem>> -> memref<256xi32, #tpu.memory_space<vmem>>
      %dma_wait3A_305 = tpu.memref_slice %arg2[%select_n3A, %run_scoped3A, %mul3A_32] : memref<4x8x2048xi32, #tpu.memory_space<hbm>> -> memref<1x1x256xi32, #tpu.memory_space<hbm>>
      %dma_wait3A_306 = tpu.memref_squeeze %dma_wait3A_305 : memref<1x1x256xi32, #tpu.memory_space<hbm>> -> memref<256xi32, #tpu.memory_space<hbm>>
      %dma_wait3A_307 = arith.constant 0 : i32
      %dma_wait3A_308 = tpu.memref_slice %arg6[%run_scoped3A_35, %dma_wait3A_307] : memref<8x256xi32, #tpu.memory_space<vmem>> -> memref<1x256xi32, #tpu.memory_space<vmem>>
      %dma_wait3A_309 = tpu.memref_squeeze %dma_wait3A_308 : memref<1x256xi32, #tpu.memory_space<vmem>> -> memref<256xi32, #tpu.memory_space<vmem>>
      %dma_wait3A_310 = tpu.memref_slice %arg2[%select_n3A, %run_scoped3A, %mul3A_32] : memref<4x8x2048xi32, #tpu.memory_space<hbm>> -> memref<1x1x256xi32, #tpu.memory_space<hbm>>
      %dma_wait3A_311 = tpu.memref_squeeze %dma_wait3A_310 : memref<1x1x256xi32, #tpu.memory_space<hbm>> -> memref<256xi32, #tpu.memory_space<hbm>>
      tpu.wait_dma2 semaphore(%run_scoped3A_291 : memref<!tpu.dma_semaphore, #tpu.memory_space<semaphore_mem>>) src(%dma_wait3A_311 : memref<256xi32, #tpu.memory_space<hbm>>) dst(%dma_wait3A_309 : memref<256xi32, #tpu.memory_space<vmem>>)
      tpu.yield
    }) : () -> ()
    %run_scoped3A_36 = arith.constant 1 : i32
    %run_scoped3A_37 = arith.constant 1 : i32
    "tpu.region"() ({
      %run_scoped3A_291 = tpu.sem_alloc : memref<!tpu.dma_semaphore, #tpu.memory_space<semaphore_mem>>
      %dma_start3A_292 = arith.constant 0 : i32
      %dma_start3A_293 = tpu.memref_slice %arg6[%run_scoped3A_37, %dma_start3A_292] : memref<8x256xi32, #tpu.memory_space<vmem>> -> memref<1x256xi32, #tpu.memory_space<vmem>>
      %dma_start3A_294 = tpu.memref_squeeze %dma_start3A_293 : memref<1x256xi32, #tpu.memory_space<vmem>> -> memref<256xi32, #tpu.memory_space<vmem>>
      %dma_start3A_295 = tpu.memref_slice %arg2[%select_n3A, %run_scoped3A_36, %mul3A_32] : memref<4x8x2048xi32, #tpu.memory_space<hbm>> -> memref<1x1x256xi32, #tpu.memory_space<hbm>>
      %dma_start3A_296 = tpu.memref_squeeze %dma_start3A_295 : memref<1x1x256xi32, #tpu.memory_space<hbm>> -> memref<256xi32, #tpu.memory_space<hbm>>
      %dma_start3A_297 = arith.constant 0 : i32
      %dma_start3A_298 = tpu.memref_slice %arg6[%run_scoped3A_37, %dma_start3A_297] : memref<8x256xi32, #tpu.memory_space<vmem>> -> memref<1x256xi32, #tpu.memory_space<vmem>>
      %dma_start3A_299 = tpu.memref_squeeze %dma_start3A_298 : memref<1x256xi32, #tpu.memory_space<vmem>> -> memref<256xi32, #tpu.memory_space<vmem>>
      %dma_start3A_300 = tpu.memref_slice %arg2[%select_n3A, %run_scoped3A_36, %mul3A_32] : memref<4x8x2048xi32, #tpu.memory_space<hbm>> -> memref<1x1x256xi32, #tpu.memory_space<hbm>>
      %dma_start3A_301 = tpu.memref_squeeze %dma_start3A_300 : memref<1x1x256xi32, #tpu.memory_space<hbm>> -> memref<256xi32, #tpu.memory_space<hbm>>
      tpu.enqueue_dma source(%dma_start3A_301 : memref<256xi32, #tpu.memory_space<hbm>>) target(%dma_start3A_299 : memref<256xi32, #tpu.memory_space<vmem>>) target_semaphore(%run_scoped3A_291 : memref<!tpu.dma_semaphore, #tpu.memory_space<semaphore_mem>>)
      %dma_wait3A_302 = arith.constant 0 : i32
      %dma_wait3A_303 = tpu.memref_slice %arg6[%run_scoped3A_37, %dma_wait3A_302] : memref<8x256xi32, #tpu.memory_space<vmem>> -> memref<1x256xi32, #tpu.memory_space<vmem>>
      %dma_wait3A_304 = tpu.memref_squeeze %dma_wait3A_303 : memref<1x256xi32, #tpu.memory_space<vmem>> -> memref<256xi32, #tpu.memory_space<vmem>>
      %dma_wait3A_305 = tpu.memref_slice %arg2[%select_n3A, %run_scoped3A_36, %mul3A_32] : memref<4x8x2048xi32, #tpu.memory_space<hbm>> -> memref<1x1x256xi32, #tpu.memory_space<hbm>>
      %dma_wait3A_306 = tpu.memref_squeeze %dma_wait3A_305 : memref<1x1x256xi32, #tpu.memory_space<hbm>> -> memref<256xi32, #tpu.memory_space<hbm>>
      %dma_wait3A_307 = arith.constant 0 : i32
      %dma_wait3A_308 = tpu.memref_slice %arg6[%run_scoped3A_37, %dma_wait3A_307] : memref<8x256xi32, #tpu.memory_space<vmem>> -> memref<1x256xi32, #tpu.memory_space<vmem>>
      %dma_wait3A_309 = tpu.memref_squeeze %dma_wait3A_308 : memref<1x256xi32, #tpu.memory_space<vmem>> -> memref<256xi32, #tpu.memory_space<vmem>>
      %dma_wait3A_310 = tpu.memref_slice %arg2[%select_n3A, %run_scoped3A_36, %mul3A_32] : memref<4x8x2048xi32, #tpu.memory_space<hbm>> -> memref<1x1x256xi32, #tpu.memory_space<hbm>>
      %dma_wait3A_311 = tpu.memref_squeeze %dma_wait3A_310 : memref<1x1x256xi32, #tpu.memory_space<hbm>> -> memref<256xi32, #tpu.memory_space<hbm>>
      tpu.wait_dma2 semaphore(%run_scoped3A_291 : memref<!tpu.dma_semaphore, #tpu.memory_space<semaphore_mem>>) src(%dma_wait3A_311 : memref<256xi32, #tpu.memory_space<hbm>>) dst(%dma_wait3A_309 : memref<256xi32, #tpu.memory_space<vmem>>)
      tpu.yield
    }) : () -> ()
    %run_scoped3A_38 = arith.constant 2 : i32
    %run_scoped3A_39 = arith.constant 2 : i32
    "tpu.region"() ({
      %run_scoped3A_291 = tpu.sem_alloc : memref<!tpu.dma_semaphore, #tpu.memory_space<semaphore_mem>>
      %dma_start3A_292 = arith.constant 0 : i32
      %dma_start3A_293 = tpu.memref_slice %arg6[%run_scoped3A_39, %dma_start3A_292] : memref<8x256xi32, #tpu.memory_space<vmem>> -> memref<1x256xi32, #tpu.memory_space<vmem>>
      %dma_start3A_294 = tpu.memref_squeeze %dma_start3A_293 : memref<1x256xi32, #tpu.memory_space<vmem>> -> memref<256xi32, #tpu.memory_space<vmem>>
      %dma_start3A_295 = tpu.memref_slice %arg2[%select_n3A, %run_scoped3A_38, %mul3A_32] : memref<4x8x2048xi32, #tpu.memory_space<hbm>> -> memref<1x1x256xi32, #tpu.memory_space<hbm>>
      %dma_start3A_296 = tpu.memref_squeeze %dma_start3A_295 : memref<1x1x256xi32, #tpu.memory_space<hbm>> -> memref<256xi32, #tpu.memory_space<hbm>>
      %dma_start3A_297 = arith.constant 0 : i32
      %dma_start3A_298 = tpu.memref_slice %arg6[%run_scoped3A_39, %dma_start3A_297] : memref<8x256xi32, #tpu.memory_space<vmem>> -> memref<1x256xi32, #tpu.memory_space<vmem>>
      %dma_start3A_299 = tpu.memref_squeeze %dma_start3A_298 : memref<1x256xi32, #tpu.memory_space<vmem>> -> memref<256xi32, #tpu.memory_space<vmem>>
      %dma_start3A_300 = tpu.memref_slice %arg2[%select_n3A, %run_scoped3A_38, %mul3A_32] : memref<4x8x2048xi32, #tpu.memory_space<hbm>> -> memref<1x1x256xi32, #tpu.memory_space<hbm>>
      %dma_start3A_301 = tpu.memref_squeeze %dma_start3A_300 : memref<1x1x256xi32, #tpu.memory_space<hbm>> -> memref<256xi32, #tpu.memory_space<hbm>>
      tpu.enqueue_dma source(%dma_start3A_301 : memref<256xi32, #tpu.memory_space<hbm>>) target(%dma_start3A_299 : memref<256xi32, #tpu.memory_space<vmem>>) target_semaphore(%run_scoped3A_291 : memref<!tpu.dma_semaphore, #tpu.memory_space<semaphore_mem>>)
      %dma_wait3A_302 = arith.constant 0 : i32
      %dma_wait3A_303 = tpu.memref_slice %arg6[%run_scoped3A_39, %dma_wait3A_302] : memref<8x256xi32, #tpu.memory_space<vmem>> -> memref<1x256xi32, #tpu.memory_space<vmem>>
      %dma_wait3A_304 = tpu.memref_squeeze %dma_wait3A_303 : memref<1x256xi32, #tpu.memory_space<vmem>> -> memref<256xi32, #tpu.memory_space<vmem>>
      %dma_wait3A_305 = tpu.memref_slice %arg2[%select_n3A, %run_scoped3A_38, %mul3A_32] : memref<4x8x2048xi32, #tpu.memory_space<hbm>> -> memref<1x1x256xi32, #tpu.memory_space<hbm>>
      %dma_wait3A_306 = tpu.memref_squeeze %dma_wait3A_305 : memref<1x1x256xi32, #tpu.memory_space<hbm>> -> memref<256xi32, #tpu.memory_space<hbm>>
      %dma_wait3A_307 = arith.constant 0 : i32
      %dma_wait3A_308 = tpu.memref_slice %arg6[%run_scoped3A_39, %dma_wait3A_307] : memref<8x256xi32, #tpu.memory_space<vmem>> -> memref<1x256xi32, #tpu.memory_space<vmem>>
      %dma_wait3A_309 = tpu.memref_squeeze %dma_wait3A_308 : memref<1x256xi32, #tpu.memory_space<vmem>> -> memref<256xi32, #tpu.memory_space<vmem>>
      %dma_wait3A_310 = tpu.memref_slice %arg2[%select_n3A, %run_scoped3A_38, %mul3A_32] : memref<4x8x2048xi32, #tpu.memory_space<hbm>> -> memref<1x1x256xi32, #tpu.memory_space<hbm>>
      %dma_wait3A_311 = tpu.memref_squeeze %dma_wait3A_310 : memref<1x1x256xi32, #tpu.memory_space<hbm>> -> memref<256xi32, #tpu.memory_space<hbm>>
      tpu.wait_dma2 semaphore(%run_scoped3A_291 : memref<!tpu.dma_semaphore, #tpu.memory_space<semaphore_mem>>) src(%dma_wait3A_311 : memref<256xi32, #tpu.memory_space<hbm>>) dst(%dma_wait3A_309 : memref<256xi32, #tpu.memory_space<vmem>>)
      tpu.yield
    }) : () -> ()
    %run_scoped3A_40 = arith.constant 3 : i32
    %run_scoped3A_41 = arith.constant 3 : i32
    "tpu.region"() ({
      %run_scoped3A_291 = tpu.sem_alloc : memref<!tpu.dma_semaphore, #tpu.memory_space<semaphore_mem>>
      %dma_start3A_292 = arith.constant 0 : i32
      %dma_start3A_293 = tpu.memref_slice %arg6[%run_scoped3A_41, %dma_start3A_292] : memref<8x256xi32, #tpu.memory_space<vmem>> -> memref<1x256xi32, #tpu.memory_space<vmem>>
      %dma_start3A_294 = tpu.memref_squeeze %dma_start3A_293 : memref<1x256xi32, #tpu.memory_space<vmem>> -> memref<256xi32, #tpu.memory_space<vmem>>
      %dma_start3A_295 = tpu.memref_slice %arg2[%select_n3A, %run_scoped3A_40, %mul3A_32] : memref<4x8x2048xi32, #tpu.memory_space<hbm>> -> memref<1x1x256xi32, #tpu.memory_space<hbm>>
      %dma_start3A_296 = tpu.memref_squeeze %dma_start3A_295 : memref<1x1x256xi32, #tpu.memory_space<hbm>> -> memref<256xi32, #tpu.memory_space<hbm>>
      %dma_start3A_297 = arith.constant 0 : i32
      %dma_start3A_298 = tpu.memref_slice %arg6[%run_scoped3A_41, %dma_start3A_297] : memref<8x256xi32, #tpu.memory_space<vmem>> -> memref<1x256xi32, #tpu.memory_space<vmem>>
      %dma_start3A_299 = tpu.memref_squeeze %dma_start3A_298 : memref<1x256xi32, #tpu.memory_space<vmem>> -> memref<256xi32, #tpu.memory_space<vmem>>
      %dma_start3A_300 = tpu.memref_slice %arg2[%select_n3A, %run_scoped3A_40, %mul3A_32] : memref<4x8x2048xi32, #tpu.memory_space<hbm>> -> memref<1x1x256xi32, #tpu.memory_space<hbm>>
      %dma_start3A_301 = tpu.memref_squeeze %dma_start3A_300 : memref<1x1x256xi32, #tpu.memory_space<hbm>> -> memref<256xi32, #tpu.memory_space<hbm>>
      tpu.enqueue_dma source(%dma_start3A_301 : memref<256xi32, #tpu.memory_space<hbm>>) target(%dma_start3A_299 : memref<256xi32, #tpu.memory_space<vmem>>) target_semaphore(%run_scoped3A_291 : memref<!tpu.dma_semaphore, #tpu.memory_space<semaphore_mem>>)
      %dma_wait3A_302 = arith.constant 0 : i32
      %dma_wait3A_303 = tpu.memref_slice %arg6[%run_scoped3A_41, %dma_wait3A_302] : memref<8x256xi32, #tpu.memory_space<vmem>> -> memref<1x256xi32, #tpu.memory_space<vmem>>
      %dma_wait3A_304 = tpu.memref_squeeze %dma_wait3A_303 : memref<1x256xi32, #tpu.memory_space<vmem>> -> memref<256xi32, #tpu.memory_space<vmem>>
      %dma_wait3A_305 = tpu.memref_slice %arg2[%select_n3A, %run_scoped3A_40, %mul3A_32] : memref<4x8x2048xi32, #tpu.memory_space<hbm>> -> memref<1x1x256xi32, #tpu.memory_space<hbm>>
      %dma_wait3A_306 = tpu.memref_squeeze %dma_wait3A_305 : memref<1x1x256xi32, #tpu.memory_space<hbm>> -> memref<256xi32, #tpu.memory_space<hbm>>
      %dma_wait3A_307 = arith.constant 0 : i32
      %dma_wait3A_308 = tpu.memref_slice %arg6[%run_scoped3A_41, %dma_wait3A_307] : memref<8x256xi32, #tpu.memory_space<vmem>> -> memref<1x256xi32, #tpu.memory_space<vmem>>
      %dma_wait3A_309 = tpu.memref_squeeze %dma_wait3A_308 : memref<1x256xi32, #tpu.memory_space<vmem>> -> memref<256xi32, #tpu.memory_space<vmem>>
      %dma_wait3A_310 = tpu.memref_slice %arg2[%select_n3A, %run_scoped3A_40, %mul3A_32] : memref<4x8x2048xi32, #tpu.memory_space<hbm>> -> memref<1x1x256xi32, #tpu.memory_space<hbm>>
      %dma_wait3A_311 = tpu.memref_squeeze %dma_wait3A_310 : memref<1x1x256xi32, #tpu.memory_space<hbm>> -> memref<256xi32, #tpu.memory_space<hbm>>
      tpu.wait_dma2 semaphore(%run_scoped3A_291 : memref<!tpu.dma_semaphore, #tpu.memory_space<semaphore_mem>>) src(%dma_wait3A_311 : memref<256xi32, #tpu.memory_space<hbm>>) dst(%dma_wait3A_309 : memref<256xi32, #tpu.memory_space<vmem>>)
      tpu.yield
    }) : () -> ()
    %run_scoped3A_42 = arith.constant 4 : i32
    %run_scoped3A_43 = arith.constant 4 : i32
    "tpu.region"() ({
      %run_scoped3A_291 = tpu.sem_alloc : memref<!tpu.dma_semaphore, #tpu.memory_space<semaphore_mem>>
      %dma_start3A_292 = arith.constant 0 : i32
      %dma_start3A_293 = tpu.memref_slice %arg6[%run_scoped3A_43, %dma_start3A_292] : memref<8x256xi32, #tpu.memory_space<vmem>> -> memref<1x256xi32, #tpu.memory_space<vmem>>
      %dma_start3A_294 = tpu.memref_squeeze %dma_start3A_293 : memref<1x256xi32, #tpu.memory_space<vmem>> -> memref<256xi32, #tpu.memory_space<vmem>>
      %dma_start3A_295 = tpu.memref_slice %arg2[%select_n3A, %run_scoped3A_42, %mul3A_32] : memref<4x8x2048xi32, #tpu.memory_space<hbm>> -> memref<1x1x256xi32, #tpu.memory_space<hbm>>
      %dma_start3A_296 = tpu.memref_squeeze %dma_start3A_295 : memref<1x1x256xi32, #tpu.memory_space<hbm>> -> memref<256xi32, #tpu.memory_space<hbm>>
      %dma_start3A_297 = arith.constant 0 : i32
      %dma_start3A_298 = tpu.memref_slice %arg6[%run_scoped3A_43, %dma_start3A_297] : memref<8x256xi32, #tpu.memory_space<vmem>> -> memref<1x256xi32, #tpu.memory_space<vmem>>
      %dma_start3A_299 = tpu.memref_squeeze %dma_start3A_298 : memref<1x256xi32, #tpu.memory_space<vmem>> -> memref<256xi32, #tpu.memory_space<vmem>>
      %dma_start3A_300 = tpu.memref_slice %arg2[%select_n3A, %run_scoped3A_42, %mul3A_32] : memref<4x8x2048xi32, #tpu.memory_space<hbm>> -> memref<1x1x256xi32, #tpu.memory_space<hbm>>
      %dma_start3A_301 = tpu.memref_squeeze %dma_start3A_300 : memref<1x1x256xi32, #tpu.memory_space<hbm>> -> memref<256xi32, #tpu.memory_space<hbm>>
      tpu.enqueue_dma source(%dma_start3A_301 : memref<256xi32, #tpu.memory_space<hbm>>) target(%dma_start3A_299 : memref<256xi32, #tpu.memory_space<vmem>>) target_semaphore(%run_scoped3A_291 : memref<!tpu.dma_semaphore, #tpu.memory_space<semaphore_mem>>)
      %dma_wait3A_302 = arith.constant 0 : i32
      %dma_wait3A_303 = tpu.memref_slice %arg6[%run_scoped3A_43, %dma_wait3A_302] : memref<8x256xi32, #tpu.memory_space<vmem>> -> memref<1x256xi32, #tpu.memory_space<vmem>>
      %dma_wait3A_304 = tpu.memref_squeeze %dma_wait3A_303 : memref<1x256xi32, #tpu.memory_space<vmem>> -> memref<256xi32, #tpu.memory_space<vmem>>
      %dma_wait3A_305 = tpu.memref_slice %arg2[%select_n3A, %run_scoped3A_42, %mul3A_32] : memref<4x8x2048xi32, #tpu.memory_space<hbm>> -> memref<1x1x256xi32, #tpu.memory_space<hbm>>
      %dma_wait3A_306 = tpu.memref_squeeze %dma_wait3A_305 : memref<1x1x256xi32, #tpu.memory_space<hbm>> -> memref<256xi32, #tpu.memory_space<hbm>>
      %dma_wait3A_307 = arith.constant 0 : i32
      %dma_wait3A_308 = tpu.memref_slice %arg6[%run_scoped3A_43, %dma_wait3A_307] : memref<8x256xi32, #tpu.memory_space<vmem>> -> memref<1x256xi32, #tpu.memory_space<vmem>>
      %dma_wait3A_309 = tpu.memref_squeeze %dma_wait3A_308 : memref<1x256xi32, #tpu.memory_space<vmem>> -> memref<256xi32, #tpu.memory_space<vmem>>
      %dma_wait3A_310 = tpu.memref_slice %arg2[%select_n3A, %run_scoped3A_42, %mul3A_32] : memref<4x8x2048xi32, #tpu.memory_space<hbm>> -> memref<1x1x256xi32, #tpu.memory_space<hbm>>
      %dma_wait3A_311 = tpu.memref_squeeze %dma_wait3A_310 : memref<1x1x256xi32, #tpu.memory_space<hbm>> -> memref<256xi32, #tpu.memory_space<hbm>>
      tpu.wait_dma2 semaphore(%run_scoped3A_291 : memref<!tpu.dma_semaphore, #tpu.memory_space<semaphore_mem>>) src(%dma_wait3A_311 : memref<256xi32, #tpu.memory_space<hbm>>) dst(%dma_wait3A_309 : memref<256xi32, #tpu.memory_space<vmem>>)
      tpu.yield
    }) : () -> ()
    %run_scoped3A_44 = arith.constant 5 : i32
    %run_scoped3A_45 = arith.constant 5 : i32
    "tpu.region"() ({
      %run_scoped3A_291 = tpu.sem_alloc : memref<!tpu.dma_semaphore, #tpu.memory_space<semaphore_mem>>
      %dma_start3A_292 = arith.constant 0 : i32
      %dma_start3A_293 = tpu.memref_slice %arg6[%run_scoped3A_45, %dma_start3A_292] : memref<8x256xi32, #tpu.memory_space<vmem>> -> memref<1x256xi32, #tpu.memory_space<vmem>>
      %dma_start3A_294 = tpu.memref_squeeze %dma_start3A_293 : memref<1x256xi32, #tpu.memory_space<vmem>> -> memref<256xi32, #tpu.memory_space<vmem>>
      %dma_start3A_295 = tpu.memref_slice %arg2[%select_n3A, %run_scoped3A_44, %mul3A_32] : memref<4x8x2048xi32, #tpu.memory_space<hbm>> -> memref<1x1x256xi32, #tpu.memory_space<hbm>>
      %dma_start3A_296 = tpu.memref_squeeze %dma_start3A_295 : memref<1x1x256xi32, #tpu.memory_space<hbm>> -> memref<256xi32, #tpu.memory_space<hbm>>
      %dma_start3A_297 = arith.constant 0 : i32
      %dma_start3A_298 = tpu.memref_slice %arg6[%run_scoped3A_45, %dma_start3A_297] : memref<8x256xi32, #tpu.memory_space<vmem>> -> memref<1x256xi32, #tpu.memory_space<vmem>>
      %dma_start3A_299 = tpu.memref_squeeze %dma_start3A_298 : memref<1x256xi32, #tpu.memory_space<vmem>> -> memref<256xi32, #tpu.memory_space<vmem>>
      %dma_start3A_300 = tpu.memref_slice %arg2[%select_n3A, %run_scoped3A_44, %mul3A_32] : memref<4x8x2048xi32, #tpu.memory_space<hbm>> -> memref<1x1x256xi32, #tpu.memory_space<hbm>>
      %dma_start3A_301 = tpu.memref_squeeze %dma_start3A_300 : memref<1x1x256xi32, #tpu.memory_space<hbm>> -> memref<256xi32, #tpu.memory_space<hbm>>
      tpu.enqueue_dma source(%dma_start3A_301 : memref<256xi32, #tpu.memory_space<hbm>>) target(%dma_start3A_299 : memref<256xi32, #tpu.memory_space<vmem>>) target_semaphore(%run_scoped3A_291 : memref<!tpu.dma_semaphore, #tpu.memory_space<semaphore_mem>>)
      %dma_wait3A_302 = arith.constant 0 : i32
      %dma_wait3A_303 = tpu.memref_slice %arg6[%run_scoped3A_45, %dma_wait3A_302] : memref<8x256xi32, #tpu.memory_space<vmem>> -> memref<1x256xi32, #tpu.memory_space<vmem>>
      %dma_wait3A_304 = tpu.memref_squeeze %dma_wait3A_303 : memref<1x256xi32, #tpu.memory_space<vmem>> -> memref<256xi32, #tpu.memory_space<vmem>>
      %dma_wait3A_305 = tpu.memref_slice %arg2[%select_n3A, %run_scoped3A_44, %mul3A_32] : memref<4x8x2048xi32, #tpu.memory_space<hbm>> -> memref<1x1x256xi32, #tpu.memory_space<hbm>>
      %dma_wait3A_306 = tpu.memref_squeeze %dma_wait3A_305 : memref<1x1x256xi32, #tpu.memory_space<hbm>> -> memref<256xi32, #tpu.memory_space<hbm>>
      %dma_wait3A_307 = arith.constant 0 : i32
      %dma_wait3A_308 = tpu.memref_slice %arg6[%run_scoped3A_45, %dma_wait3A_307] : memref<8x256xi32, #tpu.memory_space<vmem>> -> memref<1x256xi32, #tpu.memory_space<vmem>>
      %dma_wait3A_309 = tpu.memref_squeeze %dma_wait3A_308 : memref<1x256xi32, #tpu.memory_space<vmem>> -> memref<256xi32, #tpu.memory_space<vmem>>
      %dma_wait3A_310 = tpu.memref_slice %arg2[%select_n3A, %run_scoped3A_44, %mul3A_32] : memref<4x8x2048xi32, #tpu.memory_space<hbm>> -> memref<1x1x256xi32, #tpu.memory_space<hbm>>
      %dma_wait3A_311 = tpu.memref_squeeze %dma_wait3A_310 : memref<1x1x256xi32, #tpu.memory_space<hbm>> -> memref<256xi32, #tpu.memory_space<hbm>>
      tpu.wait_dma2 semaphore(%run_scoped3A_291 : memref<!tpu.dma_semaphore, #tpu.memory_space<semaphore_mem>>) src(%dma_wait3A_311 : memref<256xi32, #tpu.memory_space<hbm>>) dst(%dma_wait3A_309 : memref<256xi32, #tpu.memory_space<vmem>>)
      tpu.yield
    }) : () -> ()
    %run_scoped3A_46 = arith.constant 6 : i32
    %run_scoped3A_47 = arith.constant 6 : i32
    "tpu.region"() ({
      %run_scoped3A_291 = tpu.sem_alloc : memref<!tpu.dma_semaphore, #tpu.memory_space<semaphore_mem>>
      %dma_start3A_292 = arith.constant 0 : i32
      %dma_start3A_293 = tpu.memref_slice %arg6[%run_scoped3A_47, %dma_start3A_292] : memref<8x256xi32, #tpu.memory_space<vmem>> -> memref<1x256xi32, #tpu.memory_space<vmem>>
      %dma_start3A_294 = tpu.memref_squeeze %dma_start3A_293 : memref<1x256xi32, #tpu.memory_space<vmem>> -> memref<256xi32, #tpu.memory_space<vmem>>
      %dma_start3A_295 = tpu.memref_slice %arg2[%select_n3A, %run_scoped3A_46, %mul3A_32] : memref<4x8x2048xi32, #tpu.memory_space<hbm>> -> memref<1x1x256xi32, #tpu.memory_space<hbm>>
      %dma_start3A_296 = tpu.memref_squeeze %dma_start3A_295 : memref<1x1x256xi32, #tpu.memory_space<hbm>> -> memref<256xi32, #tpu.memory_space<hbm>>
      %dma_start3A_297 = arith.constant 0 : i32
      %dma_start3A_298 = tpu.memref_slice %arg6[%run_scoped3A_47, %dma_start3A_297] : memref<8x256xi32, #tpu.memory_space<vmem>> -> memref<1x256xi32, #tpu.memory_space<vmem>>
      %dma_start3A_299 = tpu.memref_squeeze %dma_start3A_298 : memref<1x256xi32, #tpu.memory_space<vmem>> -> memref<256xi32, #tpu.memory_space<vmem>>
      %dma_start3A_300 = tpu.memref_slice %arg2[%select_n3A, %run_scoped3A_46, %mul3A_32] : memref<4x8x2048xi32, #tpu.memory_space<hbm>> -> memref<1x1x256xi32, #tpu.memory_space<hbm>>
      %dma_start3A_301 = tpu.memref_squeeze %dma_start3A_300 : memref<1x1x256xi32, #tpu.memory_space<hbm>> -> memref<256xi32, #tpu.memory_space<hbm>>
      tpu.enqueue_dma source(%dma_start3A_301 : memref<256xi32, #tpu.memory_space<hbm>>) target(%dma_start3A_299 : memref<256xi32, #tpu.memory_space<vmem>>) target_semaphore(%run_scoped3A_291 : memref<!tpu.dma_semaphore, #tpu.memory_space<semaphore_mem>>)
      %dma_wait3A_302 = arith.constant 0 : i32
      %dma_wait3A_303 = tpu.memref_slice %arg6[%run_scoped3A_47, %dma_wait3A_302] : memref<8x256xi32, #tpu.memory_space<vmem>> -> memref<1x256xi32, #tpu.memory_space<vmem>>
      %dma_wait3A_304 = tpu.memref_squeeze %dma_wait3A_303 : memref<1x256xi32, #tpu.memory_space<vmem>> -> memref<256xi32, #tpu.memory_space<vmem>>
      %dma_wait3A_305 = tpu.memref_slice %arg2[%select_n3A, %run_scoped3A_46, %mul3A_32] : memref<4x8x2048xi32, #tpu.memory_space<hbm>> -> memref<1x1x256xi32, #tpu.memory_space<hbm>>
      %dma_wait3A_306 = tpu.memref_squeeze %dma_wait3A_305 : memref<1x1x256xi32, #tpu.memory_space<hbm>> -> memref<256xi32, #tpu.memory_space<hbm>>
      %dma_wait3A_307 = arith.constant 0 : i32
      %dma_wait3A_308 = tpu.memref_slice %arg6[%run_scoped3A_47, %dma_wait3A_307] : memref<8x256xi32, #tpu.memory_space<vmem>> -> memref<1x256xi32, #tpu.memory_space<vmem>>
      %dma_wait3A_309 = tpu.memref_squeeze %dma_wait3A_308 : memref<1x256xi32, #tpu.memory_space<vmem>> -> memref<256xi32, #tpu.memory_space<vmem>>
      %dma_wait3A_310 = tpu.memref_slice %arg2[%select_n3A, %run_scoped3A_46, %mul3A_32] : memref<4x8x2048xi32, #tpu.memory_space<hbm>> -> memref<1x1x256xi32, #tpu.memory_space<hbm>>
      %dma_wait3A_311 = tpu.memref_squeeze %dma_wait3A_310 : memref<1x1x256xi32, #tpu.memory_space<hbm>> -> memref<256xi32, #tpu.memory_space<hbm>>
      tpu.wait_dma2 semaphore(%run_scoped3A_291 : memref<!tpu.dma_semaphore, #tpu.memory_space<semaphore_mem>>) src(%dma_wait3A_311 : memref<256xi32, #tpu.memory_space<hbm>>) dst(%dma_wait3A_309 : memref<256xi32, #tpu.memory_space<vmem>>)
      tpu.yield
    }) : () -> ()
    %run_scoped3A_48 = arith.constant 7 : i32
    %run_scoped3A_49 = arith.constant 7 : i32
    "tpu.region"() ({
      %run_scoped3A_291 = tpu.sem_alloc : memref<!tpu.dma_semaphore, #tpu.memory_space<semaphore_mem>>
      %dma_start3A_292 = arith.constant 0 : i32
      %dma_start3A_293 = tpu.memref_slice %arg6[%run_scoped3A_49, %dma_start3A_292] : memref<8x256xi32, #tpu.memory_space<vmem>> -> memref<1x256xi32, #tpu.memory_space<vmem>>
      %dma_start3A_294 = tpu.memref_squeeze %dma_start3A_293 : memref<1x256xi32, #tpu.memory_space<vmem>> -> memref<256xi32, #tpu.memory_space<vmem>>
      %dma_start3A_295 = tpu.memref_slice %arg2[%select_n3A, %run_scoped3A_48, %mul3A_32] : memref<4x8x2048xi32, #tpu.memory_space<hbm>> -> memref<1x1x256xi32, #tpu.memory_space<hbm>>
      %dma_start3A_296 = tpu.memref_squeeze %dma_start3A_295 : memref<1x1x256xi32, #tpu.memory_space<hbm>> -> memref<256xi32, #tpu.memory_space<hbm>>
      %dma_start3A_297 = arith.constant 0 : i32
      %dma_start3A_298 = tpu.memref_slice %arg6[%run_scoped3A_49, %dma_start3A_297] : memref<8x256xi32, #tpu.memory_space<vmem>> -> memref<1x256xi32, #tpu.memory_space<vmem>>
      %dma_start3A_299 = tpu.memref_squeeze %dma_start3A_298 : memref<1x256xi32, #tpu.memory_space<vmem>> -> memref<256xi32, #tpu.memory_space<vmem>>
      %dma_start3A_300 = tpu.memref_slice %arg2[%select_n3A, %run_scoped3A_48, %mul3A_32] : memref<4x8x2048xi32, #tpu.memory_space<hbm>> -> memref<1x1x256xi32, #tpu.memory_space<hbm>>
      %dma_start3A_301 = tpu.memref_squeeze %dma_start3A_300 : memref<1x1x256xi32, #tpu.memory_space<hbm>> -> memref<256xi32, #tpu.memory_space<hbm>>
      tpu.enqueue_dma source(%dma_start3A_301 : memref<256xi32, #tpu.memory_space<hbm>>) target(%dma_start3A_299 : memref<256xi32, #tpu.memory_space<vmem>>) target_semaphore(%run_scoped3A_291 : memref<!tpu.dma_semaphore, #tpu.memory_space<semaphore_mem>>)
      %dma_wait3A_302 = arith.constant 0 : i32
      %dma_wait3A_303 = tpu.memref_slice %arg6[%run_scoped3A_49, %dma_wait3A_302] : memref<8x256xi32, #tpu.memory_space<vmem>> -> memref<1x256xi32, #tpu.memory_space<vmem>>
      %dma_wait3A_304 = tpu.memref_squeeze %dma_wait3A_303 : memref<1x256xi32, #tpu.memory_space<vmem>> -> memref<256xi32, #tpu.memory_space<vmem>>
      %dma_wait3A_305 = tpu.memref_slice %arg2[%select_n3A, %run_scoped3A_48, %mul3A_32] : memref<4x8x2048xi32, #tpu.memory_space<hbm>> -> memref<1x1x256xi32, #tpu.memory_space<hbm>>
      %dma_wait3A_306 = tpu.memref_squeeze %dma_wait3A_305 : memref<1x1x256xi32, #tpu.memory_space<hbm>> -> memref<256xi32, #tpu.memory_space<hbm>>
      %dma_wait3A_307 = arith.constant 0 : i32
      %dma_wait3A_308 = tpu.memref_slice %arg6[%run_scoped3A_49, %dma_wait3A_307] : memref<8x256xi32, #tpu.memory_space<vmem>> -> memref<1x256xi32, #tpu.memory_space<vmem>>
      %dma_wait3A_309 = tpu.memref_squeeze %dma_wait3A_308 : memref<1x256xi32, #tpu.memory_space<vmem>> -> memref<256xi32, #tpu.memory_space<vmem>>
      %dma_wait3A_310 = tpu.memref_slice %arg2[%select_n3A, %run_scoped3A_48, %mul3A_32] : memref<4x8x2048xi32, #tpu.memory_space<hbm>> -> memref<1x1x256xi32, #tpu.memory_space<hbm>>
      %dma_wait3A_311 = tpu.memref_squeeze %dma_wait3A_310 : memref<1x1x256xi32, #tpu.memory_space<hbm>> -> memref<256xi32, #tpu.memory_space<hbm>>
      tpu.wait_dma2 semaphore(%run_scoped3A_291 : memref<!tpu.dma_semaphore, #tpu.memory_space<semaphore_mem>>) src(%dma_wait3A_311 : memref<256xi32, #tpu.memory_space<hbm>>) dst(%dma_wait3A_309 : memref<256xi32, #tpu.memory_space<vmem>>)
      tpu.yield
    }) : () -> ()
    %scan3A = arith.constant 0 : i32
    %scan3A_50 = arith.constant 0 : i32
    %scan3A_51 = arith.constant 16 : i32
    %scan3A_52 = arith.addi %scan3A_50, %scan3A_51 : i32
    %scan3A_53 = arith.constant 1 : i32
    %scan3A_54 = scf.for %scan3A_291 = %scan3A_50 to %scan3A_52 step %scan3A_53 iter_args(%scan3A_292 = %scan3A) -> (i32)  : i32 {
      %mul3A_293 = arith.constant 16 : i32
      %mul3A_294 = arith.muli %scan3A_291, %mul3A_293 : i32
      %multiple_of3A = tpu.assume_multiple %mul3A_294, 16 : i32
      %get3A = arith.constant 1 : i32
      %get3A_295 = arith.index_cast %get3A : i32 to index
      %get3A_296 = arith.index_cast %multiple_of3A : i32 to index
      %get3A_297 = tpu.vector_load %arg6[%get3A_295, %get3A_296] {strides = array<i32>} : memref<8x256xi32, #tpu.memory_space<vmem>>, vector<1x16xi32>,
      %get3A_298 = vector.shape_cast %get3A_297 : vector<1x16xi32> to vector<16xi32>
      %add3A_299 = arith.constant 1024 : i32
      %add3A_300 = vector.broadcast %add3A_299 : i32 to vector<16xi32>
      %add3A_301 = arith.addi %get3A_298, %add3A_300 : vector<16xi32>
      %swap3A = arith.constant 1 : i32
      %swap3A_302 = arith.index_cast %swap3A : i32 to index
      %swap3A_303 = arith.index_cast %multiple_of3A : i32 to index
      %swap3A_304 = tpu.vector_load %arg6[%swap3A_302, %swap3A_303] {strides = array<i32>} : memref<8x256xi32, #tpu.memory_space<vmem>>, vector<1x16xi32>,
      %swap3A_305 = vector.shape_cast %swap3A_304 : vector<1x16xi32> to vector<16xi32>
      %swap3A_306 = vector.shape_cast %add3A_301 : vector<16xi32> to vector<1x16xi32>
      tpu.vector_store %arg6[%swap3A_302, %swap3A_303], %swap3A_306 {strides = array<i32>} : memref<8x256xi32, #tpu.memory_space<vmem>>, vector<1x16xi32>,
      %get3A_307 = arith.constant 2 : i32
      %get3A_308 = arith.index_cast %get3A_307 : i32 to index
      %get3A_309 = arith.index_cast %multiple_of3A : i32 to index
      %get3A_310 = tpu.vector_load %arg6[%get3A_308, %get3A_309] {strides = array<i32>} : memref<8x256xi32, #tpu.memory_space<vmem>>, vector<1x16xi32>,
      %get3A_311 = vector.shape_cast %get3A_310 : vector<1x16xi32> to vector<16xi32>
      %add3A_312 = arith.constant 2048 : i32
      %add3A_313 = vector.broadcast %add3A_312 : i32 to vector<16xi32>
      %add3A_314 = arith.addi %get3A_311, %add3A_313 : vector<16xi32>
      %swap3A_315 = arith.constant 2 : i32
      %swap3A_316 = arith.index_cast %swap3A_315 : i32 to index
      %swap3A_317 = arith.index_cast %multiple_of3A : i32 to index
      %swap3A_318 = tpu.vector_load %arg6[%swap3A_316, %swap3A_317] {strides = array<i32>} : memref<8x256xi32, #tpu.memory_space<vmem>>, vector<1x16xi32>,
      %swap3A_319 = vector.shape_cast %swap3A_318 : vector<1x16xi32> to vector<16xi32>
      %swap3A_320 = vector.shape_cast %add3A_314 : vector<16xi32> to vector<1x16xi32>
      tpu.vector_store %arg6[%swap3A_316, %swap3A_317], %swap3A_320 {strides = array<i32>} : memref<8x256xi32, #tpu.memory_space<vmem>>, vector<1x16xi32>,
      %get3A_321 = arith.constant 3 : i32
      %get3A_322 = arith.index_cast %get3A_321 : i32 to index
      %get3A_323 = arith.index_cast %multiple_of3A : i32 to index
      %get3A_324 = tpu.vector_load %arg6[%get3A_322, %get3A_323] {strides = array<i32>} : memref<8x256xi32, #tpu.memory_space<vmem>>, vector<1x16xi32>,
      %get3A_325 = vector.shape_cast %get3A_324 : vector<1x16xi32> to vector<16xi32>
      %add3A_326 = arith.constant 3072 : i32
      %add3A_327 = vector.broadcast %add3A_326 : i32 to vector<16xi32>
      %add3A_328 = arith.addi %get3A_325, %add3A_327 : vector<16xi32>
      %swap3A_329 = arith.constant 3 : i32
      %swap3A_330 = arith.index_cast %swap3A_329 : i32 to index
      %swap3A_331 = arith.index_cast %multiple_of3A : i32 to index
      %swap3A_332 = tpu.vector_load %arg6[%swap3A_330, %swap3A_331] {strides = array<i32>} : memref<8x256xi32, #tpu.memory_space<vmem>>, vector<1x16xi32>,
      %swap3A_333 = vector.shape_cast %swap3A_332 : vector<1x16xi32> to vector<16xi32>
      %swap3A_334 = vector.shape_cast %add3A_328 : vector<16xi32> to vector<1x16xi32>
      tpu.vector_store %arg6[%swap3A_330, %swap3A_331], %swap3A_334 {strides = array<i32>} : memref<8x256xi32, #tpu.memory_space<vmem>>, vector<1x16xi32>,
      %get3A_335 = arith.constant 4 : i32
      %get3A_336 = arith.index_cast %get3A_335 : i32 to index
      %get3A_337 = arith.index_cast %multiple_of3A : i32 to index
      %get3A_338 = tpu.vector_load %arg6[%get3A_336, %get3A_337] {strides = array<i32>} : memref<8x256xi32, #tpu.memory_space<vmem>>, vector<1x16xi32>,
      %get3A_339 = vector.shape_cast %get3A_338 : vector<1x16xi32> to vector<16xi32>
      %add3A_340 = arith.constant 4096 : i32
      %add3A_341 = vector.broadcast %add3A_340 : i32 to vector<16xi32>
      %add3A_342 = arith.addi %get3A_339, %add3A_341 : vector<16xi32>
      %swap3A_343 = arith.constant 4 : i32
      %swap3A_344 = arith.index_cast %swap3A_343 : i32 to index
      %swap3A_345 = arith.index_cast %multiple_of3A : i32 to index
      %swap3A_346 = tpu.vector_load %arg6[%swap3A_344, %swap3A_345] {strides = array<i32>} : memref<8x256xi32, #tpu.memory_space<vmem>>, vector<1x16xi32>,
      %swap3A_347 = vector.shape_cast %swap3A_346 : vector<1x16xi32> to vector<16xi32>
      %swap3A_348 = vector.shape_cast %add3A_342 : vector<16xi32> to vector<1x16xi32>
      tpu.vector_store %arg6[%swap3A_344, %swap3A_345], %swap3A_348 {strides = array<i32>} : memref<8x256xi32, #tpu.memory_space<vmem>>, vector<1x16xi32>,
      %get3A_349 = arith.constant 5 : i32
      %get3A_350 = arith.index_cast %get3A_349 : i32 to index
      %get3A_351 = arith.index_cast %multiple_of3A : i32 to index
      %get3A_352 = tpu.vector_load %arg6[%get3A_350, %get3A_351] {strides = array<i32>} : memref<8x256xi32, #tpu.memory_space<vmem>>, vector<1x16xi32>,
      %get3A_353 = vector.shape_cast %get3A_352 : vector<1x16xi32> to vector<16xi32>
      %add3A_354 = arith.constant 5120 : i32
      %add3A_355 = vector.broadcast %add3A_354 : i32 to vector<16xi32>
      %add3A_356 = arith.addi %get3A_353, %add3A_355 : vector<16xi32>
      %swap3A_357 = arith.constant 5 : i32
      %swap3A_358 = arith.index_cast %swap3A_357 : i32 to index
      %swap3A_359 = arith.index_cast %multiple_of3A : i32 to index
      %swap3A_360 = tpu.vector_load %arg6[%swap3A_358, %swap3A_359] {strides = array<i32>} : memref<8x256xi32, #tpu.memory_space<vmem>>, vector<1x16xi32>,
      %swap3A_361 = vector.shape_cast %swap3A_360 : vector<1x16xi32> to vector<16xi32>
      %swap3A_362 = vector.shape_cast %add3A_356 : vector<16xi32> to vector<1x16xi32>
      tpu.vector_store %arg6[%swap3A_358, %swap3A_359], %swap3A_362 {strides = array<i32>} : memref<8x256xi32, #tpu.memory_space<vmem>>, vector<1x16xi32>,
      %get3A_363 = arith.constant 6 : i32
      %get3A_364 = arith.index_cast %get3A_363 : i32 to index
      %get3A_365 = arith.index_cast %multiple_of3A : i32 to index
      %get3A_366 = tpu.vector_load %arg6[%get3A_364, %get3A_365] {strides = array<i32>} : memref<8x256xi32, #tpu.memory_space<vmem>>, vector<1x16xi32>,
      %get3A_367 = vector.shape_cast %get3A_366 : vector<1x16xi32> to vector<16xi32>
      %add3A_368 = arith.constant 6144 : i32
      %add3A_369 = vector.broadcast %add3A_368 : i32 to vector<16xi32>
      %add3A_370 = arith.addi %get3A_367, %add3A_369 : vector<16xi32>
      %swap3A_371 = arith.constant 6 : i32
      %swap3A_372 = arith.index_cast %swap3A_371 : i32 to index
      %swap3A_373 = arith.index_cast %multiple_of3A : i32 to index
      %swap3A_374 = tpu.vector_load %arg6[%swap3A_372, %swap3A_373] {strides = array<i32>} : memref<8x256xi32, #tpu.memory_space<vmem>>, vector<1x16xi32>,
      %swap3A_375 = vector.shape_cast %swap3A_374 : vector<1x16xi32> to vector<16xi32>
      %swap3A_376 = vector.shape_cast %add3A_370 : vector<16xi32> to vector<1x16xi32>
      tpu.vector_store %arg6[%swap3A_372, %swap3A_373], %swap3A_376 {strides = array<i32>} : memref<8x256xi32, #tpu.memory_space<vmem>>, vector<1x16xi32>,
      %get3A_377 = arith.constant 7 : i32
      %get3A_378 = arith.index_cast %get3A_377 : i32 to index
      %get3A_379 = arith.index_cast %multiple_of3A : i32 to index
      %get3A_380 = tpu.vector_load %arg6[%get3A_378, %get3A_379] {strides = array<i32>} : memref<8x256xi32, #tpu.memory_space<vmem>>, vector<1x16xi32>,
      %get3A_381 = vector.shape_cast %get3A_380 : vector<1x16xi32> to vector<16xi32>
      %add3A_382 = arith.constant 7168 : i32
      %add3A_383 = vector.broadcast %add3A_382 : i32 to vector<16xi32>
      %add3A_384 = arith.addi %get3A_381, %add3A_383 : vector<16xi32>
      %swap3A_385 = arith.constant 7 : i32
      %swap3A_386 = arith.index_cast %swap3A_385 : i32 to index
      %swap3A_387 = arith.index_cast %multiple_of3A : i32 to index
      %swap3A_388 = tpu.vector_load %arg6[%swap3A_386, %swap3A_387] {strides = array<i32>} : memref<8x256xi32, #tpu.memory_space<vmem>>, vector<1x16xi32>,
      %swap3A_389 = vector.shape_cast %swap3A_388 : vector<1x16xi32> to vector<16xi32>
      %swap3A_390 = vector.shape_cast %add3A_384 : vector<16xi32> to vector<1x16xi32>
      tpu.vector_store %arg6[%swap3A_386, %swap3A_387], %swap3A_390 {strides = array<i32>} : memref<8x256xi32, #tpu.memory_space<vmem>>, vector<1x16xi32>,
      %scan3A_391 = arith.constant 0 : i32
      scf.yield %scan3A_391 : i32
    }
    %scan3A_55 = arith.constant 16 : i32
    %dma_start3A = arith.constant 0 : i32
    %dma_start3A_56 = arith.constant 0 : i32
    %dma_start3A_57 = arith.constant 0 : i32
    %dma_start3A_58 = arith.constant 0 : i32
    %dma_start3A_59 = arith.constant 0 : i32
    %dma_start3A_60 = tpu.memref_slice %arg7[%dma_start3A_56, %dma_start3A_57, %dma_start3A_58, %dma_start3A_59] : memref<3x8x4x1024xf32, #tpu.memory_space<vmem>> -> memref<1x1x4x1024xf32, #tpu.memory_space<vmem>>
    %dma_start3A_61 = tpu.memref_squeeze %dma_start3A_60 : memref<1x1x4x1024xf32, #tpu.memory_space<vmem>> -> memref<4x1024xf32, #tpu.memory_space<vmem>>
    %dma_start3A_62 = arith.constant 0 : i32
    %dma_start3A_63 = tpu.memref_slice %arg6[%dma_start3A, %dma_start3A_62] : memref<8x256xi32, #tpu.memory_space<vmem>> -> memref<1x4xi32, #tpu.memory_space<vmem>>
    %dma_start3A_64 = tpu.memref_squeeze %dma_start3A_63 : memref<1x4xi32, #tpu.memory_space<vmem>> -> memref<4xi32, #tpu.memory_space<vmem>>
    %dma_start3A_65 = arith.constant 0 : i32
    %dma_start3A_66 = arith.constant 0 : i32
    %dma_start3A_67 = tpu.memref_slice %arg3[%dma_start3A_65, %dma_start3A_66] : memref<8192x1024xf32, #tpu.memory_space<hbm>> -> memref<8192x1024xf32, #tpu.memory_space<hbm>>
    tpu.enqueue_indirect_dma source(%dma_start3A_67 : memref<8192x1024xf32, #tpu.memory_space<hbm>>) target(%dma_start3A_61 : memref<4x1024xf32, #tpu.memory_space<vmem>>) offsets(%dma_start3A_64 : memref<4xi32, #tpu.memory_space<vmem>>) semaphore(%arg9 : memref<!tpu.dma_semaphore, #tpu.memory_space<semaphore_mem>>)
    %dma_start3A_68 = arith.constant 1 : i32
    %dma_start3A_69 = arith.constant 0 : i32
    %dma_start3A_70 = arith.constant 1 : i32
    %dma_start3A_71 = arith.constant 0 : i32
    %dma_start3A_72 = arith.constant 0 : i32
    %dma_start3A_73 = tpu.memref_slice %arg7[%dma_start3A_69, %dma_start3A_70, %dma_start3A_71, %dma_start3A_72] : memref<3x8x4x1024xf32, #tpu.memory_space<vmem>> -> memref<1x1x4x1024xf32, #tpu.memory_space<vmem>>
    %dma_start3A_74 = tpu.memref_squeeze %dma_start3A_73 : memref<1x1x4x1024xf32, #tpu.memory_space<vmem>> -> memref<4x1024xf32, #tpu.memory_space<vmem>>
    %dma_start3A_75 = arith.constant 0 : i32
    %dma_start3A_76 = tpu.memref_slice %arg6[%dma_start3A_68, %dma_start3A_75] : memref<8x256xi32, #tpu.memory_space<vmem>> -> memref<1x4xi32, #tpu.memory_space<vmem>>
    %dma_start3A_77 = tpu.memref_squeeze %dma_start3A_76 : memref<1x4xi32, #tpu.memory_space<vmem>> -> memref<4xi32, #tpu.memory_space<vmem>>
    %dma_start3A_78 = arith.constant 0 : i32
    %dma_start3A_79 = arith.constant 0 : i32
    %dma_start3A_80 = tpu.memref_slice %arg3[%dma_start3A_78, %dma_start3A_79] : memref<8192x1024xf32, #tpu.memory_space<hbm>> -> memref<8192x1024xf32, #tpu.memory_space<hbm>>
    tpu.enqueue_indirect_dma source(%dma_start3A_80 : memref<8192x1024xf32, #tpu.memory_space<hbm>>) target(%dma_start3A_74 : memref<4x1024xf32, #tpu.memory_space<vmem>>) offsets(%dma_start3A_77 : memref<4xi32, #tpu.memory_space<vmem>>) semaphore(%arg9 : memref<!tpu.dma_semaphore, #tpu.memory_space<semaphore_mem>>)
    %dma_start3A_81 = arith.constant 2 : i32
    %dma_start3A_82 = arith.constant 0 : i32
    %dma_start3A_83 = arith.constant 2 : i32
    %dma_start3A_84 = arith.constant 0 : i32
    %dma_start3A_85 = arith.constant 0 : i32
    %dma_start3A_86 = tpu.memref_slice %arg7[%dma_start3A_82, %dma_start3A_83, %dma_start3A_84, %dma_start3A_85] : memref<3x8x4x1024xf32, #tpu.memory_space<vmem>> -> memref<1x1x4x1024xf32, #tpu.memory_space<vmem>>
    %dma_start3A_87 = tpu.memref_squeeze %dma_start3A_86 : memref<1x1x4x1024xf32, #tpu.memory_space<vmem>> -> memref<4x1024xf32, #tpu.memory_space<vmem>>
    %dma_start3A_88 = arith.constant 0 : i32
    %dma_start3A_89 = tpu.memref_slice %arg6[%dma_start3A_81, %dma_start3A_88] : memref<8x256xi32, #tpu.memory_space<vmem>> -> memref<1x4xi32, #tpu.memory_space<vmem>>
    %dma_start3A_90 = tpu.memref_squeeze %dma_start3A_89 : memref<1x4xi32, #tpu.memory_space<vmem>> -> memref<4xi32, #tpu.memory_space<vmem>>
    %dma_start3A_91 = arith.constant 0 : i32
    %dma_start3A_92 = arith.constant 0 : i32
    %dma_start3A_93 = tpu.memref_slice %arg3[%dma_start3A_91, %dma_start3A_92] : memref<8192x1024xf32, #tpu.memory_space<hbm>> -> memref<8192x1024xf32, #tpu.memory_space<hbm>>
    tpu.enqueue_indirect_dma source(%dma_start3A_93 : memref<8192x1024xf32, #tpu.memory_space<hbm>>) target(%dma_start3A_87 : memref<4x1024xf32, #tpu.memory_space<vmem>>) offsets(%dma_start3A_90 : memref<4xi32, #tpu.memory_space<vmem>>) semaphore(%arg9 : memref<!tpu.dma_semaphore, #tpu.memory_space<semaphore_mem>>)
    %dma_start3A_94 = arith.constant 3 : i32
    %dma_start3A_95 = arith.constant 0 : i32
    %dma_start3A_96 = arith.constant 3 : i32
    %dma_start3A_97 = arith.constant 0 : i32
    %dma_start3A_98 = arith.constant 0 : i32
    %dma_start3A_99 = tpu.memref_slice %arg7[%dma_start3A_95, %dma_start3A_96, %dma_start3A_97, %dma_start3A_98] : memref<3x8x4x1024xf32, #tpu.memory_space<vmem>> -> memref<1x1x4x1024xf32, #tpu.memory_space<vmem>>
    %dma_start3A_100 = tpu.memref_squeeze %dma_start3A_99 : memref<1x1x4x1024xf32, #tpu.memory_space<vmem>> -> memref<4x1024xf32, #tpu.memory_space<vmem>>
    %dma_start3A_101 = arith.constant 0 : i32
    %dma_start3A_102 = tpu.memref_slice %arg6[%dma_start3A_94, %dma_start3A_101] : memref<8x256xi32, #tpu.memory_space<vmem>> -> memref<1x4xi32, #tpu.memory_space<vmem>>
    %dma_start3A_103 = tpu.memref_squeeze %dma_start3A_102 : memref<1x4xi32, #tpu.memory_space<vmem>> -> memref<4xi32, #tpu.memory_space<vmem>>
    %dma_start3A_104 = arith.constant 0 : i32
    %dma_start3A_105 = arith.constant 0 : i32
    %dma_start3A_106 = tpu.memref_slice %arg3[%dma_start3A_104, %dma_start3A_105] : memref<8192x1024xf32, #tpu.memory_space<hbm>> -> memref<8192x1024xf32, #tpu.memory_space<hbm>>
    tpu.enqueue_indirect_dma source(%dma_start3A_106 : memref<8192x1024xf32, #tpu.memory_space<hbm>>) target(%dma_start3A_100 : memref<4x1024xf32, #tpu.memory_space<vmem>>) offsets(%dma_start3A_103 : memref<4xi32, #tpu.memory_space<vmem>>) semaphore(%arg9 : memref<!tpu.dma_semaphore, #tpu.memory_space<semaphore_mem>>)
    %dma_start3A_107 = arith.constant 4 : i32
    %dma_start3A_108 = arith.constant 0 : i32
    %dma_start3A_109 = arith.constant 4 : i32
    %dma_start3A_110 = arith.constant 0 : i32
    %dma_start3A_111 = arith.constant 0 : i32
    %dma_start3A_112 = tpu.memref_slice %arg7[%dma_start3A_108, %dma_start3A_109, %dma_start3A_110, %dma_start3A_111] : memref<3x8x4x1024xf32, #tpu.memory_space<vmem>> -> memref<1x1x4x1024xf32, #tpu.memory_space<vmem>>
    %dma_start3A_113 = tpu.memref_squeeze %dma_start3A_112 : memref<1x1x4x1024xf32, #tpu.memory_space<vmem>> -> memref<4x1024xf32, #tpu.memory_space<vmem>>
    %dma_start3A_114 = arith.constant 0 : i32
    %dma_start3A_115 = tpu.memref_slice %arg6[%dma_start3A_107, %dma_start3A_114] : memref<8x256xi32, #tpu.memory_space<vmem>> -> memref<1x4xi32, #tpu.memory_space<vmem>>
    %dma_start3A_116 = tpu.memref_squeeze %dma_start3A_115 : memref<1x4xi32, #tpu.memory_space<vmem>> -> memref<4xi32, #tpu.memory_space<vmem>>
    %dma_start3A_117 = arith.constant 0 : i32
    %dma_start3A_118 = arith.constant 0 : i32
    %dma_start3A_119 = tpu.memref_slice %arg3[%dma_start3A_117, %dma_start3A_118] : memref<8192x1024xf32, #tpu.memory_space<hbm>> -> memref<8192x1024xf32, #tpu.memory_space<hbm>>
    tpu.enqueue_indirect_dma source(%dma_start3A_119 : memref<8192x1024xf32, #tpu.memory_space<hbm>>) target(%dma_start3A_113 : memref<4x1024xf32, #tpu.memory_space<vmem>>) offsets(%dma_start3A_116 : memref<4xi32, #tpu.memory_space<vmem>>) semaphore(%arg9 : memref<!tpu.dma_semaphore, #tpu.memory_space<semaphore_mem>>)
    %dma_start3A_120 = arith.constant 5 : i32
    %dma_start3A_121 = arith.constant 0 : i32
    %dma_start3A_122 = arith.constant 5 : i32
    %dma_start3A_123 = arith.constant 0 : i32
    %dma_start3A_124 = arith.constant 0 : i32
    %dma_start3A_125 = tpu.memref_slice %arg7[%dma_start3A_121, %dma_start3A_122, %dma_start3A_123, %dma_start3A_124] : memref<3x8x4x1024xf32, #tpu.memory_space<vmem>> -> memref<1x1x4x1024xf32, #tpu.memory_space<vmem>>
    %dma_start3A_126 = tpu.memref_squeeze %dma_start3A_125 : memref<1x1x4x1024xf32, #tpu.memory_space<vmem>> -> memref<4x1024xf32, #tpu.memory_space<vmem>>
    %dma_start3A_127 = arith.constant 0 : i32
    %dma_start3A_128 = tpu.memref_slice %arg6[%dma_start3A_120, %dma_start3A_127] : memref<8x256xi32, #tpu.memory_space<vmem>> -> memref<1x4xi32, #tpu.memory_space<vmem>>
    %dma_start3A_129 = tpu.memref_squeeze %dma_start3A_128 : memref<1x4xi32, #tpu.memory_space<vmem>> -> memref<4xi32, #tpu.memory_space<vmem>>
    %dma_start3A_130 = arith.constant 0 : i32
    %dma_start3A_131 = arith.constant 0 : i32
    %dma_start3A_132 = tpu.memref_slice %arg3[%dma_start3A_130, %dma_start3A_131] : memref<8192x1024xf32, #tpu.memory_space<hbm>> -> memref<8192x1024xf32, #tpu.memory_space<hbm>>
    tpu.enqueue_indirect_dma source(%dma_start3A_132 : memref<8192x1024xf32, #tpu.memory_space<hbm>>) target(%dma_start3A_126 : memref<4x1024xf32, #tpu.memory_space<vmem>>) offsets(%dma_start3A_129 : memref<4xi32, #tpu.memory_space<vmem>>) semaphore(%arg9 : memref<!tpu.dma_semaphore, #tpu.memory_space<semaphore_mem>>)
    %dma_start3A_133 = arith.constant 6 : i32
    %dma_start3A_134 = arith.constant 0 : i32
    %dma_start3A_135 = arith.constant 6 : i32
    %dma_start3A_136 = arith.constant 0 : i32
    %dma_start3A_137 = arith.constant 0 : i32
    %dma_start3A_138 = tpu.memref_slice %arg7[%dma_start3A_134, %dma_start3A_135, %dma_start3A_136, %dma_start3A_137] : memref<3x8x4x1024xf32, #tpu.memory_space<vmem>> -> memref<1x1x4x1024xf32, #tpu.memory_space<vmem>>
    %dma_start3A_139 = tpu.memref_squeeze %dma_start3A_138 : memref<1x1x4x1024xf32, #tpu.memory_space<vmem>> -> memref<4x1024xf32, #tpu.memory_space<vmem>>
    %dma_start3A_140 = arith.constant 0 : i32
    %dma_start3A_141 = tpu.memref_slice %arg6[%dma_start3A_133, %dma_start3A_140] : memref<8x256xi32, #tpu.memory_space<vmem>> -> memref<1x4xi32, #tpu.memory_space<vmem>>
    %dma_start3A_142 = tpu.memref_squeeze %dma_start3A_141 : memref<1x4xi32, #tpu.memory_space<vmem>> -> memref<4xi32, #tpu.memory_space<vmem>>
    %dma_start3A_143 = arith.constant 0 : i32
    %dma_start3A_144 = arith.constant 0 : i32
    %dma_start3A_145 = tpu.memref_slice %arg3[%dma_start3A_143, %dma_start3A_144] : memref<8192x1024xf32, #tpu.memory_space<hbm>> -> memref<8192x1024xf32, #tpu.memory_space<hbm>>
    tpu.enqueue_indirect_dma source(%dma_start3A_145 : memref<8192x1024xf32, #tpu.memory_space<hbm>>) target(%dma_start3A_139 : memref<4x1024xf32, #tpu.memory_space<vmem>>) offsets(%dma_start3A_142 : memref<4xi32, #tpu.memory_space<vmem>>) semaphore(%arg9 : memref<!tpu.dma_semaphore, #tpu.memory_space<semaphore_mem>>)
    %dma_start3A_146 = arith.constant 7 : i32
    %dma_start3A_147 = arith.constant 0 : i32
    %dma_start3A_148 = arith.constant 7 : i32
    %dma_start3A_149 = arith.constant 0 : i32
    %dma_start3A_150 = arith.constant 0 : i32
    %dma_start3A_151 = tpu.memref_slice %arg7[%dma_start3A_147, %dma_start3A_148, %dma_start3A_149, %dma_start3A_150] : memref<3x8x4x1024xf32, #tpu.memory_space<vmem>> -> memref<1x1x4x1024xf32, #tpu.memory_space<vmem>>
    %dma_start3A_152 = tpu.memref_squeeze %dma_start3A_151 : memref<1x1x4x1024xf32, #tpu.memory_space<vmem>> -> memref<4x1024xf32, #tpu.memory_space<vmem>>
    %dma_start3A_153 = arith.constant 0 : i32
    %dma_start3A_154 = tpu.memref_slice %arg6[%dma_start3A_146, %dma_start3A_153] : memref<8x256xi32, #tpu.memory_space<vmem>> -> memref<1x4xi32, #tpu.memory_space<vmem>>
    %dma_start3A_155 = tpu.memref_squeeze %dma_start3A_154 : memref<1x4xi32, #tpu.memory_space<vmem>> -> memref<4xi32, #tpu.memory_space<vmem>>
    %dma_start3A_156 = arith.constant 0 : i32
    %dma_start3A_157 = arith.constant 0 : i32
    %dma_start3A_158 = tpu.memref_slice %arg3[%dma_start3A_156, %dma_start3A_157] : memref<8192x1024xf32, #tpu.memory_space<hbm>> -> memref<8192x1024xf32, #tpu.memory_space<hbm>>
    tpu.enqueue_indirect_dma source(%dma_start3A_158 : memref<8192x1024xf32, #tpu.memory_space<hbm>>) target(%dma_start3A_152 : memref<4x1024xf32, #tpu.memory_space<vmem>>) offsets(%dma_start3A_155 : memref<4xi32, #tpu.memory_space<vmem>>) semaphore(%arg9 : memref<!tpu.dma_semaphore, #tpu.memory_space<semaphore_mem>>)
    %dma_start3A_159 = arith.constant 0 : i32
    %dma_start3A_160 = arith.constant 1 : i32
    %dma_start3A_161 = arith.constant 0 : i32
    %dma_start3A_162 = arith.constant 0 : i32
    %dma_start3A_163 = arith.constant 0 : i32
    %dma_start3A_164 = tpu.memref_slice %arg7[%dma_start3A_160, %dma_start3A_161, %dma_start3A_162, %dma_start3A_163] : memref<3x8x4x1024xf32, #tpu.memory_space<vmem>> -> memref<1x1x4x1024xf32, #tpu.memory_space<vmem>>
    %dma_start3A_165 = tpu.memref_squeeze %dma_start3A_164 : memref<1x1x4x1024xf32, #tpu.memory_space<vmem>> -> memref<4x1024xf32, #tpu.memory_space<vmem>>
    %dma_start3A_166 = arith.constant 4 : i32
    %dma_start3A_167 = tpu.memref_slice %arg6[%dma_start3A_159, %dma_start3A_166] : memref<8x256xi32, #tpu.memory_space<vmem>> -> memref<1x4xi32, #tpu.memory_space<vmem>>
    %dma_start3A_168 = tpu.memref_squeeze %dma_start3A_167 : memref<1x4xi32, #tpu.memory_space<vmem>> -> memref<4xi32, #tpu.memory_space<vmem>>
    %dma_start3A_169 = arith.constant 0 : i32
    %dma_start3A_170 = arith.constant 0 : i32
    %dma_start3A_171 = tpu.memref_slice %arg3[%dma_start3A_169, %dma_start3A_170] : memref<8192x1024xf32, #tpu.memory_space<hbm>> -> memref<8192x1024xf32, #tpu.memory_space<hbm>>
    tpu.enqueue_indirect_dma source(%dma_start3A_171 : memref<8192x1024xf32, #tpu.memory_space<hbm>>) target(%dma_start3A_165 : memref<4x1024xf32, #tpu.memory_space<vmem>>) offsets(%dma_start3A_168 : memref<4xi32, #tpu.memory_space<vmem>>) semaphore(%arg10 : memref<!tpu.dma_semaphore, #tpu.memory_space<semaphore_mem>>)
    %dma_start3A_172 = arith.constant 1 : i32
    %dma_start3A_173 = arith.constant 1 : i32
    %dma_start3A_174 = arith.constant 1 : i32
    %dma_start3A_175 = arith.constant 0 : i32
    %dma_start3A_176 = arith.constant 0 : i32
    %dma_start3A_177 = tpu.memref_slice %arg7[%dma_start3A_173, %dma_start3A_174, %dma_start3A_175, %dma_start3A_176] : memref<3x8x4x1024xf32, #tpu.memory_space<vmem>> -> memref<1x1x4x1024xf32, #tpu.memory_space<vmem>>
    %dma_start3A_178 = tpu.memref_squeeze %dma_start3A_177 : memref<1x1x4x1024xf32, #tpu.memory_space<vmem>> -> memref<4x1024xf32, #tpu.memory_space<vmem>>
    %dma_start3A_179 = arith.constant 4 : i32
    %dma_start3A_180 = tpu.memref_slice %arg6[%dma_start3A_172, %dma_start3A_179] : memref<8x256xi32, #tpu.memory_space<vmem>> -> memref<1x4xi32, #tpu.memory_space<vmem>>
    %dma_start3A_181 = tpu.memref_squeeze %dma_start3A_180 : memref<1x4xi32, #tpu.memory_space<vmem>> -> memref<4xi32, #tpu.memory_space<vmem>>
    %dma_start3A_182 = arith.constant 0 : i32
    %dma_start3A_183 = arith.constant 0 : i32
    %dma_start3A_184 = tpu.memref_slice %arg3[%dma_start3A_182, %dma_start3A_183] : memref<8192x1024xf32, #tpu.memory_space<hbm>> -> memref<8192x1024xf32, #tpu.memory_space<hbm>>
    tpu.enqueue_indirect_dma source(%dma_start3A_184 : memref<8192x1024xf32, #tpu.memory_space<hbm>>) target(%dma_start3A_178 : memref<4x1024xf32, #tpu.memory_space<vmem>>) offsets(%dma_start3A_181 : memref<4xi32, #tpu.memory_space<vmem>>) semaphore(%arg10 : memref<!tpu.dma_semaphore, #tpu.memory_space<semaphore_mem>>)
    %dma_start3A_185 = arith.constant 2 : i32
    %dma_start3A_186 = arith.constant 1 : i32
    %dma_start3A_187 = arith.constant 2 : i32
    %dma_start3A_188 = arith.constant 0 : i32
    %dma_start3A_189 = arith.constant 0 : i32
    %dma_start3A_190 = tpu.memref_slice %arg7[%dma_start3A_186, %dma_start3A_187, %dma_start3A_188, %dma_start3A_189] : memref<3x8x4x1024xf32, #tpu.memory_space<vmem>> -> memref<1x1x4x1024xf32, #tpu.memory_space<vmem>>
    %dma_start3A_191 = tpu.memref_squeeze %dma_start3A_190 : memref<1x1x4x1024xf32, #tpu.memory_space<vmem>> -> memref<4x1024xf32, #tpu.memory_space<vmem>>
    %dma_start3A_192 = arith.constant 4 : i32
    %dma_start3A_193 = tpu.memref_slice %arg6[%dma_start3A_185, %dma_start3A_192] : memref<8x256xi32, #tpu.memory_space<vmem>> -> memref<1x4xi32, #tpu.memory_space<vmem>>
    %dma_start3A_194 = tpu.memref_squeeze %dma_start3A_193 : memref<1x4xi32, #tpu.memory_space<vmem>> -> memref<4xi32, #tpu.memory_space<vmem>>
    %dma_start3A_195 = arith.constant 0 : i32
    %dma_start3A_196 = arith.constant 0 : i32
    %dma_start3A_197 = tpu.memref_slice %arg3[%dma_start3A_195, %dma_start3A_196] : memref<8192x1024xf32, #tpu.memory_space<hbm>> -> memref<8192x1024xf32, #tpu.memory_space<hbm>>
    tpu.enqueue_indirect_dma source(%dma_start3A_197 : memref<8192x1024xf32, #tpu.memory_space<hbm>>) target(%dma_start3A_191 : memref<4x1024xf32, #tpu.memory_space<vmem>>) offsets(%dma_start3A_194 : memref<4xi32, #tpu.memory_space<vmem>>) semaphore(%arg10 : memref<!tpu.dma_semaphore, #tpu.memory_space<semaphore_mem>>)
    %dma_start3A_198 = arith.constant 3 : i32
    %dma_start3A_199 = arith.constant 1 : i32
    %dma_start3A_200 = arith.constant 3 : i32
    %dma_start3A_201 = arith.constant 0 : i32
    %dma_start3A_202 = arith.constant 0 : i32
    %dma_start3A_203 = tpu.memref_slice %arg7[%dma_start3A_199, %dma_start3A_200, %dma_start3A_201, %dma_start3A_202] : memref<3x8x4x1024xf32, #tpu.memory_space<vmem>> -> memref<1x1x4x1024xf32, #tpu.memory_space<vmem>>
    %dma_start3A_204 = tpu.memref_squeeze %dma_start3A_203 : memref<1x1x4x1024xf32, #tpu.memory_space<vmem>> -> memref<4x1024xf32, #tpu.memory_space<vmem>>
    %dma_start3A_205 = arith.constant 4 : i32
    %dma_start3A_206 = tpu.memref_slice %arg6[%dma_start3A_198, %dma_start3A_205] : memref<8x256xi32, #tpu.memory_space<vmem>> -> memref<1x4xi32, #tpu.memory_space<vmem>>
    %dma_start3A_207 = tpu.memref_squeeze %dma_start3A_206 : memref<1x4xi32, #tpu.memory_space<vmem>> -> memref<4xi32, #tpu.memory_space<vmem>>
    %dma_start3A_208 = arith.constant 0 : i32
    %dma_start3A_209 = arith.constant 0 : i32
    %dma_start3A_210 = tpu.memref_slice %arg3[%dma_start3A_208, %dma_start3A_209] : memref<8192x1024xf32, #tpu.memory_space<hbm>> -> memref<8192x1024xf32, #tpu.memory_space<hbm>>
    tpu.enqueue_indirect_dma source(%dma_start3A_210 : memref<8192x1024xf32, #tpu.memory_space<hbm>>) target(%dma_start3A_204 : memref<4x1024xf32, #tpu.memory_space<vmem>>) offsets(%dma_start3A_207 : memref<4xi32, #tpu.memory_space<vmem>>) semaphore(%arg10 : memref<!tpu.dma_semaphore, #tpu.memory_space<semaphore_mem>>)
    %dma_start3A_211 = arith.constant 4 : i32
    %dma_start3A_212 = arith.constant 1 : i32
    %dma_start3A_213 = arith.constant 4 : i32
    %dma_start3A_214 = arith.constant 0 : i32
    %dma_start3A_215 = arith.constant 0 : i32
    %dma_start3A_216 = tpu.memref_slice %arg7[%dma_start3A_212, %dma_start3A_213, %dma_start3A_214, %dma_start3A_215] : memref<3x8x4x1024xf32, #tpu.memory_space<vmem>> -> memref<1x1x4x1024xf32, #tpu.memory_space<vmem>>
    %dma_start3A_217 = tpu.memref_squeeze %dma_start3A_216 : memref<1x1x4x1024xf32, #tpu.memory_space<vmem>> -> memref<4x1024xf32, #tpu.memory_space<vmem>>
    %dma_start3A_218 = arith.constant 4 : i32
    %dma_start3A_219 = tpu.memref_slice %arg6[%dma_start3A_211, %dma_start3A_218] : memref<8x256xi32, #tpu.memory_space<vmem>> -> memref<1x4xi32, #tpu.memory_space<vmem>>
    %dma_start3A_220 = tpu.memref_squeeze %dma_start3A_219 : memref<1x4xi32, #tpu.memory_space<vmem>> -> memref<4xi32, #tpu.memory_space<vmem>>
    %dma_start3A_221 = arith.constant 0 : i32
    %dma_start3A_222 = arith.constant 0 : i32
    %dma_start3A_223 = tpu.memref_slice %arg3[%dma_start3A_221, %dma_start3A_222] : memref<8192x1024xf32, #tpu.memory_space<hbm>> -> memref<8192x1024xf32, #tpu.memory_space<hbm>>
    tpu.enqueue_indirect_dma source(%dma_start3A_223 : memref<8192x1024xf32, #tpu.memory_space<hbm>>) target(%dma_start3A_217 : memref<4x1024xf32, #tpu.memory_space<vmem>>) offsets(%dma_start3A_220 : memref<4xi32, #tpu.memory_space<vmem>>) semaphore(%arg10 : memref<!tpu.dma_semaphore, #tpu.memory_space<semaphore_mem>>)
    %dma_start3A_224 = arith.constant 5 : i32
    %dma_start3A_225 = arith.constant 1 : i32
    %dma_start3A_226 = arith.constant 5 : i32
    %dma_start3A_227 = arith.constant 0 : i32
    %dma_start3A_228 = arith.constant 0 : i32
    %dma_start3A_229 = tpu.memref_slice %arg7[%dma_start3A_225, %dma_start3A_226, %dma_start3A_227, %dma_start3A_228] : memref<3x8x4x1024xf32, #tpu.memory_space<vmem>> -> memref<1x1x4x1024xf32, #tpu.memory_space<vmem>>
    %dma_start3A_230 = tpu.memref_squeeze %dma_start3A_229 : memref<1x1x4x1024xf32, #tpu.memory_space<vmem>> -> memref<4x1024xf32, #tpu.memory_space<vmem>>
    %dma_start3A_231 = arith.constant 4 : i32
    %dma_start3A_232 = tpu.memref_slice %arg6[%dma_start3A_224, %dma_start3A_231] : memref<8x256xi32, #tpu.memory_space<vmem>> -> memref<1x4xi32, #tpu.memory_space<vmem>>
    %dma_start3A_233 = tpu.memref_squeeze %dma_start3A_232 : memref<1x4xi32, #tpu.memory_space<vmem>> -> memref<4xi32, #tpu.memory_space<vmem>>
    %dma_start3A_234 = arith.constant 0 : i32
    %dma_start3A_235 = arith.constant 0 : i32
    %dma_start3A_236 = tpu.memref_slice %arg3[%dma_start3A_234, %dma_start3A_235] : memref<8192x1024xf32, #tpu.memory_space<hbm>> -> memref<8192x1024xf32, #tpu.memory_space<hbm>>
    tpu.enqueue_indirect_dma source(%dma_start3A_236 : memref<8192x1024xf32, #tpu.memory_space<hbm>>) target(%dma_start3A_230 : memref<4x1024xf32, #tpu.memory_space<vmem>>) offsets(%dma_start3A_233 : memref<4xi32, #tpu.memory_space<vmem>>) semaphore(%arg10 : memref<!tpu.dma_semaphore, #tpu.memory_space<semaphore_mem>>)
    %dma_start3A_237 = arith.constant 6 : i32
    %dma_start3A_238 = arith.constant 1 : i32
    %dma_start3A_239 = arith.constant 6 : i32
    %dma_start3A_240 = arith.constant 0 : i32
    %dma_start3A_241 = arith.constant 0 : i32
    %dma_start3A_242 = tpu.memref_slice %arg7[%dma_start3A_238, %dma_start3A_239, %dma_start3A_240, %dma_start3A_241] : memref<3x8x4x1024xf32, #tpu.memory_space<vmem>> -> memref<1x1x4x1024xf32, #tpu.memory_space<vmem>>
    %dma_start3A_243 = tpu.memref_squeeze %dma_start3A_242 : memref<1x1x4x1024xf32, #tpu.memory_space<vmem>> -> memref<4x1024xf32, #tpu.memory_space<vmem>>
    %dma_start3A_244 = arith.constant 4 : i32
    %dma_start3A_245 = tpu.memref_slice %arg6[%dma_start3A_237, %dma_start3A_244] : memref<8x256xi32, #tpu.memory_space<vmem>> -> memref<1x4xi32, #tpu.memory_space<vmem>>
    %dma_start3A_246 = tpu.memref_squeeze %dma_start3A_245 : memref<1x4xi32, #tpu.memory_space<vmem>> -> memref<4xi32, #tpu.memory_space<vmem>>
    %dma_start3A_247 = arith.constant 0 : i32
    %dma_start3A_248 = arith.constant 0 : i32
    %dma_start3A_249 = tpu.memref_slice %arg3[%dma_start3A_247, %dma_start3A_248] : memref<8192x1024xf32, #tpu.memory_space<hbm>> -> memref<8192x1024xf32, #tpu.memory_space<hbm>>
    tpu.enqueue_indirect_dma source(%dma_start3A_249 : memref<8192x1024xf32, #tpu.memory_space<hbm>>) target(%dma_start3A_243 : memref<4x1024xf32, #tpu.memory_space<vmem>>) offsets(%dma_start3A_246 : memref<4xi32, #tpu.memory_space<vmem>>) semaphore(%arg10 : memref<!tpu.dma_semaphore, #tpu.memory_space<semaphore_mem>>)
    %dma_start3A_250 = arith.constant 7 : i32
    %dma_start3A_251 = arith.constant 1 : i32
    %dma_start3A_252 = arith.constant 7 : i32
    %dma_start3A_253 = arith.constant 0 : i32
    %dma_start3A_254 = arith.constant 0 : i32
    %dma_start3A_255 = tpu.memref_slice %arg7[%dma_start3A_251, %dma_start3A_252, %dma_start3A_253, %dma_start3A_254] : memref<3x8x4x1024xf32, #tpu.memory_space<vmem>> -> memref<1x1x4x1024xf32, #tpu.memory_space<vmem>>
    %dma_start3A_256 = tpu.memref_squeeze %dma_start3A_255 : memref<1x1x4x1024xf32, #tpu.memory_space<vmem>> -> memref<4x1024xf32, #tpu.memory_space<vmem>>
    %dma_start3A_257 = arith.constant 4 : i32
    %dma_start3A_258 = tpu.memref_slice %arg6[%dma_start3A_250, %dma_start3A_257] : memref<8x256xi32, #tpu.memory_space<vmem>> -> memref<1x4xi32, #tpu.memory_space<vmem>>
    %dma_start3A_259 = tpu.memref_squeeze %dma_start3A_258 : memref<1x4xi32, #tpu.memory_space<vmem>> -> memref<4xi32, #tpu.memory_space<vmem>>
    %dma_start3A_260 = arith.constant 0 : i32
    %dma_start3A_261 = arith.constant 0 : i32
    %dma_start3A_262 = tpu.memref_slice %arg3[%dma_start3A_260, %dma_start3A_261] : memref<8192x1024xf32, #tpu.memory_space<hbm>> -> memref<8192x1024xf32, #tpu.memory_space<hbm>>
    tpu.enqueue_indirect_dma source(%dma_start3A_262 : memref<8192x1024xf32, #tpu.memory_space<hbm>>) target(%dma_start3A_256 : memref<4x1024xf32, #tpu.memory_space<vmem>>) offsets(%dma_start3A_259 : memref<4xi32, #tpu.memory_space<vmem>>) semaphore(%arg10 : memref<!tpu.dma_semaphore, #tpu.memory_space<semaphore_mem>>)
    %scan3A_263 = arith.constant 0 : i32
    %scan3A_264 = arith.constant 0 : i32
    %scan3A_265 = arith.constant 64 : i32
    %scan3A_266 = arith.addi %scan3A_264, %scan3A_265 : i32
    %scan3A_267 = arith.constant 1 : i32
    %scan3A_268 = scf.for %scan3A_291 = %scan3A_264 to %scan3A_266 step %scan3A_267 iter_args(%scan3A_292 = %scan3A_263) -> (i32)  : i32 {
      %jit3A_293 = arith.constant 3 : i32
      %eq3A_294 = arith.constant 0 : i32
      %eq3A_295 = arith.cmpi eq, %jit3A_293, %eq3A_294 : i32
      %jit3A_296 = arith.constant 1 : i32
      %select_n3A_297 = arith.select %eq3A_295, %jit3A_296, %jit3A_293 : i32
      %rem3A_298 = arith.remsi %scan3A_291, %select_n3A_297 : i32
      %ne3A_299 = arith.constant 0 : i32
      %ne3A_300 = arith.cmpi ne, %rem3A_298, %ne3A_299 : i32
      %lt3A_301 = arith.constant 0 : i32
      %lt3A_302 = arith.cmpi slt, %rem3A_298, %lt3A_301 : i32
      %lt3A_303 = arith.constant 0 : i32
      %lt3A_304 = arith.cmpi slt, %select_n3A_297, %lt3A_303 : i32
      %ne3A_305 = arith.xori %lt3A_302, %lt3A_304 : i1
      %and3A_306 = arith.andi %ne3A_305, %ne3A_300 : i1
      %add3A_307 = arith.addi %rem3A_298, %select_n3A_297 : i32
      %select_n3A_308 = arith.select %and3A_306, %add3A_307, %rem3A_298 : i32
      %eq3A_309 = arith.constant 0 : i32
      %eq3A_310 = arith.cmpi eq, %select_n3A_308, %eq3A_309 : i32
      %convert_element_type3A = arith.extui %eq3A_310 : i1 to i32
      %cond3A = arith.constant 0 : i32
      %cond3A_311 = arith.cmpi ne, %convert_element_type3A, %cond3A : i32
      scf.if %cond3A_311 {
        %add3A_355 = arith.constant 2 : i32
        %add3A_356 = arith.addi %scan3A_291, %add3A_355 : i32
        %min3A = arith.constant 63 : i32
        %min3A_357 = arith.minsi %add3A_356, %min3A : i32
        %mul3A_358 = arith.constant 4 : i32
        %mul3A_359 = arith.muli %min3A_357, %mul3A_358 : i32
        %dma_start3A_360 = arith.constant 0 : i32
        %dma_start3A_361 = arith.constant 2 : i32
        %dma_start3A_362 = arith.constant 0 : i32
        %dma_start3A_363 = arith.constant 0 : i32
        %dma_start3A_364 = arith.constant 0 : i32
        %dma_start3A_365 = tpu.memref_slice %arg7[%dma_start3A_361, %dma_start3A_362, %dma_start3A_363, %dma_start3A_364] : memref<3x8x4x1024xf32, #tpu.memory_space<vmem>> -> memref<1x1x4x1024xf32, #tpu.memory_space<vmem>>
        %dma_start3A_366 = tpu.memref_squeeze %dma_start3A_365 : memref<1x1x4x1024xf32, #tpu.memory_space<vmem>> -> memref<4x1024xf32, #tpu.memory_space<vmem>>
        %dma_start3A_367 = tpu.memref_slice %arg6[%dma_start3A_360, %mul3A_359] : memref<8x256xi32, #tpu.memory_space<vmem>> -> memref<1x4xi32, #tpu.memory_space<vmem>>
        %dma_start3A_368 = tpu.memref_squeeze %dma_start3A_367 : memref<1x4xi32, #tpu.memory_space<vmem>> -> memref<4xi32, #tpu.memory_space<vmem>>
        %dma_start3A_369 = arith.constant 0 : i32
        %dma_start3A_370 = arith.constant 0 : i32
        %dma_start3A_371 = tpu.memref_slice %arg3[%dma_start3A_369, %dma_start3A_370] : memref<8192x1024xf32, #tpu.memory_space<hbm>> -> memref<8192x1024xf32, #tpu.memory_space<hbm>>
        tpu.enqueue_indirect_dma source(%dma_start3A_371 : memref<8192x1024xf32, #tpu.memory_space<hbm>>) target(%dma_start3A_366 : memref<4x1024xf32, #tpu.memory_space<vmem>>) offsets(%dma_start3A_368 : memref<4xi32, #tpu.memory_space<vmem>>) semaphore(%arg11 : memref<!tpu.dma_semaphore, #tpu.memory_space<semaphore_mem>>)
        %mul3A_372 = arith.constant 4 : i32
        %mul3A_373 = arith.muli %min3A_357, %mul3A_372 : i32
        %dma_start3A_374 = arith.constant 1 : i32
        %dma_start3A_375 = arith.constant 2 : i32
        %dma_start3A_376 = arith.constant 1 : i32
        %dma_start3A_377 = arith.constant 0 : i32
        %dma_start3A_378 = arith.constant 0 : i32
        %dma_start3A_379 = tpu.memref_slice %arg7[%dma_start3A_375, %dma_start3A_376, %dma_start3A_377, %dma_start3A_378] : memref<3x8x4x1024xf32, #tpu.memory_space<vmem>> -> memref<1x1x4x1024xf32, #tpu.memory_space<vmem>>
        %dma_start3A_380 = tpu.memref_squeeze %dma_start3A_379 : memref<1x1x4x1024xf32, #tpu.memory_space<vmem>> -> memref<4x1024xf32, #tpu.memory_space<vmem>>
        %dma_start3A_381 = tpu.memref_slice %arg6[%dma_start3A_374, %mul3A_373] : memref<8x256xi32, #tpu.memory_space<vmem>> -> memref<1x4xi32, #tpu.memory_space<vmem>>
        %dma_start3A_382 = tpu.memref_squeeze %dma_start3A_381 : memref<1x4xi32, #tpu.memory_space<vmem>> -> memref<4xi32, #tpu.memory_space<vmem>>
        %dma_start3A_383 = arith.constant 0 : i32
        %dma_start3A_384 = arith.constant 0 : i32
        %dma_start3A_385 = tpu.memref_slice %arg3[%dma_start3A_383, %dma_start3A_384] : memref<8192x1024xf32, #tpu.memory_space<hbm>> -> memref<8192x1024xf32, #tpu.memory_space<hbm>>
        tpu.enqueue_indirect_dma source(%dma_start3A_385 : memref<8192x1024xf32, #tpu.memory_space<hbm>>) target(%dma_start3A_380 : memref<4x1024xf32, #tpu.memory_space<vmem>>) offsets(%dma_start3A_382 : memref<4xi32, #tpu.memory_space<vmem>>) semaphore(%arg11 : memref<!tpu.dma_semaphore, #tpu.memory_space<semaphore_mem>>)
        %mul3A_386 = arith.constant 4 : i32
        %mul3A_387 = arith.muli %min3A_357, %mul3A_386 : i32
        %dma_start3A_388 = arith.constant 2 : i32
        %dma_start3A_389 = arith.constant 2 : i32
        %dma_start3A_390 = arith.constant 2 : i32
        %dma_start3A_391 = arith.constant 0 : i32
        %dma_start3A_392 = arith.constant 0 : i32
        %dma_start3A_393 = tpu.memref_slice %arg7[%dma_start3A_389, %dma_start3A_390, %dma_start3A_391, %dma_start3A_392] : memref<3x8x4x1024xf32, #tpu.memory_space<vmem>> -> memref<1x1x4x1024xf32, #tpu.memory_space<vmem>>
        %dma_start3A_394 = tpu.memref_squeeze %dma_start3A_393 : memref<1x1x4x1024xf32, #tpu.memory_space<vmem>> -> memref<4x1024xf32, #tpu.memory_space<vmem>>
        %dma_start3A_395 = tpu.memref_slice %arg6[%dma_start3A_388, %mul3A_387] : memref<8x256xi32, #tpu.memory_space<vmem>> -> memref<1x4xi32, #tpu.memory_space<vmem>>
        %dma_start3A_396 = tpu.memref_squeeze %dma_start3A_395 : memref<1x4xi32, #tpu.memory_space<vmem>> -> memref<4xi32, #tpu.memory_space<vmem>>
        %dma_start3A_397 = arith.constant 0 : i32
        %dma_start3A_398 = arith.constant 0 : i32
        %dma_start3A_399 = tpu.memref_slice %arg3[%dma_start3A_397, %dma_start3A_398] : memref<8192x1024xf32, #tpu.memory_space<hbm>> -> memref<8192x1024xf32, #tpu.memory_space<hbm>>
        tpu.enqueue_indirect_dma source(%dma_start3A_399 : memref<8192x1024xf32, #tpu.memory_space<hbm>>) target(%dma_start3A_394 : memref<4x1024xf32, #tpu.memory_space<vmem>>) offsets(%dma_start3A_396 : memref<4xi32, #tpu.memory_space<vmem>>) semaphore(%arg11 : memref<!tpu.dma_semaphore, #tpu.memory_space<semaphore_mem>>)
        %mul3A_400 = arith.constant 4 : i32
        %mul3A_401 = arith.muli %min3A_357, %mul3A_400 : i32
        %dma_start3A_402 = arith.constant 3 : i32
        %dma_start3A_403 = arith.constant 2 : i32
        %dma_start3A_404 = arith.constant 3 : i32
        %dma_start3A_405 = arith.constant 0 : i32
        %dma_start3A_406 = arith.constant 0 : i32
        %dma_start3A_407 = tpu.memref_slice %arg7[%dma_start3A_403, %dma_start3A_404, %dma_start3A_405, %dma_start3A_406] : memref<3x8x4x1024xf32, #tpu.memory_space<vmem>> -> memref<1x1x4x1024xf32, #tpu.memory_space<vmem>>
        %dma_start3A_408 = tpu.memref_squeeze %dma_start3A_407 : memref<1x1x4x1024xf32, #tpu.memory_space<vmem>> -> memref<4x1024xf32, #tpu.memory_space<vmem>>
        %dma_start3A_409 = tpu.memref_slice %arg6[%dma_start3A_402, %mul3A_401] : memref<8x256xi32, #tpu.memory_space<vmem>> -> memref<1x4xi32, #tpu.memory_space<vmem>>
        %dma_start3A_410 = tpu.memref_squeeze %dma_start3A_409 : memref<1x4xi32, #tpu.memory_space<vmem>> -> memref<4xi32, #tpu.memory_space<vmem>>
        %dma_start3A_411 = arith.constant 0 : i32
        %dma_start3A_412 = arith.constant 0 : i32
        %dma_start3A_413 = tpu.memref_slice %arg3[%dma_start3A_411, %dma_start3A_412] : memref<8192x1024xf32, #tpu.memory_space<hbm>> -> memref<8192x1024xf32, #tpu.memory_space<hbm>>
        tpu.enqueue_indirect_dma source(%dma_start3A_413 : memref<8192x1024xf32, #tpu.memory_space<hbm>>) target(%dma_start3A_408 : memref<4x1024xf32, #tpu.memory_space<vmem>>) offsets(%dma_start3A_410 : memref<4xi32, #tpu.memory_space<vmem>>) semaphore(%arg11 : memref<!tpu.dma_semaphore, #tpu.memory_space<semaphore_mem>>)
        %mul3A_414 = arith.constant 4 : i32
        %mul3A_415 = arith.muli %min3A_357, %mul3A_414 : i32
        %dma_start3A_416 = arith.constant 4 : i32
        %dma_start3A_417 = arith.constant 2 : i32
        %dma_start3A_418 = arith.constant 4 : i32
        %dma_start3A_419 = arith.constant 0 : i32
        %dma_start3A_420 = arith.constant 0 : i32
        %dma_start3A_421 = tpu.memref_slice %arg7[%dma_start3A_417, %dma_start3A_418, %dma_start3A_419, %dma_start3A_420] : memref<3x8x4x1024xf32, #tpu.memory_space<vmem>> -> memref<1x1x4x1024xf32, #tpu.memory_space<vmem>>
        %dma_start3A_422 = tpu.memref_squeeze %dma_start3A_421 : memref<1x1x4x1024xf32, #tpu.memory_space<vmem>> -> memref<4x1024xf32, #tpu.memory_space<vmem>>
        %dma_start3A_423 = tpu.memref_slice %arg6[%dma_start3A_416, %mul3A_415] : memref<8x256xi32, #tpu.memory_space<vmem>> -> memref<1x4xi32, #tpu.memory_space<vmem>>
        %dma_start3A_424 = tpu.memref_squeeze %dma_start3A_423 : memref<1x4xi32, #tpu.memory_space<vmem>> -> memref<4xi32, #tpu.memory_space<vmem>>
        %dma_start3A_425 = arith.constant 0 : i32
        %dma_start3A_426 = arith.constant 0 : i32
        %dma_start3A_427 = tpu.memref_slice %arg3[%dma_start3A_425, %dma_start3A_426] : memref<8192x1024xf32, #tpu.memory_space<hbm>> -> memref<8192x1024xf32, #tpu.memory_space<hbm>>
        tpu.enqueue_indirect_dma source(%dma_start3A_427 : memref<8192x1024xf32, #tpu.memory_space<hbm>>) target(%dma_start3A_422 : memref<4x1024xf32, #tpu.memory_space<vmem>>) offsets(%dma_start3A_424 : memref<4xi32, #tpu.memory_space<vmem>>) semaphore(%arg11 : memref<!tpu.dma_semaphore, #tpu.memory_space<semaphore_mem>>)
        %mul3A_428 = arith.constant 4 : i32
        %mul3A_429 = arith.muli %min3A_357, %mul3A_428 : i32
        %dma_start3A_430 = arith.constant 5 : i32
        %dma_start3A_431 = arith.constant 2 : i32
        %dma_start3A_432 = arith.constant 5 : i32
        %dma_start3A_433 = arith.constant 0 : i32
        %dma_start3A_434 = arith.constant 0 : i32
        %dma_start3A_435 = tpu.memref_slice %arg7[%dma_start3A_431, %dma_start3A_432, %dma_start3A_433, %dma_start3A_434] : memref<3x8x4x1024xf32, #tpu.memory_space<vmem>> -> memref<1x1x4x1024xf32, #tpu.memory_space<vmem>>
        %dma_start3A_436 = tpu.memref_squeeze %dma_start3A_435 : memref<1x1x4x1024xf32, #tpu.memory_space<vmem>> -> memref<4x1024xf32, #tpu.memory_space<vmem>>
        %dma_start3A_437 = tpu.memref_slice %arg6[%dma_start3A_430, %mul3A_429] : memref<8x256xi32, #tpu.memory_space<vmem>> -> memref<1x4xi32, #tpu.memory_space<vmem>>
        %dma_start3A_438 = tpu.memref_squeeze %dma_start3A_437 : memref<1x4xi32, #tpu.memory_space<vmem>> -> memref<4xi32, #tpu.memory_space<vmem>>
        %dma_start3A_439 = arith.constant 0 : i32
        %dma_start3A_440 = arith.constant 0 : i32
        %dma_start3A_441 = tpu.memref_slice %arg3[%dma_start3A_439, %dma_start3A_440] : memref<8192x1024xf32, #tpu.memory_space<hbm>> -> memref<8192x1024xf32, #tpu.memory_space<hbm>>
        tpu.enqueue_indirect_dma source(%dma_start3A_441 : memref<8192x1024xf32, #tpu.memory_space<hbm>>) target(%dma_start3A_436 : memref<4x1024xf32, #tpu.memory_space<vmem>>) offsets(%dma_start3A_438 : memref<4xi32, #tpu.memory_space<vmem>>) semaphore(%arg11 : memref<!tpu.dma_semaphore, #tpu.memory_space<semaphore_mem>>)
        %mul3A_442 = arith.constant 4 : i32
        %mul3A_443 = arith.muli %min3A_357, %mul3A_442 : i32
        %dma_start3A_444 = arith.constant 6 : i32
        %dma_start3A_445 = arith.constant 2 : i32
        %dma_start3A_446 = arith.constant 6 : i32
        %dma_start3A_447 = arith.constant 0 : i32
        %dma_start3A_448 = arith.constant 0 : i32
        %dma_start3A_449 = tpu.memref_slice %arg7[%dma_start3A_445, %dma_start3A_446, %dma_start3A_447, %dma_start3A_448] : memref<3x8x4x1024xf32, #tpu.memory_space<vmem>> -> memref<1x1x4x1024xf32, #tpu.memory_space<vmem>>
        %dma_start3A_450 = tpu.memref_squeeze %dma_start3A_449 : memref<1x1x4x1024xf32, #tpu.memory_space<vmem>> -> memref<4x1024xf32, #tpu.memory_space<vmem>>
        %dma_start3A_451 = tpu.memref_slice %arg6[%dma_start3A_444, %mul3A_443] : memref<8x256xi32, #tpu.memory_space<vmem>> -> memref<1x4xi32, #tpu.memory_space<vmem>>
        %dma_start3A_452 = tpu.memref_squeeze %dma_start3A_451 : memref<1x4xi32, #tpu.memory_space<vmem>> -> memref<4xi32, #tpu.memory_space<vmem>>
        %dma_start3A_453 = arith.constant 0 : i32
        %dma_start3A_454 = arith.constant 0 : i32
        %dma_start3A_455 = tpu.memref_slice %arg3[%dma_start3A_453, %dma_start3A_454] : memref<8192x1024xf32, #tpu.memory_space<hbm>> -> memref<8192x1024xf32, #tpu.memory_space<hbm>>
        tpu.enqueue_indirect_dma source(%dma_start3A_455 : memref<8192x1024xf32, #tpu.memory_space<hbm>>) target(%dma_start3A_450 : memref<4x1024xf32, #tpu.memory_space<vmem>>) offsets(%dma_start3A_452 : memref<4xi32, #tpu.memory_space<vmem>>) semaphore(%arg11 : memref<!tpu.dma_semaphore, #tpu.memory_space<semaphore_mem>>)
        %mul3A_456 = arith.constant 4 : i32
        %mul3A_457 = arith.muli %min3A_357, %mul3A_456 : i32
        %dma_start3A_458 = arith.constant 7 : i32
        %dma_start3A_459 = arith.constant 2 : i32
        %dma_start3A_460 = arith.constant 7 : i32
        %dma_start3A_461 = arith.constant 0 : i32
        %dma_start3A_462 = arith.constant 0 : i32
        %dma_start3A_463 = tpu.memref_slice %arg7[%dma_start3A_459, %dma_start3A_460, %dma_start3A_461, %dma_start3A_462] : memref<3x8x4x1024xf32, #tpu.memory_space<vmem>> -> memref<1x1x4x1024xf32, #tpu.memory_space<vmem>>
        %dma_start3A_464 = tpu.memref_squeeze %dma_start3A_463 : memref<1x1x4x1024xf32, #tpu.memory_space<vmem>> -> memref<4x1024xf32, #tpu.memory_space<vmem>>
        %dma_start3A_465 = tpu.memref_slice %arg6[%dma_start3A_458, %mul3A_457] : memref<8x256xi32, #tpu.memory_space<vmem>> -> memref<1x4xi32, #tpu.memory_space<vmem>>
        %dma_start3A_466 = tpu.memref_squeeze %dma_start3A_465 : memref<1x4xi32, #tpu.memory_space<vmem>> -> memref<4xi32, #tpu.memory_space<vmem>>
        %dma_start3A_467 = arith.constant 0 : i32
        %dma_start3A_468 = arith.constant 0 : i32
        %dma_start3A_469 = tpu.memref_slice %arg3[%dma_start3A_467, %dma_start3A_468] : memref<8192x1024xf32, #tpu.memory_space<hbm>> -> memref<8192x1024xf32, #tpu.memory_space<hbm>>
        tpu.enqueue_indirect_dma source(%dma_start3A_469 : memref<8192x1024xf32, #tpu.memory_space<hbm>>) target(%dma_start3A_464 : memref<4x1024xf32, #tpu.memory_space<vmem>>) offsets(%dma_start3A_466 : memref<4xi32, #tpu.memory_space<vmem>>) semaphore(%arg11 : memref<!tpu.dma_semaphore, #tpu.memory_space<semaphore_mem>>)
        %dma_wait3A_470 = arith.constant 0 : i32
        %dma_wait3A_471 = arith.constant 0 : i32
        %dma_wait3A_472 = arith.constant 0 : i32
        %dma_wait3A_473 = arith.constant 0 : i32
        %dma_wait3A_474 = tpu.memref_slice %arg7[%dma_wait3A_470, %dma_wait3A_471, %dma_wait3A_472, %dma_wait3A_473] : memref<3x8x4x1024xf32, #tpu.memory_space<vmem>> -> memref<1x8x4x1024xf32, #tpu.memory_space<vmem>>
        %dma_wait3A_475 = tpu.memref_squeeze %dma_wait3A_474 : memref<1x8x4x1024xf32, #tpu.memory_space<vmem>> -> memref<8x4x1024xf32, #tpu.memory_space<vmem>>
        %dma_wait3A_476 = arith.constant 0 : i32
        %dma_wait3A_477 = arith.constant 0 : i32
        %dma_wait3A_478 = arith.constant 0 : i32
        %dma_wait3A_479 = tpu.memref_slice %arg7[%dma_wait3A_470, %dma_wait3A_476, %dma_wait3A_477, %dma_wait3A_478] : memref<3x8x4x1024xf32, #tpu.memory_space<vmem>> -> memref<1x8x4x1024xf32, #tpu.memory_space<vmem>>
        %dma_wait3A_480 = tpu.memref_squeeze %dma_wait3A_479 : memref<1x8x4x1024xf32, #tpu.memory_space<vmem>> -> memref<8x4x1024xf32, #tpu.memory_space<vmem>>
        tpu.wait_dma2 semaphore(%arg9 : memref<!tpu.dma_semaphore, #tpu.memory_space<semaphore_mem>>) src(%arg4 : memref<8x4x1024xf32, #tpu.memory_space<hbm>>) dst(%dma_wait3A_480 : memref<8x4x1024xf32, #tpu.memory_space<vmem>>)
        %scan3A_481 = arith.constant 0 : i32
        %scan3A_482 = arith.constant 0 : i32
        %scan3A_483 = arith.constant 64 : i32
        %scan3A_484 = arith.addi %scan3A_482, %scan3A_483 : i32
        %scan3A_485 = arith.constant 1 : i32
        %scan3A_486 = scf.for %scan3A_512 = %scan3A_482 to %scan3A_484 step %scan3A_485 iter_args(%scan3A_513 = %scan3A_481) -> (i32)  : i32 {
          %mul3A_514 = arith.constant 16 : i32
          %mul3A_515 = arith.muli %scan3A_512, %mul3A_514 : i32
          %multiple_of3A = tpu.assume_multiple %mul3A_515, 16 : i32
          %get3A = arith.constant 0 : i32
          %get3A_516 = arith.constant 0 : i32
          %get3A_517 = arith.constant 0 : i32
          %get3A_518 = arith.index_cast %get3A : i32 to index
          %get3A_519 = arith.index_cast %get3A_516 : i32 to index
          %get3A_520 = arith.index_cast %get3A_517 : i32 to index
          %get3A_521 = arith.index_cast %multiple_of3A : i32 to index
          %get3A_522 = tpu.vector_load %arg7[%get3A_518, %get3A_519, %get3A_520, %get3A_521] {strides = array<i32>} : memref<3x8x4x1024xf32, #tpu.memory_space<vmem>>, vector<1x1x1x16xf32>,
          %get3A_523 = vector.shape_cast %get3A_522 : vector<1x1x1x16xf32> to vector<16xf32>
          %get3A_524 = arith.constant 0 : i32
          %get3A_525 = arith.constant 1 : i32
          %get3A_526 = arith.constant 0 : i32
          %get3A_527 = arith.index_cast %get3A_524 : i32 to index
          %get3A_528 = arith.index_cast %get3A_525 : i32 to index
          %get3A_529 = arith.index_cast %get3A_526 : i32 to index
          %get3A_530 = arith.index_cast %multiple_of3A : i32 to index
          %get3A_531 = tpu.vector_load %arg7[%get3A_527, %get3A_528, %get3A_529, %get3A_530] {strides = array<i32>} : memref<3x8x4x1024xf32, #tpu.memory_space<vmem>>, vector<1x1x1x16xf32>,
          %get3A_532 = vector.shape_cast %get3A_531 : vector<1x1x1x16xf32> to vector<16xf32>
          %add3A_533 = arith.addf %get3A_523, %get3A_532 : vector<16xf32>
          %get3A_534 = arith.constant 0 : i32
          %get3A_535 = arith.constant 2 : i32
          %get3A_536 = arith.constant 0 : i32
          %get3A_537 = arith.index_cast %get3A_534 : i32 to index
          %get3A_538 = arith.index_cast %get3A_535 : i32 to index
          %get3A_539 = arith.index_cast %get3A_536 : i32 to index
          %get3A_540 = arith.index_cast %multiple_of3A : i32 to index
          %get3A_541 = tpu.vector_load %arg7[%get3A_537, %get3A_538, %get3A_539, %get3A_540] {strides = array<i32>} : memref<3x8x4x1024xf32, #tpu.memory_space<vmem>>, vector<1x1x1x16xf32>,
          %get3A_542 = vector.shape_cast %get3A_541 : vector<1x1x1x16xf32> to vector<16xf32>
          %add3A_543 = arith.addf %add3A_533, %get3A_542 : vector<16xf32>
          %get3A_544 = arith.constant 0 : i32
          %get3A_545 = arith.constant 3 : i32
          %get3A_546 = arith.constant 0 : i32
          %get3A_547 = arith.index_cast %get3A_544 : i32 to index
          %get3A_548 = arith.index_cast %get3A_545 : i32 to index
          %get3A_549 = arith.index_cast %get3A_546 : i32 to index
          %get3A_550 = arith.index_cast %multiple_of3A : i32 to index
          %get3A_551 = tpu.vector_load %arg7[%get3A_547, %get3A_548, %get3A_549, %get3A_550] {strides = array<i32>} : memref<3x8x4x1024xf32, #tpu.memory_space<vmem>>, vector<1x1x1x16xf32>,
          %get3A_552 = vector.shape_cast %get3A_551 : vector<1x1x1x16xf32> to vector<16xf32>
          %add3A_553 = arith.addf %add3A_543, %get3A_552 : vector<16xf32>
          %get3A_554 = arith.constant 0 : i32
          %get3A_555 = arith.constant 4 : i32
          %get3A_556 = arith.constant 0 : i32
          %get3A_557 = arith.index_cast %get3A_554 : i32 to index
          %get3A_558 = arith.index_cast %get3A_555 : i32 to index
          %get3A_559 = arith.index_cast %get3A_556 : i32 to index
          %get3A_560 = arith.index_cast %multiple_of3A : i32 to index
          %get3A_561 = tpu.vector_load %arg7[%get3A_557, %get3A_558, %get3A_559, %get3A_560] {strides = array<i32>} : memref<3x8x4x1024xf32, #tpu.memory_space<vmem>>, vector<1x1x1x16xf32>,
          %get3A_562 = vector.shape_cast %get3A_561 : vector<1x1x1x16xf32> to vector<16xf32>
          %add3A_563 = arith.addf %add3A_553, %get3A_562 : vector<16xf32>
          %get3A_564 = arith.constant 0 : i32
          %get3A_565 = arith.constant 5 : i32
          %get3A_566 = arith.constant 0 : i32
          %get3A_567 = arith.index_cast %get3A_564 : i32 to index
          %get3A_568 = arith.index_cast %get3A_565 : i32 to index
          %get3A_569 = arith.index_cast %get3A_566 : i32 to index
          %get3A_570 = arith.index_cast %multiple_of3A : i32 to index
          %get3A_571 = tpu.vector_load %arg7[%get3A_567, %get3A_568, %get3A_569, %get3A_570] {strides = array<i32>} : memref<3x8x4x1024xf32, #tpu.memory_space<vmem>>, vector<1x1x1x16xf32>,
          %get3A_572 = vector.shape_cast %get3A_571 : vector<1x1x1x16xf32> to vector<16xf32>
          %add3A_573 = arith.addf %add3A_563, %get3A_572 : vector<16xf32>
          %get3A_574 = arith.constant 0 : i32
          %get3A_575 = arith.constant 6 : i32
          %get3A_576 = arith.constant 0 : i32
          %get3A_577 = arith.index_cast %get3A_574 : i32 to index
          %get3A_578 = arith.index_cast %get3A_575 : i32 to index
          %get3A_579 = arith.index_cast %get3A_576 : i32 to index
          %get3A_580 = arith.index_cast %multiple_of3A : i32 to index
          %get3A_581 = tpu.vector_load %arg7[%get3A_577, %get3A_578, %get3A_579, %get3A_580] {strides = array<i32>} : memref<3x8x4x1024xf32, #tpu.memory_space<vmem>>, vector<1x1x1x16xf32>,
          %get3A_582 = vector.shape_cast %get3A_581 : vector<1x1x1x16xf32> to vector<16xf32>
          %add3A_583 = arith.addf %add3A_573, %get3A_582 : vector<16xf32>
          %get3A_584 = arith.constant 0 : i32
          %get3A_585 = arith.constant 7 : i32
          %get3A_586 = arith.constant 0 : i32
          %get3A_587 = arith.index_cast %get3A_584 : i32 to index
          %get3A_588 = arith.index_cast %get3A_585 : i32 to index
          %get3A_589 = arith.index_cast %get3A_586 : i32 to index
          %get3A_590 = arith.index_cast %multiple_of3A : i32 to index
          %get3A_591 = tpu.vector_load %arg7[%get3A_587, %get3A_588, %get3A_589, %get3A_590] {strides = array<i32>} : memref<3x8x4x1024xf32, #tpu.memory_space<vmem>>, vector<1x1x1x16xf32>,
          %get3A_592 = vector.shape_cast %get3A_591 : vector<1x1x1x16xf32> to vector<16xf32>
          %add3A_593 = arith.addf %add3A_583, %get3A_592 : vector<16xf32>
          %swap3A = arith.constant 0 : i32
          %swap3A_594 = arith.index_cast %swap3A : i32 to index
          %swap3A_595 = arith.index_cast %multiple_of3A : i32 to index
          %swap3A_596 = tpu.vector_load %arg8[%swap3A_594, %swap3A_595] {strides = array<i32>} : memref<4x1024xf32, #tpu.memory_space<vmem>>, vector<1x16xf32>,
          %swap3A_597 = vector.shape_cast %swap3A_596 : vector<1x16xf32> to vector<16xf32>
          %swap3A_598 = vector.shape_cast %add3A_593 : vector<16xf32> to vector<1x16xf32>
          tpu.vector_store %arg8[%swap3A_594, %swap3A_595], %swap3A_598 {strides = array<i32>} : memref<4x1024xf32, #tpu.memory_space<vmem>>, vector<1x16xf32>,
          %scan3A_599 = arith.constant 0 : i32
          scf.yield %scan3A_599 : i32
        }
        %scan3A_487 = arith.constant 64 : i32
        %scan3A_488 = arith.constant 0 : i32
        %scan3A_489 = arith.constant 0 : i32
        %scan3A_490 = arith.constant 64 : i32
        %scan3A_491 = arith.addi %scan3A_489, %scan3A_490 : i32
        %scan3A_492 = arith.constant 1 : i32
        %scan3A_493 = scf.for %scan3A_512 = %scan3A_489 to %scan3A_491 step %scan3A_492 iter_args(%scan3A_513 = %scan3A_488) -> (i32)  : i32 {
          %mul3A_514 = arith.constant 16 : i32
          %mul3A_515 = arith.muli %scan3A_512, %mul3A_514 : i32
          %multiple_of3A = tpu.assume_multiple %mul3A_515, 16 : i32
          %get3A = arith.constant 0 : i32
          %get3A_516 = arith.constant 0 : i32
          %get3A_517 = arith.constant 1 : i32
          %get3A_518 = arith.index_cast %get3A : i32 to index
          %get3A_519 = arith.index_cast %get3A_516 : i32 to index
          %get3A_520 = arith.index_cast %get3A_517 : i32 to index
          %get3A_521 = arith.index_cast %multiple_of3A : i32 to index
          %get3A_522 = tpu.vector_load %arg7[%get3A_518, %get3A_519, %get3A_520, %get3A_521] {strides = array<i32>} : memref<3x8x4x1024xf32, #tpu.memory_space<vmem>>, vector<1x1x1x16xf32>,
          %get3A_523 = vector.shape_cast %get3A_522 : vector<1x1x1x16xf32> to vector<16xf32>
          %get3A_524 = arith.constant 0 : i32
          %get3A_525 = arith.constant 1 : i32
          %get3A_526 = arith.constant 1 : i32
          %get3A_527 = arith.index_cast %get3A_524 : i32 to index
          %get3A_528 = arith.index_cast %get3A_525 : i32 to index
          %get3A_529 = arith.index_cast %get3A_526 : i32 to index
          %get3A_530 = arith.index_cast %multiple_of3A : i32 to index
          %get3A_531 = tpu.vector_load %arg7[%get3A_527, %get3A_528, %get3A_529, %get3A_530] {strides = array<i32>} : memref<3x8x4x1024xf32, #tpu.memory_space<vmem>>, vector<1x1x1x16xf32>,
          %get3A_532 = vector.shape_cast %get3A_531 : vector<1x1x1x16xf32> to vector<16xf32>
          %add3A_533 = arith.addf %get3A_523, %get3A_532 : vector<16xf32>
          %get3A_534 = arith.constant 0 : i32
          %get3A_535 = arith.constant 2 : i32
          %get3A_536 = arith.constant 1 : i32
          %get3A_537 = arith.index_cast %get3A_534 : i32 to index
          %get3A_538 = arith.index_cast %get3A_535 : i32 to index
          %get3A_539 = arith.index_cast %get3A_536 : i32 to index
          %get3A_540 = arith.index_cast %multiple_of3A : i32 to index
          %get3A_541 = tpu.vector_load %arg7[%get3A_537, %get3A_538, %get3A_539, %get3A_540] {strides = array<i32>} : memref<3x8x4x1024xf32, #tpu.memory_space<vmem>>, vector<1x1x1x16xf32>,
          %get3A_542 = vector.shape_cast %get3A_541 : vector<1x1x1x16xf32> to vector<16xf32>
          %add3A_543 = arith.addf %add3A_533, %get3A_542 : vector<16xf32>
          %get3A_544 = arith.constant 0 : i32
          %get3A_545 = arith.constant 3 : i32
          %get3A_546 = arith.constant 1 : i32
          %get3A_547 = arith.index_cast %get3A_544 : i32 to index
          %get3A_548 = arith.index_cast %get3A_545 : i32 to index
          %get3A_549 = arith.index_cast %get3A_546 : i32 to index
          %get3A_550 = arith.index_cast %multiple_of3A : i32 to index
          %get3A_551 = tpu.vector_load %arg7[%get3A_547, %get3A_548, %get3A_549, %get3A_550] {strides = array<i32>} : memref<3x8x4x1024xf32, #tpu.memory_space<vmem>>, vector<1x1x1x16xf32>,
          %get3A_552 = vector.shape_cast %get3A_551 : vector<1x1x1x16xf32> to vector<16xf32>
          %add3A_553 = arith.addf %add3A_543, %get3A_552 : vector<16xf32>
          %get3A_554 = arith.constant 0 : i32
          %get3A_555 = arith.constant 4 : i32
          %get3A_556 = arith.constant 1 : i32
          %get3A_557 = arith.index_cast %get3A_554 : i32 to index
          %get3A_558 = arith.index_cast %get3A_555 : i32 to index
          %get3A_559 = arith.index_cast %get3A_556 : i32 to index
          %get3A_560 = arith.index_cast %multiple_of3A : i32 to index
          %get3A_561 = tpu.vector_load %arg7[%get3A_557, %get3A_558, %get3A_559, %get3A_560] {strides = array<i32>} : memref<3x8x4x1024xf32, #tpu.memory_space<vmem>>, vector<1x1x1x16xf32>,
          %get3A_562 = vector.shape_cast %get3A_561 : vector<1x1x1x16xf32> to vector<16xf32>
          %add3A_563 = arith.addf %add3A_553, %get3A_562 : vector<16xf32>
          %get3A_564 = arith.constant 0 : i32
          %get3A_565 = arith.constant 5 : i32
          %get3A_566 = arith.constant 1 : i32
          %get3A_567 = arith.index_cast %get3A_564 : i32 to index
          %get3A_568 = arith.index_cast %get3A_565 : i32 to index
          %get3A_569 = arith.index_cast %get3A_566 : i32 to index
          %get3A_570 = arith.index_cast %multiple_of3A : i32 to index
          %get3A_571 = tpu.vector_load %arg7[%get3A_567, %get3A_568, %get3A_569, %get3A_570] {strides = array<i32>} : memref<3x8x4x1024xf32, #tpu.memory_space<vmem>>, vector<1x1x1x16xf32>,
          %get3A_572 = vector.shape_cast %get3A_571 : vector<1x1x1x16xf32> to vector<16xf32>
          %add3A_573 = arith.addf %add3A_563, %get3A_572 : vector<16xf32>
          %get3A_574 = arith.constant 0 : i32
          %get3A_575 = arith.constant 6 : i32
          %get3A_576 = arith.constant 1 : i32
          %get3A_577 = arith.index_cast %get3A_574 : i32 to index
          %get3A_578 = arith.index_cast %get3A_575 : i32 to index
          %get3A_579 = arith.index_cast %get3A_576 : i32 to index
          %get3A_580 = arith.index_cast %multiple_of3A : i32 to index
          %get3A_581 = tpu.vector_load %arg7[%get3A_577, %get3A_578, %get3A_579, %get3A_580] {strides = array<i32>} : memref<3x8x4x1024xf32, #tpu.memory_space<vmem>>, vector<1x1x1x16xf32>,
          %get3A_582 = vector.shape_cast %get3A_581 : vector<1x1x1x16xf32> to vector<16xf32>
          %add3A_583 = arith.addf %add3A_573, %get3A_582 : vector<16xf32>
          %get3A_584 = arith.constant 0 : i32
          %get3A_585 = arith.constant 7 : i32
          %get3A_586 = arith.constant 1 : i32
          %get3A_587 = arith.index_cast %get3A_584 : i32 to index
          %get3A_588 = arith.index_cast %get3A_585 : i32 to index
          %get3A_589 = arith.index_cast %get3A_586 : i32 to index
          %get3A_590 = arith.index_cast %multiple_of3A : i32 to index
          %get3A_591 = tpu.vector_load %arg7[%get3A_587, %get3A_588, %get3A_589, %get3A_590] {strides = array<i32>} : memref<3x8x4x1024xf32, #tpu.memory_space<vmem>>, vector<1x1x1x16xf32>,
          %get3A_592 = vector.shape_cast %get3A_591 : vector<1x1x1x16xf32> to vector<16xf32>
          %add3A_593 = arith.addf %add3A_583, %get3A_592 : vector<16xf32>
          %swap3A = arith.constant 1 : i32
          %swap3A_594 = arith.index_cast %swap3A : i32 to index
          %swap3A_595 = arith.index_cast %multiple_of3A : i32 to index
          %swap3A_596 = tpu.vector_load %arg8[%swap3A_594, %swap3A_595] {strides = array<i32>} : memref<4x1024xf32, #tpu.memory_space<vmem>>, vector<1x16xf32>,
          %swap3A_597 = vector.shape_cast %swap3A_596 : vector<1x16xf32> to vector<16xf32>
          %swap3A_598 = vector.shape_cast %add3A_593 : vector<16xf32> to vector<1x16xf32>
          tpu.vector_store %arg8[%swap3A_594, %swap3A_595], %swap3A_598 {strides = array<i32>} : memref<4x1024xf32, #tpu.memory_space<vmem>>, vector<1x16xf32>,
          %scan3A_599 = arith.constant 0 : i32
          scf.yield %scan3A_599 : i32
        }
        %scan3A_494 = arith.constant 64 : i32
        %scan3A_495 = arith.constant 0 : i32
        %scan3A_496 = arith.constant 0 : i32
        %scan3A_497 = arith.constant 64 : i32
        %scan3A_498 = arith.addi %scan3A_496, %scan3A_497 : i32
        %scan3A_499 = arith.constant 1 : i32
        %scan3A_500 = scf.for %scan3A_512 = %scan3A_496 to %scan3A_498 step %scan3A_499 iter_args(%scan3A_513 = %scan3A_495) -> (i32)  : i32 {
          %mul3A_514 = arith.constant 16 : i32
          %mul3A_515 = arith.muli %scan3A_512, %mul3A_514 : i32
          %multiple_of3A = tpu.assume_multiple %mul3A_515, 16 : i32
          %get3A = arith.constant 0 : i32
          %get3A_516 = arith.constant 0 : i32
          %get3A_517 = arith.constant 2 : i32
          %get3A_518 = arith.index_cast %get3A : i32 to index
          %get3A_519 = arith.index_cast %get3A_516 : i32 to index
          %get3A_520 = arith.index_cast %get3A_517 : i32 to index
          %get3A_521 = arith.index_cast %multiple_of3A : i32 to index
          %get3A_522 = tpu.vector_load %arg7[%get3A_518, %get3A_519, %get3A_520, %get3A_521] {strides = array<i32>} : memref<3x8x4x1024xf32, #tpu.memory_space<vmem>>, vector<1x1x1x16xf32>,
          %get3A_523 = vector.shape_cast %get3A_522 : vector<1x1x1x16xf32> to vector<16xf32>
          %get3A_524 = arith.constant 0 : i32
          %get3A_525 = arith.constant 1 : i32
          %get3A_526 = arith.constant 2 : i32
          %get3A_527 = arith.index_cast %get3A_524 : i32 to index
          %get3A_528 = arith.index_cast %get3A_525 : i32 to index
          %get3A_529 = arith.index_cast %get3A_526 : i32 to index
          %get3A_530 = arith.index_cast %multiple_of3A : i32 to index
          %get3A_531 = tpu.vector_load %arg7[%get3A_527, %get3A_528, %get3A_529, %get3A_530] {strides = array<i32>} : memref<3x8x4x1024xf32, #tpu.memory_space<vmem>>, vector<1x1x1x16xf32>,
          %get3A_532 = vector.shape_cast %get3A_531 : vector<1x1x1x16xf32> to vector<16xf32>
          %add3A_533 = arith.addf %get3A_523, %get3A_532 : vector<16xf32>
          %get3A_534 = arith.constant 0 : i32
          %get3A_535 = arith.constant 2 : i32
          %get3A_536 = arith.constant 2 : i32
          %get3A_537 = arith.index_cast %get3A_534 : i32 to index
          %get3A_538 = arith.index_cast %get3A_535 : i32 to index
          %get3A_539 = arith.index_cast %get3A_536 : i32 to index
          %get3A_540 = arith.index_cast %multiple_of3A : i32 to index
          %get3A_541 = tpu.vector_load %arg7[%get3A_537, %get3A_538, %get3A_539, %get3A_540] {strides = array<i32>} : memref<3x8x4x1024xf32, #tpu.memory_space<vmem>>, vector<1x1x1x16xf32>,
          %get3A_542 = vector.shape_cast %get3A_541 : vector<1x1x1x16xf32> to vector<16xf32>
          %add3A_543 = arith.addf %add3A_533, %get3A_542 : vector<16xf32>
          %get3A_544 = arith.constant 0 : i32
          %get3A_545 = arith.constant 3 : i32
          %get3A_546 = arith.constant 2 : i32
          %get3A_547 = arith.index_cast %get3A_544 : i32 to index
          %get3A_548 = arith.index_cast %get3A_545 : i32 to index
          %get3A_549 = arith.index_cast %get3A_546 : i32 to index
          %get3A_550 = arith.index_cast %multiple_of3A : i32 to index
          %get3A_551 = tpu.vector_load %arg7[%get3A_547, %get3A_548, %get3A_549, %get3A_550] {strides = array<i32>} : memref<3x8x4x1024xf32, #tpu.memory_space<vmem>>, vector<1x1x1x16xf32>,
          %get3A_552 = vector.shape_cast %get3A_551 : vector<1x1x1x16xf32> to vector<16xf32>
          %add3A_553 = arith.addf %add3A_543, %get3A_552 : vector<16xf32>
          %get3A_554 = arith.constant 0 : i32
          %get3A_555 = arith.constant 4 : i32
          %get3A_556 = arith.constant 2 : i32
          %get3A_557 = arith.index_cast %get3A_554 : i32 to index
          %get3A_558 = arith.index_cast %get3A_555 : i32 to index
          %get3A_559 = arith.index_cast %get3A_556 : i32 to index
          %get3A_560 = arith.index_cast %multiple_of3A : i32 to index
          %get3A_561 = tpu.vector_load %arg7[%get3A_557, %get3A_558, %get3A_559, %get3A_560] {strides = array<i32>} : memref<3x8x4x1024xf32, #tpu.memory_space<vmem>>, vector<1x1x1x16xf32>,
          %get3A_562 = vector.shape_cast %get3A_561 : vector<1x1x1x16xf32> to vector<16xf32>
          %add3A_563 = arith.addf %add3A_553, %get3A_562 : vector<16xf32>
          %get3A_564 = arith.constant 0 : i32
          %get3A_565 = arith.constant 5 : i32
          %get3A_566 = arith.constant 2 : i32
          %get3A_567 = arith.index_cast %get3A_564 : i32 to index
          %get3A_568 = arith.index_cast %get3A_565 : i32 to index
          %get3A_569 = arith.index_cast %get3A_566 : i32 to index
          %get3A_570 = arith.index_cast %multiple_of3A : i32 to index
          %get3A_571 = tpu.vector_load %arg7[%get3A_567, %get3A_568, %get3A_569, %get3A_570] {strides = array<i32>} : memref<3x8x4x1024xf32, #tpu.memory_space<vmem>>, vector<1x1x1x16xf32>,
          %get3A_572 = vector.shape_cast %get3A_571 : vector<1x1x1x16xf32> to vector<16xf32>
          %add3A_573 = arith.addf %add3A_563, %get3A_572 : vector<16xf32>
          %get3A_574 = arith.constant 0 : i32
          %get3A_575 = arith.constant 6 : i32
          %get3A_576 = arith.constant 2 : i32
          %get3A_577 = arith.index_cast %get3A_574 : i32 to index
          %get3A_578 = arith.index_cast %get3A_575 : i32 to index
          %get3A_579 = arith.index_cast %get3A_576 : i32 to index
          %get3A_580 = arith.index_cast %multiple_of3A : i32 to index
          %get3A_581 = tpu.vector_load %arg7[%get3A_577, %get3A_578, %get3A_579, %get3A_580] {strides = array<i32>} : memref<3x8x4x1024xf32, #tpu.memory_space<vmem>>, vector<1x1x1x16xf32>,
          %get3A_582 = vector.shape_cast %get3A_581 : vector<1x1x1x16xf32> to vector<16xf32>
          %add3A_583 = arith.addf %add3A_573, %get3A_582 : vector<16xf32>
          %get3A_584 = arith.constant 0 : i32
          %get3A_585 = arith.constant 7 : i32
          %get3A_586 = arith.constant 2 : i32
          %get3A_587 = arith.index_cast %get3A_584 : i32 to index
          %get3A_588 = arith.index_cast %get3A_585 : i32 to index
          %get3A_589 = arith.index_cast %get3A_586 : i32 to index
          %get3A_590 = arith.index_cast %multiple_of3A : i32 to index
          %get3A_591 = tpu.vector_load %arg7[%get3A_587, %get3A_588, %get3A_589, %get3A_590] {strides = array<i32>} : memref<3x8x4x1024xf32, #tpu.memory_space<vmem>>, vector<1x1x1x16xf32>,
          %get3A_592 = vector.shape_cast %get3A_591 : vector<1x1x1x16xf32> to vector<16xf32>
          %add3A_593 = arith.addf %add3A_583, %get3A_592 : vector<16xf32>
          %swap3A = arith.constant 2 : i32
          %swap3A_594 = arith.index_cast %swap3A : i32 to index
          %swap3A_595 = arith.index_cast %multiple_of3A : i32 to index
          %swap3A_596 = tpu.vector_load %arg8[%swap3A_594, %swap3A_595] {strides = array<i32>} : memref<4x1024xf32, #tpu.memory_space<vmem>>, vector<1x16xf32>,
          %swap3A_597 = vector.shape_cast %swap3A_596 : vector<1x16xf32> to vector<16xf32>
          %swap3A_598 = vector.shape_cast %add3A_593 : vector<16xf32> to vector<1x16xf32>
          tpu.vector_store %arg8[%swap3A_594, %swap3A_595], %swap3A_598 {strides = array<i32>} : memref<4x1024xf32, #tpu.memory_space<vmem>>, vector<1x16xf32>,
          %scan3A_599 = arith.constant 0 : i32
          scf.yield %scan3A_599 : i32
        }
        %scan3A_501 = arith.constant 64 : i32
        %scan3A_502 = arith.constant 0 : i32
        %scan3A_503 = arith.constant 0 : i32
        %scan3A_504 = arith.constant 64 : i32
        %scan3A_505 = arith.addi %scan3A_503, %scan3A_504 : i32
        %scan3A_506 = arith.constant 1 : i32
        %scan3A_507 = scf.for %scan3A_512 = %scan3A_503 to %scan3A_505 step %scan3A_506 iter_args(%scan3A_513 = %scan3A_502) -> (i32)  : i32 {
          %mul3A_514 = arith.constant 16 : i32
          %mul3A_515 = arith.muli %scan3A_512, %mul3A_514 : i32
          %multiple_of3A = tpu.assume_multiple %mul3A_515, 16 : i32
          %get3A = arith.constant 0 : i32
          %get3A_516 = arith.constant 0 : i32
          %get3A_517 = arith.constant 3 : i32
          %get3A_518 = arith.index_cast %get3A : i32 to index
          %get3A_519 = arith.index_cast %get3A_516 : i32 to index
          %get3A_520 = arith.index_cast %get3A_517 : i32 to index
          %get3A_521 = arith.index_cast %multiple_of3A : i32 to index
          %get3A_522 = tpu.vector_load %arg7[%get3A_518, %get3A_519, %get3A_520, %get3A_521] {strides = array<i32>} : memref<3x8x4x1024xf32, #tpu.memory_space<vmem>>, vector<1x1x1x16xf32>,
          %get3A_523 = vector.shape_cast %get3A_522 : vector<1x1x1x16xf32> to vector<16xf32>
          %get3A_524 = arith.constant 0 : i32
          %get3A_525 = arith.constant 1 : i32
          %get3A_526 = arith.constant 3 : i32
          %get3A_527 = arith.index_cast %get3A_524 : i32 to index
          %get3A_528 = arith.index_cast %get3A_525 : i32 to index
          %get3A_529 = arith.index_cast %get3A_526 : i32 to index
          %get3A_530 = arith.index_cast %multiple_of3A : i32 to index
          %get3A_531 = tpu.vector_load %arg7[%get3A_527, %get3A_528, %get3A_529, %get3A_530] {strides = array<i32>} : memref<3x8x4x1024xf32, #tpu.memory_space<vmem>>, vector<1x1x1x16xf32>,
          %get3A_532 = vector.shape_cast %get3A_531 : vector<1x1x1x16xf32> to vector<16xf32>
          %add3A_533 = arith.addf %get3A_523, %get3A_532 : vector<16xf32>
          %get3A_534 = arith.constant 0 : i32
          %get3A_535 = arith.constant 2 : i32
          %get3A_536 = arith.constant 3 : i32
          %get3A_537 = arith.index_cast %get3A_534 : i32 to index
          %get3A_538 = arith.index_cast %get3A_535 : i32 to index
          %get3A_539 = arith.index_cast %get3A_536 : i32 to index
          %get3A_540 = arith.index_cast %multiple_of3A : i32 to index
          %get3A_541 = tpu.vector_load %arg7[%get3A_537, %get3A_538, %get3A_539, %get3A_540] {strides = array<i32>} : memref<3x8x4x1024xf32, #tpu.memory_space<vmem>>, vector<1x1x1x16xf32>,
          %get3A_542 = vector.shape_cast %get3A_541 : vector<1x1x1x16xf32> to vector<16xf32>
          %add3A_543 = arith.addf %add3A_533, %get3A_542 : vector<16xf32>
          %get3A_544 = arith.constant 0 : i32
          %get3A_545 = arith.constant 3 : i32
          %get3A_546 = arith.constant 3 : i32
          %get3A_547 = arith.index_cast %get3A_544 : i32 to index
          %get3A_548 = arith.index_cast %get3A_545 : i32 to index
          %get3A_549 = arith.index_cast %get3A_546 : i32 to index
          %get3A_550 = arith.index_cast %multiple_of3A : i32 to index
          %get3A_551 = tpu.vector_load %arg7[%get3A_547, %get3A_548, %get3A_549, %get3A_550] {strides = array<i32>} : memref<3x8x4x1024xf32, #tpu.memory_space<vmem>>, vector<1x1x1x16xf32>,
          %get3A_552 = vector.shape_cast %get3A_551 : vector<1x1x1x16xf32> to vector<16xf32>
          %add3A_553 = arith.addf %add3A_543, %get3A_552 : vector<16xf32>
          %get3A_554 = arith.constant 0 : i32
          %get3A_555 = arith.constant 4 : i32
          %get3A_556 = arith.constant 3 : i32
          %get3A_557 = arith.index_cast %get3A_554 : i32 to index
          %get3A_558 = arith.index_cast %get3A_555 : i32 to index
          %get3A_559 = arith.index_cast %get3A_556 : i32 to index
          %get3A_560 = arith.index_cast %multiple_of3A : i32 to index
          %get3A_561 = tpu.vector_load %arg7[%get3A_557, %get3A_558, %get3A_559, %get3A_560] {strides = array<i32>} : memref<3x8x4x1024xf32, #tpu.memory_space<vmem>>, vector<1x1x1x16xf32>,
          %get3A_562 = vector.shape_cast %get3A_561 : vector<1x1x1x16xf32> to vector<16xf32>
          %add3A_563 = arith.addf %add3A_553, %get3A_562 : vector<16xf32>
          %get3A_564 = arith.constant 0 : i32
          %get3A_565 = arith.constant 5 : i32
          %get3A_566 = arith.constant 3 : i32
          %get3A_567 = arith.index_cast %get3A_564 : i32 to index
          %get3A_568 = arith.index_cast %get3A_565 : i32 to index
          %get3A_569 = arith.index_cast %get3A_566 : i32 to index
          %get3A_570 = arith.index_cast %multiple_of3A : i32 to index
          %get3A_571 = tpu.vector_load %arg7[%get3A_567, %get3A_568, %get3A_569, %get3A_570] {strides = array<i32>} : memref<3x8x4x1024xf32, #tpu.memory_space<vmem>>, vector<1x1x1x16xf32>,
          %get3A_572 = vector.shape_cast %get3A_571 : vector<1x1x1x16xf32> to vector<16xf32>
          %add3A_573 = arith.addf %add3A_563, %get3A_572 : vector<16xf32>
          %get3A_574 = arith.constant 0 : i32
          %get3A_575 = arith.constant 6 : i32
          %get3A_576 = arith.constant 3 : i32
          %get3A_577 = arith.index_cast %get3A_574 : i32 to index
          %get3A_578 = arith.index_cast %get3A_575 : i32 to index
          %get3A_579 = arith.index_cast %get3A_576 : i32 to index
          %get3A_580 = arith.index_cast %multiple_of3A : i32 to index
          %get3A_581 = tpu.vector_load %arg7[%get3A_577, %get3A_578, %get3A_579, %get3A_580] {strides = array<i32>} : memref<3x8x4x1024xf32, #tpu.memory_space<vmem>>, vector<1x1x1x16xf32>,
          %get3A_582 = vector.shape_cast %get3A_581 : vector<1x1x1x16xf32> to vector<16xf32>
          %add3A_583 = arith.addf %add3A_573, %get3A_582 : vector<16xf32>
          %get3A_584 = arith.constant 0 : i32
          %get3A_585 = arith.constant 7 : i32
          %get3A_586 = arith.constant 3 : i32
          %get3A_587 = arith.index_cast %get3A_584 : i32 to index
          %get3A_588 = arith.index_cast %get3A_585 : i32 to index
          %get3A_589 = arith.index_cast %get3A_586 : i32 to index
          %get3A_590 = arith.index_cast %multiple_of3A : i32 to index
          %get3A_591 = tpu.vector_load %arg7[%get3A_587, %get3A_588, %get3A_589, %get3A_590] {strides = array<i32>} : memref<3x8x4x1024xf32, #tpu.memory_space<vmem>>, vector<1x1x1x16xf32>,
          %get3A_592 = vector.shape_cast %get3A_591 : vector<1x1x1x16xf32> to vector<16xf32>
          %add3A_593 = arith.addf %add3A_583, %get3A_592 : vector<16xf32>
          %swap3A = arith.constant 3 : i32
          %swap3A_594 = arith.index_cast %swap3A : i32 to index
          %swap3A_595 = arith.index_cast %multiple_of3A : i32 to index
          %swap3A_596 = tpu.vector_load %arg8[%swap3A_594, %swap3A_595] {strides = array<i32>} : memref<4x1024xf32, #tpu.memory_space<vmem>>, vector<1x16xf32>,
          %swap3A_597 = vector.shape_cast %swap3A_596 : vector<1x16xf32> to vector<16xf32>
          %swap3A_598 = vector.shape_cast %add3A_593 : vector<16xf32> to vector<1x16xf32>
          tpu.vector_store %arg8[%swap3A_594, %swap3A_595], %swap3A_598 {strides = array<i32>} : memref<4x1024xf32, #tpu.memory_space<vmem>>, vector<1x16xf32>,
          %scan3A_599 = arith.constant 0 : i32
          scf.yield %scan3A_599 : i32
        }
        %scan3A_508 = arith.constant 64 : i32
        %mul3A_509 = arith.constant 4 : i32
        %mul3A_510 = arith.muli %scan3A_291, %mul3A_509 : i32
        %add3A_511 = arith.addi %mul3A_34, %mul3A_510 : i32
        "tpu.region"() ({
          %run_scoped3A_512 = tpu.sem_alloc : memref<!tpu.dma_semaphore, #tpu.memory_space<semaphore_mem>>
          %dma_start3A_513 = arith.constant 0 : i32
          %dma_start3A_514 = tpu.memref_slice %arg5[%add3A_511, %dma_start3A_513] : memref<8192x1024xf32, #tpu.memory_space<hbm>> -> memref<4x1024xf32, #tpu.memory_space<hbm>>
          %dma_start3A_515 = arith.constant 0 : i32
          %dma_start3A_516 = tpu.memref_slice %arg5[%add3A_511, %dma_start3A_515] : memref<8192x1024xf32, #tpu.memory_space<hbm>> -> memref<4x1024xf32, #tpu.memory_space<hbm>>
          tpu.enqueue_dma source(%arg8 : memref<4x1024xf32, #tpu.memory_space<vmem>>) target(%dma_start3A_516 : memref<4x1024xf32, #tpu.memory_space<hbm>>) target_semaphore(%run_scoped3A_512 : memref<!tpu.dma_semaphore, #tpu.memory_space<semaphore_mem>>)
          %dma_wait3A_517 = arith.constant 0 : i32
          %dma_wait3A_518 = tpu.memref_slice %arg5[%add3A_511, %dma_wait3A_517] : memref<8192x1024xf32, #tpu.memory_space<hbm>> -> memref<4x1024xf32, #tpu.memory_space<hbm>>
          %dma_wait3A_519 = arith.constant 0 : i32
          %dma_wait3A_520 = tpu.memref_slice %arg5[%add3A_511, %dma_wait3A_519] : memref<8192x1024xf32, #tpu.memory_space<hbm>> -> memref<4x1024xf32, #tpu.memory_space<hbm>>
          tpu.wait_dma2 semaphore(%run_scoped3A_512 : memref<!tpu.dma_semaphore, #tpu.memory_space<semaphore_mem>>) src(%arg8 : memref<4x1024xf32, #tpu.memory_space<vmem>>) dst(%dma_wait3A_520 : memref<4x1024xf32, #tpu.memory_space<hbm>>)
          tpu.yield
        }) : () -> ()
      } else {
      }
      %jit3A_312 = arith.constant 3 : i32
      %eq3A_313 = arith.constant 0 : i32
      %eq3A_314 = arith.cmpi eq, %jit3A_312, %eq3A_313 : i32
      %jit3A_315 = arith.constant 1 : i32
      %select_n3A_316 = arith.select %eq3A_314, %jit3A_315, %jit3A_312 : i32
      %rem3A_317 = arith.remsi %scan3A_291, %select_n3A_316 : i32
      %ne3A_318 = arith.constant 0 : i32
      %ne3A_319 = arith.cmpi ne, %rem3A_317, %ne3A_318 : i32
      %lt3A_320 = arith.constant 0 : i32
      %lt3A_321 = arith.cmpi slt, %rem3A_317, %lt3A_320 : i32
      %lt3A_322 = arith.constant 0 : i32
      %lt3A_323 = arith.cmpi slt, %select_n3A_316, %lt3A_322 : i32
      %ne3A_324 = arith.xori %lt3A_321, %lt3A_323 : i1
      %and3A_325 = arith.andi %ne3A_324, %ne3A_319 : i1
      %add3A_326 = arith.addi %rem3A_317, %select_n3A_316 : i32
      %select_n3A_327 = arith.select %and3A_325, %add3A_326, %rem3A_317 : i32
      %eq3A_328 = arith.constant 1 : i32
      %eq3A_329 = arith.cmpi eq, %select_n3A_327, %eq3A_328 : i32
      %convert_element_type3A_330 = arith.extui %eq3A_329 : i1 to i32
      %cond3A_331 = arith.constant 0 : i32
      %cond3A_332 = arith.cmpi ne, %convert_element_type3A_330, %cond3A_331 : i32
      scf.if %cond3A_332 {
        %add3A_355 = arith.constant 2 : i32
        %add3A_356 = arith.addi %scan3A_291, %add3A_355 : i32
        %min3A = arith.constant 63 : i32
        %min3A_357 = arith.minsi %add3A_356, %min3A : i32
        %mul3A_358 = arith.constant 4 : i32
        %mul3A_359 = arith.muli %min3A_357, %mul3A_358 : i32
        %dma_start3A_360 = arith.constant 0 : i32
        %dma_start3A_361 = arith.constant 0 : i32
        %dma_start3A_362 = arith.constant 0 : i32
        %dma_start3A_363 = arith.constant 0 : i32
        %dma_start3A_364 = arith.constant 0 : i32
        %dma_start3A_365 = tpu.memref_slice %arg7[%dma_start3A_361, %dma_start3A_362, %dma_start3A_363, %dma_start3A_364] : memref<3x8x4x1024xf32, #tpu.memory_space<vmem>> -> memref<1x1x4x1024xf32, #tpu.memory_space<vmem>>
        %dma_start3A_366 = tpu.memref_squeeze %dma_start3A_365 : memref<1x1x4x1024xf32, #tpu.memory_space<vmem>> -> memref<4x1024xf32, #tpu.memory_space<vmem>>
        %dma_start3A_367 = tpu.memref_slice %arg6[%dma_start3A_360, %mul3A_359] : memref<8x256xi32, #tpu.memory_space<vmem>> -> memref<1x4xi32, #tpu.memory_space<vmem>>
        %dma_start3A_368 = tpu.memref_squeeze %dma_start3A_367 : memref<1x4xi32, #tpu.memory_space<vmem>> -> memref<4xi32, #tpu.memory_space<vmem>>
        %dma_start3A_369 = arith.constant 0 : i32
        %dma_start3A_370 = arith.constant 0 : i32
        %dma_start3A_371 = tpu.memref_slice %arg3[%dma_start3A_369, %dma_start3A_370] : memref<8192x1024xf32, #tpu.memory_space<hbm>> -> memref<8192x1024xf32, #tpu.memory_space<hbm>>
        tpu.enqueue_indirect_dma source(%dma_start3A_371 : memref<8192x1024xf32, #tpu.memory_space<hbm>>) target(%dma_start3A_366 : memref<4x1024xf32, #tpu.memory_space<vmem>>) offsets(%dma_start3A_368 : memref<4xi32, #tpu.memory_space<vmem>>) semaphore(%arg9 : memref<!tpu.dma_semaphore, #tpu.memory_space<semaphore_mem>>)
        %mul3A_372 = arith.constant 4 : i32
        %mul3A_373 = arith.muli %min3A_357, %mul3A_372 : i32
        %dma_start3A_374 = arith.constant 1 : i32
        %dma_start3A_375 = arith.constant 0 : i32
        %dma_start3A_376 = arith.constant 1 : i32
        %dma_start3A_377 = arith.constant 0 : i32
        %dma_start3A_378 = arith.constant 0 : i32
        %dma_start3A_379 = tpu.memref_slice %arg7[%dma_start3A_375, %dma_start3A_376, %dma_start3A_377, %dma_start3A_378] : memref<3x8x4x1024xf32, #tpu.memory_space<vmem>> -> memref<1x1x4x1024xf32, #tpu.memory_space<vmem>>
        %dma_start3A_380 = tpu.memref_squeeze %dma_start3A_379 : memref<1x1x4x1024xf32, #tpu.memory_space<vmem>> -> memref<4x1024xf32, #tpu.memory_space<vmem>>
        %dma_start3A_381 = tpu.memref_slice %arg6[%dma_start3A_374, %mul3A_373] : memref<8x256xi32, #tpu.memory_space<vmem>> -> memref<1x4xi32, #tpu.memory_space<vmem>>
        %dma_start3A_382 = tpu.memref_squeeze %dma_start3A_381 : memref<1x4xi32, #tpu.memory_space<vmem>> -> memref<4xi32, #tpu.memory_space<vmem>>
        %dma_start3A_383 = arith.constant 0 : i32
        %dma_start3A_384 = arith.constant 0 : i32
        %dma_start3A_385 = tpu.memref_slice %arg3[%dma_start3A_383, %dma_start3A_384] : memref<8192x1024xf32, #tpu.memory_space<hbm>> -> memref<8192x1024xf32, #tpu.memory_space<hbm>>
        tpu.enqueue_indirect_dma source(%dma_start3A_385 : memref<8192x1024xf32, #tpu.memory_space<hbm>>) target(%dma_start3A_380 : memref<4x1024xf32, #tpu.memory_space<vmem>>) offsets(%dma_start3A_382 : memref<4xi32, #tpu.memory_space<vmem>>) semaphore(%arg9 : memref<!tpu.dma_semaphore, #tpu.memory_space<semaphore_mem>>)
        %mul3A_386 = arith.constant 4 : i32
        %mul3A_387 = arith.muli %min3A_357, %mul3A_386 : i32
        %dma_start3A_388 = arith.constant 2 : i32
        %dma_start3A_389 = arith.constant 0 : i32
        %dma_start3A_390 = arith.constant 2 : i32
        %dma_start3A_391 = arith.constant 0 : i32
        %dma_start3A_392 = arith.constant 0 : i32
        %dma_start3A_393 = tpu.memref_slice %arg7[%dma_start3A_389, %dma_start3A_390, %dma_start3A_391, %dma_start3A_392] : memref<3x8x4x1024xf32, #tpu.memory_space<vmem>> -> memref<1x1x4x1024xf32, #tpu.memory_space<vmem>>
        %dma_start3A_394 = tpu.memref_squeeze %dma_start3A_393 : memref<1x1x4x1024xf32, #tpu.memory_space<vmem>> -> memref<4x1024xf32, #tpu.memory_space<vmem>>
        %dma_start3A_395 = tpu.memref_slice %arg6[%dma_start3A_388, %mul3A_387] : memref<8x256xi32, #tpu.memory_space<vmem>> -> memref<1x4xi32, #tpu.memory_space<vmem>>
        %dma_start3A_396 = tpu.memref_squeeze %dma_start3A_395 : memref<1x4xi32, #tpu.memory_space<vmem>> -> memref<4xi32, #tpu.memory_space<vmem>>
        %dma_start3A_397 = arith.constant 0 : i32
        %dma_start3A_398 = arith.constant 0 : i32
        %dma_start3A_399 = tpu.memref_slice %arg3[%dma_start3A_397, %dma_start3A_398] : memref<8192x1024xf32, #tpu.memory_space<hbm>> -> memref<8192x1024xf32, #tpu.memory_space<hbm>>
        tpu.enqueue_indirect_dma source(%dma_start3A_399 : memref<8192x1024xf32, #tpu.memory_space<hbm>>) target(%dma_start3A_394 : memref<4x1024xf32, #tpu.memory_space<vmem>>) offsets(%dma_start3A_396 : memref<4xi32, #tpu.memory_space<vmem>>) semaphore(%arg9 : memref<!tpu.dma_semaphore, #tpu.memory_space<semaphore_mem>>)
        %mul3A_400 = arith.constant 4 : i32
        %mul3A_401 = arith.muli %min3A_357, %mul3A_400 : i32
        %dma_start3A_402 = arith.constant 3 : i32
        %dma_start3A_403 = arith.constant 0 : i32
        %dma_start3A_404 = arith.constant 3 : i32
        %dma_start3A_405 = arith.constant 0 : i32
        %dma_start3A_406 = arith.constant 0 : i32
        %dma_start3A_407 = tpu.memref_slice %arg7[%dma_start3A_403, %dma_start3A_404, %dma_start3A_405, %dma_start3A_406] : memref<3x8x4x1024xf32, #tpu.memory_space<vmem>> -> memref<1x1x4x1024xf32, #tpu.memory_space<vmem>>
        %dma_start3A_408 = tpu.memref_squeeze %dma_start3A_407 : memref<1x1x4x1024xf32, #tpu.memory_space<vmem>> -> memref<4x1024xf32, #tpu.memory_space<vmem>>
        %dma_start3A_409 = tpu.memref_slice %arg6[%dma_start3A_402, %mul3A_401] : memref<8x256xi32, #tpu.memory_space<vmem>> -> memref<1x4xi32, #tpu.memory_space<vmem>>
        %dma_start3A_410 = tpu.memref_squeeze %dma_start3A_409 : memref<1x4xi32, #tpu.memory_space<vmem>> -> memref<4xi32, #tpu.memory_space<vmem>>
        %dma_start3A_411 = arith.constant 0 : i32
        %dma_start3A_412 = arith.constant 0 : i32
        %dma_start3A_413 = tpu.memref_slice %arg3[%dma_start3A_411, %dma_start3A_412] : memref<8192x1024xf32, #tpu.memory_space<hbm>> -> memref<8192x1024xf32, #tpu.memory_space<hbm>>
        tpu.enqueue_indirect_dma source(%dma_start3A_413 : memref<8192x1024xf32, #tpu.memory_space<hbm>>) target(%dma_start3A_408 : memref<4x1024xf32, #tpu.memory_space<vmem>>) offsets(%dma_start3A_410 : memref<4xi32, #tpu.memory_space<vmem>>) semaphore(%arg9 : memref<!tpu.dma_semaphore, #tpu.memory_space<semaphore_mem>>)
        %mul3A_414 = arith.constant 4 : i32
        %mul3A_415 = arith.muli %min3A_357, %mul3A_414 : i32
        %dma_start3A_416 = arith.constant 4 : i32
        %dma_start3A_417 = arith.constant 0 : i32
        %dma_start3A_418 = arith.constant 4 : i32
        %dma_start3A_419 = arith.constant 0 : i32
        %dma_start3A_420 = arith.constant 0 : i32
        %dma_start3A_421 = tpu.memref_slice %arg7[%dma_start3A_417, %dma_start3A_418, %dma_start3A_419, %dma_start3A_420] : memref<3x8x4x1024xf32, #tpu.memory_space<vmem>> -> memref<1x1x4x1024xf32, #tpu.memory_space<vmem>>
        %dma_start3A_422 = tpu.memref_squeeze %dma_start3A_421 : memref<1x1x4x1024xf32, #tpu.memory_space<vmem>> -> memref<4x1024xf32, #tpu.memory_space<vmem>>
        %dma_start3A_423 = tpu.memref_slice %arg6[%dma_start3A_416, %mul3A_415] : memref<8x256xi32, #tpu.memory_space<vmem>> -> memref<1x4xi32, #tpu.memory_space<vmem>>
        %dma_start3A_424 = tpu.memref_squeeze %dma_start3A_423 : memref<1x4xi32, #tpu.memory_space<vmem>> -> memref<4xi32, #tpu.memory_space<vmem>>
        %dma_start3A_425 = arith.constant 0 : i32
        %dma_start3A_426 = arith.constant 0 : i32
        %dma_start3A_427 = tpu.memref_slice %arg3[%dma_start3A_425, %dma_start3A_426] : memref<8192x1024xf32, #tpu.memory_space<hbm>> -> memref<8192x1024xf32, #tpu.memory_space<hbm>>
        tpu.enqueue_indirect_dma source(%dma_start3A_427 : memref<8192x1024xf32, #tpu.memory_space<hbm>>) target(%dma_start3A_422 : memref<4x1024xf32, #tpu.memory_space<vmem>>) offsets(%dma_start3A_424 : memref<4xi32, #tpu.memory_space<vmem>>) semaphore(%arg9 : memref<!tpu.dma_semaphore, #tpu.memory_space<semaphore_mem>>)
        %mul3A_428 = arith.constant 4 : i32
        %mul3A_429 = arith.muli %min3A_357, %mul3A_428 : i32
        %dma_start3A_430 = arith.constant 5 : i32
        %dma_start3A_431 = arith.constant 0 : i32
        %dma_start3A_432 = arith.constant 5 : i32
        %dma_start3A_433 = arith.constant 0 : i32
        %dma_start3A_434 = arith.constant 0 : i32
        %dma_start3A_435 = tpu.memref_slice %arg7[%dma_start3A_431, %dma_start3A_432, %dma_start3A_433, %dma_start3A_434] : memref<3x8x4x1024xf32, #tpu.memory_space<vmem>> -> memref<1x1x4x1024xf32, #tpu.memory_space<vmem>>
        %dma_start3A_436 = tpu.memref_squeeze %dma_start3A_435 : memref<1x1x4x1024xf32, #tpu.memory_space<vmem>> -> memref<4x1024xf32, #tpu.memory_space<vmem>>
        %dma_start3A_437 = tpu.memref_slice %arg6[%dma_start3A_430, %mul3A_429] : memref<8x256xi32, #tpu.memory_space<vmem>> -> memref<1x4xi32, #tpu.memory_space<vmem>>
        %dma_start3A_438 = tpu.memref_squeeze %dma_start3A_437 : memref<1x4xi32, #tpu.memory_space<vmem>> -> memref<4xi32, #tpu.memory_space<vmem>>
        %dma_start3A_439 = arith.constant 0 : i32
        %dma_start3A_440 = arith.constant 0 : i32
        %dma_start3A_441 = tpu.memref_slice %arg3[%dma_start3A_439, %dma_start3A_440] : memref<8192x1024xf32, #tpu.memory_space<hbm>> -> memref<8192x1024xf32, #tpu.memory_space<hbm>>
        tpu.enqueue_indirect_dma source(%dma_start3A_441 : memref<8192x1024xf32, #tpu.memory_space<hbm>>) target(%dma_start3A_436 : memref<4x1024xf32, #tpu.memory_space<vmem>>) offsets(%dma_start3A_438 : memref<4xi32, #tpu.memory_space<vmem>>) semaphore(%arg9 : memref<!tpu.dma_semaphore, #tpu.memory_space<semaphore_mem>>)
        %mul3A_442 = arith.constant 4 : i32
        %mul3A_443 = arith.muli %min3A_357, %mul3A_442 : i32
        %dma_start3A_444 = arith.constant 6 : i32
        %dma_start3A_445 = arith.constant 0 : i32
        %dma_start3A_446 = arith.constant 6 : i32
        %dma_start3A_447 = arith.constant 0 : i32
        %dma_start3A_448 = arith.constant 0 : i32
        %dma_start3A_449 = tpu.memref_slice %arg7[%dma_start3A_445, %dma_start3A_446, %dma_start3A_447, %dma_start3A_448] : memref<3x8x4x1024xf32, #tpu.memory_space<vmem>> -> memref<1x1x4x1024xf32, #tpu.memory_space<vmem>>
        %dma_start3A_450 = tpu.memref_squeeze %dma_start3A_449 : memref<1x1x4x1024xf32, #tpu.memory_space<vmem>> -> memref<4x1024xf32, #tpu.memory_space<vmem>>
        %dma_start3A_451 = tpu.memref_slice %arg6[%dma_start3A_444, %mul3A_443] : memref<8x256xi32, #tpu.memory_space<vmem>> -> memref<1x4xi32, #tpu.memory_space<vmem>>
        %dma_start3A_452 = tpu.memref_squeeze %dma_start3A_451 : memref<1x4xi32, #tpu.memory_space<vmem>> -> memref<4xi32, #tpu.memory_space<vmem>>
        %dma_start3A_453 = arith.constant 0 : i32
        %dma_start3A_454 = arith.constant 0 : i32
        %dma_start3A_455 = tpu.memref_slice %arg3[%dma_start3A_453, %dma_start3A_454] : memref<8192x1024xf32, #tpu.memory_space<hbm>> -> memref<8192x1024xf32, #tpu.memory_space<hbm>>
        tpu.enqueue_indirect_dma source(%dma_start3A_455 : memref<8192x1024xf32, #tpu.memory_space<hbm>>) target(%dma_start3A_450 : memref<4x1024xf32, #tpu.memory_space<vmem>>) offsets(%dma_start3A_452 : memref<4xi32, #tpu.memory_space<vmem>>) semaphore(%arg9 : memref<!tpu.dma_semaphore, #tpu.memory_space<semaphore_mem>>)
        %mul3A_456 = arith.constant 4 : i32
        %mul3A_457 = arith.muli %min3A_357, %mul3A_456 : i32
        %dma_start3A_458 = arith.constant 7 : i32
        %dma_start3A_459 = arith.constant 0 : i32
        %dma_start3A_460 = arith.constant 7 : i32
        %dma_start3A_461 = arith.constant 0 : i32
        %dma_start3A_462 = arith.constant 0 : i32
        %dma_start3A_463 = tpu.memref_slice %arg7[%dma_start3A_459, %dma_start3A_460, %dma_start3A_461, %dma_start3A_462] : memref<3x8x4x1024xf32, #tpu.memory_space<vmem>> -> memref<1x1x4x1024xf32, #tpu.memory_space<vmem>>
        %dma_start3A_464 = tpu.memref_squeeze %dma_start3A_463 : memref<1x1x4x1024xf32, #tpu.memory_space<vmem>> -> memref<4x1024xf32, #tpu.memory_space<vmem>>
        %dma_start3A_465 = tpu.memref_slice %arg6[%dma_start3A_458, %mul3A_457] : memref<8x256xi32, #tpu.memory_space<vmem>> -> memref<1x4xi32, #tpu.memory_space<vmem>>
        %dma_start3A_466 = tpu.memref_squeeze %dma_start3A_465 : memref<1x4xi32, #tpu.memory_space<vmem>> -> memref<4xi32, #tpu.memory_space<vmem>>
        %dma_start3A_467 = arith.constant 0 : i32
        %dma_start3A_468 = arith.constant 0 : i32
        %dma_start3A_469 = tpu.memref_slice %arg3[%dma_start3A_467, %dma_start3A_468] : memref<8192x1024xf32, #tpu.memory_space<hbm>> -> memref<8192x1024xf32, #tpu.memory_space<hbm>>
        tpu.enqueue_indirect_dma source(%dma_start3A_469 : memref<8192x1024xf32, #tpu.memory_space<hbm>>) target(%dma_start3A_464 : memref<4x1024xf32, #tpu.memory_space<vmem>>) offsets(%dma_start3A_466 : memref<4xi32, #tpu.memory_space<vmem>>) semaphore(%arg9 : memref<!tpu.dma_semaphore, #tpu.memory_space<semaphore_mem>>)
        %dma_wait3A_470 = arith.constant 1 : i32
        %dma_wait3A_471 = arith.constant 0 : i32
        %dma_wait3A_472 = arith.constant 0 : i32
        %dma_wait3A_473 = arith.constant 0 : i32
        %dma_wait3A_474 = tpu.memref_slice %arg7[%dma_wait3A_470, %dma_wait3A_471, %dma_wait3A_472, %dma_wait3A_473] : memref<3x8x4x1024xf32, #tpu.memory_space<vmem>> -> memref<1x8x4x1024xf32, #tpu.memory_space<vmem>>
        %dma_wait3A_475 = tpu.memref_squeeze %dma_wait3A_474 : memref<1x8x4x1024xf32, #tpu.memory_space<vmem>> -> memref<8x4x1024xf32, #tpu.memory_space<vmem>>
        %dma_wait3A_476 = arith.constant 0 : i32
        %dma_wait3A_477 = arith.constant 0 : i32
        %dma_wait3A_478 = arith.constant 0 : i32
        %dma_wait3A_479 = tpu.memref_slice %arg7[%dma_wait3A_470, %dma_wait3A_476, %dma_wait3A_477, %dma_wait3A_478] : memref<3x8x4x1024xf32, #tpu.memory_space<vmem>> -> memref<1x8x4x1024xf32, #tpu.memory_space<vmem>>
        %dma_wait3A_480 = tpu.memref_squeeze %dma_wait3A_479 : memref<1x8x4x1024xf32, #tpu.memory_space<vmem>> -> memref<8x4x1024xf32, #tpu.memory_space<vmem>>
        tpu.wait_dma2 semaphore(%arg10 : memref<!tpu.dma_semaphore, #tpu.memory_space<semaphore_mem>>) src(%arg4 : memref<8x4x1024xf32, #tpu.memory_space<hbm>>) dst(%dma_wait3A_480 : memref<8x4x1024xf32, #tpu.memory_space<vmem>>)
        %scan3A_481 = arith.constant 0 : i32
        %scan3A_482 = arith.constant 0 : i32
        %scan3A_483 = arith.constant 64 : i32
        %scan3A_484 = arith.addi %scan3A_482, %scan3A_483 : i32
        %scan3A_485 = arith.constant 1 : i32
        %scan3A_486 = scf.for %scan3A_512 = %scan3A_482 to %scan3A_484 step %scan3A_485 iter_args(%scan3A_513 = %scan3A_481) -> (i32)  : i32 {
          %mul3A_514 = arith.constant 16 : i32
          %mul3A_515 = arith.muli %scan3A_512, %mul3A_514 : i32
          %multiple_of3A = tpu.assume_multiple %mul3A_515, 16 : i32
          %get3A = arith.constant 1 : i32
          %get3A_516 = arith.constant 0 : i32
          %get3A_517 = arith.constant 0 : i32
          %get3A_518 = arith.index_cast %get3A : i32 to index
          %get3A_519 = arith.index_cast %get3A_516 : i32 to index
          %get3A_520 = arith.index_cast %get3A_517 : i32 to index
          %get3A_521 = arith.index_cast %multiple_of3A : i32 to index
          %get3A_522 = tpu.vector_load %arg7[%get3A_518, %get3A_519, %get3A_520, %get3A_521] {strides = array<i32>} : memref<3x8x4x1024xf32, #tpu.memory_space<vmem>>, vector<1x1x1x16xf32>,
          %get3A_523 = vector.shape_cast %get3A_522 : vector<1x1x1x16xf32> to vector<16xf32>
          %get3A_524 = arith.constant 1 : i32
          %get3A_525 = arith.constant 1 : i32
          %get3A_526 = arith.constant 0 : i32
          %get3A_527 = arith.index_cast %get3A_524 : i32 to index
          %get3A_528 = arith.index_cast %get3A_525 : i32 to index
          %get3A_529 = arith.index_cast %get3A_526 : i32 to index
          %get3A_530 = arith.index_cast %multiple_of3A : i32 to index
          %get3A_531 = tpu.vector_load %arg7[%get3A_527, %get3A_528, %get3A_529, %get3A_530] {strides = array<i32>} : memref<3x8x4x1024xf32, #tpu.memory_space<vmem>>, vector<1x1x1x16xf32>,
          %get3A_532 = vector.shape_cast %get3A_531 : vector<1x1x1x16xf32> to vector<16xf32>
          %add3A_533 = arith.addf %get3A_523, %get3A_532 : vector<16xf32>
          %get3A_534 = arith.constant 1 : i32
          %get3A_535 = arith.constant 2 : i32
          %get3A_536 = arith.constant 0 : i32
          %get3A_537 = arith.index_cast %get3A_534 : i32 to index
          %get3A_538 = arith.index_cast %get3A_535 : i32 to index
          %get3A_539 = arith.index_cast %get3A_536 : i32 to index
          %get3A_540 = arith.index_cast %multiple_of3A : i32 to index
          %get3A_541 = tpu.vector_load %arg7[%get3A_537, %get3A_538, %get3A_539, %get3A_540] {strides = array<i32>} : memref<3x8x4x1024xf32, #tpu.memory_space<vmem>>, vector<1x1x1x16xf32>,
          %get3A_542 = vector.shape_cast %get3A_541 : vector<1x1x1x16xf32> to vector<16xf32>
          %add3A_543 = arith.addf %add3A_533, %get3A_542 : vector<16xf32>
          %get3A_544 = arith.constant 1 : i32
          %get3A_545 = arith.constant 3 : i32
          %get3A_546 = arith.constant 0 : i32
          %get3A_547 = arith.index_cast %get3A_544 : i32 to index
          %get3A_548 = arith.index_cast %get3A_545 : i32 to index
          %get3A_549 = arith.index_cast %get3A_546 : i32 to index
          %get3A_550 = arith.index_cast %multiple_of3A : i32 to index
          %get3A_551 = tpu.vector_load %arg7[%get3A_547, %get3A_548, %get3A_549, %get3A_550] {strides = array<i32>} : memref<3x8x4x1024xf32, #tpu.memory_space<vmem>>, vector<1x1x1x16xf32>,
          %get3A_552 = vector.shape_cast %get3A_551 : vector<1x1x1x16xf32> to vector<16xf32>
          %add3A_553 = arith.addf %add3A_543, %get3A_552 : vector<16xf32>
          %get3A_554 = arith.constant 1 : i32
          %get3A_555 = arith.constant 4 : i32
          %get3A_556 = arith.constant 0 : i32
          %get3A_557 = arith.index_cast %get3A_554 : i32 to index
          %get3A_558 = arith.index_cast %get3A_555 : i32 to index
          %get3A_559 = arith.index_cast %get3A_556 : i32 to index
          %get3A_560 = arith.index_cast %multiple_of3A : i32 to index
          %get3A_561 = tpu.vector_load %arg7[%get3A_557, %get3A_558, %get3A_559, %get3A_560] {strides = array<i32>} : memref<3x8x4x1024xf32, #tpu.memory_space<vmem>>, vector<1x1x1x16xf32>,
          %get3A_562 = vector.shape_cast %get3A_561 : vector<1x1x1x16xf32> to vector<16xf32>
          %add3A_563 = arith.addf %add3A_553, %get3A_562 : vector<16xf32>
          %get3A_564 = arith.constant 1 : i32
          %get3A_565 = arith.constant 5 : i32
          %get3A_566 = arith.constant 0 : i32
          %get3A_567 = arith.index_cast %get3A_564 : i32 to index
          %get3A_568 = arith.index_cast %get3A_565 : i32 to index
          %get3A_569 = arith.index_cast %get3A_566 : i32 to index
          %get3A_570 = arith.index_cast %multiple_of3A : i32 to index
          %get3A_571 = tpu.vector_load %arg7[%get3A_567, %get3A_568, %get3A_569, %get3A_570] {strides = array<i32>} : memref<3x8x4x1024xf32, #tpu.memory_space<vmem>>, vector<1x1x1x16xf32>,
          %get3A_572 = vector.shape_cast %get3A_571 : vector<1x1x1x16xf32> to vector<16xf32>
          %add3A_573 = arith.addf %add3A_563, %get3A_572 : vector<16xf32>
          %get3A_574 = arith.constant 1 : i32
          %get3A_575 = arith.constant 6 : i32
          %get3A_576 = arith.constant 0 : i32
          %get3A_577 = arith.index_cast %get3A_574 : i32 to index
          %get3A_578 = arith.index_cast %get3A_575 : i32 to index
          %get3A_579 = arith.index_cast %get3A_576 : i32 to index
          %get3A_580 = arith.index_cast %multiple_of3A : i32 to index
          %get3A_581 = tpu.vector_load %arg7[%get3A_577, %get3A_578, %get3A_579, %get3A_580] {strides = array<i32>} : memref<3x8x4x1024xf32, #tpu.memory_space<vmem>>, vector<1x1x1x16xf32>,
          %get3A_582 = vector.shape_cast %get3A_581 : vector<1x1x1x16xf32> to vector<16xf32>
          %add3A_583 = arith.addf %add3A_573, %get3A_582 : vector<16xf32>
          %get3A_584 = arith.constant 1 : i32
          %get3A_585 = arith.constant 7 : i32
          %get3A_586 = arith.constant 0 : i32
          %get3A_587 = arith.index_cast %get3A_584 : i32 to index
          %get3A_588 = arith.index_cast %get3A_585 : i32 to index
          %get3A_589 = arith.index_cast %get3A_586 : i32 to index
          %get3A_590 = arith.index_cast %multiple_of3A : i32 to index
          %get3A_591 = tpu.vector_load %arg7[%get3A_587, %get3A_588, %get3A_589, %get3A_590] {strides = array<i32>} : memref<3x8x4x1024xf32, #tpu.memory_space<vmem>>, vector<1x1x1x16xf32>,
          %get3A_592 = vector.shape_cast %get3A_591 : vector<1x1x1x16xf32> to vector<16xf32>
          %add3A_593 = arith.addf %add3A_583, %get3A_592 : vector<16xf32>
          %swap3A = arith.constant 0 : i32
          %swap3A_594 = arith.index_cast %swap3A : i32 to index
          %swap3A_595 = arith.index_cast %multiple_of3A : i32 to index
          %swap3A_596 = tpu.vector_load %arg8[%swap3A_594, %swap3A_595] {strides = array<i32>} : memref<4x1024xf32, #tpu.memory_space<vmem>>, vector<1x16xf32>,
          %swap3A_597 = vector.shape_cast %swap3A_596 : vector<1x16xf32> to vector<16xf32>
          %swap3A_598 = vector.shape_cast %add3A_593 : vector<16xf32> to vector<1x16xf32>
          tpu.vector_store %arg8[%swap3A_594, %swap3A_595], %swap3A_598 {strides = array<i32>} : memref<4x1024xf32, #tpu.memory_space<vmem>>, vector<1x16xf32>,
          %scan3A_599 = arith.constant 0 : i32
          scf.yield %scan3A_599 : i32
        }
        %scan3A_487 = arith.constant 64 : i32
        %scan3A_488 = arith.constant 0 : i32
        %scan3A_489 = arith.constant 0 : i32
        %scan3A_490 = arith.constant 64 : i32
        %scan3A_491 = arith.addi %scan3A_489, %scan3A_490 : i32
        %scan3A_492 = arith.constant 1 : i32
        %scan3A_493 = scf.for %scan3A_512 = %scan3A_489 to %scan3A_491 step %scan3A_492 iter_args(%scan3A_513 = %scan3A_488) -> (i32)  : i32 {
          %mul3A_514 = arith.constant 16 : i32
          %mul3A_515 = arith.muli %scan3A_512, %mul3A_514 : i32
          %multiple_of3A = tpu.assume_multiple %mul3A_515, 16 : i32
          %get3A = arith.constant 1 : i32
          %get3A_516 = arith.constant 0 : i32
          %get3A_517 = arith.constant 1 : i32
          %get3A_518 = arith.index_cast %get3A : i32 to index
          %get3A_519 = arith.index_cast %get3A_516 : i32 to index
          %get3A_520 = arith.index_cast %get3A_517 : i32 to index
          %get3A_521 = arith.index_cast %multiple_of3A : i32 to index
          %get3A_522 = tpu.vector_load %arg7[%get3A_518, %get3A_519, %get3A_520, %get3A_521] {strides = array<i32>} : memref<3x8x4x1024xf32, #tpu.memory_space<vmem>>, vector<1x1x1x16xf32>,
          %get3A_523 = vector.shape_cast %get3A_522 : vector<1x1x1x16xf32> to vector<16xf32>
          %get3A_524 = arith.constant 1 : i32
          %get3A_525 = arith.constant 1 : i32
          %get3A_526 = arith.constant 1 : i32
          %get3A_527 = arith.index_cast %get3A_524 : i32 to index
          %get3A_528 = arith.index_cast %get3A_525 : i32 to index
          %get3A_529 = arith.index_cast %get3A_526 : i32 to index
          %get3A_530 = arith.index_cast %multiple_of3A : i32 to index
          %get3A_531 = tpu.vector_load %arg7[%get3A_527, %get3A_528, %get3A_529, %get3A_530] {strides = array<i32>} : memref<3x8x4x1024xf32, #tpu.memory_space<vmem>>, vector<1x1x1x16xf32>,
          %get3A_532 = vector.shape_cast %get3A_531 : vector<1x1x1x16xf32> to vector<16xf32>
          %add3A_533 = arith.addf %get3A_523, %get3A_532 : vector<16xf32>
          %get3A_534 = arith.constant 1 : i32
          %get3A_535 = arith.constant 2 : i32
          %get3A_536 = arith.constant 1 : i32
          %get3A_537 = arith.index_cast %get3A_534 : i32 to index
          %get3A_538 = arith.index_cast %get3A_535 : i32 to index
          %get3A_539 = arith.index_cast %get3A_536 : i32 to index
          %get3A_540 = arith.index_cast %multiple_of3A : i32 to index
          %get3A_541 = tpu.vector_load %arg7[%get3A_537, %get3A_538, %get3A_539, %get3A_540] {strides = array<i32>} : memref<3x8x4x1024xf32, #tpu.memory_space<vmem>>, vector<1x1x1x16xf32>,
          %get3A_542 = vector.shape_cast %get3A_541 : vector<1x1x1x16xf32> to vector<16xf32>
          %add3A_543 = arith.addf %add3A_533, %get3A_542 : vector<16xf32>
          %get3A_544 = arith.constant 1 : i32
          %get3A_545 = arith.constant 3 : i32
          %get3A_546 = arith.constant 1 : i32
          %get3A_547 = arith.index_cast %get3A_544 : i32 to index
          %get3A_548 = arith.index_cast %get3A_545 : i32 to index
          %get3A_549 = arith.index_cast %get3A_546 : i32 to index
          %get3A_550 = arith.index_cast %multiple_of3A : i32 to index
          %get3A_551 = tpu.vector_load %arg7[%get3A_547, %get3A_548, %get3A_549, %get3A_550] {strides = array<i32>} : memref<3x8x4x1024xf32, #tpu.memory_space<vmem>>, vector<1x1x1x16xf32>,
          %get3A_552 = vector.shape_cast %get3A_551 : vector<1x1x1x16xf32> to vector<16xf32>
          %add3A_553 = arith.addf %add3A_543, %get3A_552 : vector<16xf32>
          %get3A_554 = arith.constant 1 : i32
          %get3A_555 = arith.constant 4 : i32
          %get3A_556 = arith.constant 1 : i32
          %get3A_557 = arith.index_cast %get3A_554 : i32 to index
          %get3A_558 = arith.index_cast %get3A_555 : i32 to index
          %get3A_559 = arith.index_cast %get3A_556 : i32 to index
          %get3A_560 = arith.index_cast %multiple_of3A : i32 to index
          %get3A_561 = tpu.vector_load %arg7[%get3A_557, %get3A_558, %get3A_559, %get3A_560] {strides = array<i32>} : memref<3x8x4x1024xf32, #tpu.memory_space<vmem>>, vector<1x1x1x16xf32>,
          %get3A_562 = vector.shape_cast %get3A_561 : vector<1x1x1x16xf32> to vector<16xf32>
          %add3A_563 = arith.addf %add3A_553, %get3A_562 : vector<16xf32>
          %get3A_564 = arith.constant 1 : i32
          %get3A_565 = arith.constant 5 : i32
          %get3A_566 = arith.constant 1 : i32
          %get3A_567 = arith.index_cast %get3A_564 : i32 to index
          %get3A_568 = arith.index_cast %get3A_565 : i32 to index
          %get3A_569 = arith.index_cast %get3A_566 : i32 to index
          %get3A_570 = arith.index_cast %multiple_of3A : i32 to index
          %get3A_571 = tpu.vector_load %arg7[%get3A_567, %get3A_568, %get3A_569, %get3A_570] {strides = array<i32>} : memref<3x8x4x1024xf32, #tpu.memory_space<vmem>>, vector<1x1x1x16xf32>,
          %get3A_572 = vector.shape_cast %get3A_571 : vector<1x1x1x16xf32> to vector<16xf32>
          %add3A_573 = arith.addf %add3A_563, %get3A_572 : vector<16xf32>
          %get3A_574 = arith.constant 1 : i32
          %get3A_575 = arith.constant 6 : i32
          %get3A_576 = arith.constant 1 : i32
          %get3A_577 = arith.index_cast %get3A_574 : i32 to index
          %get3A_578 = arith.index_cast %get3A_575 : i32 to index
          %get3A_579 = arith.index_cast %get3A_576 : i32 to index
          %get3A_580 = arith.index_cast %multiple_of3A : i32 to index
          %get3A_581 = tpu.vector_load %arg7[%get3A_577, %get3A_578, %get3A_579, %get3A_580] {strides = array<i32>} : memref<3x8x4x1024xf32, #tpu.memory_space<vmem>>, vector<1x1x1x16xf32>,
          %get3A_582 = vector.shape_cast %get3A_581 : vector<1x1x1x16xf32> to vector<16xf32>
          %add3A_583 = arith.addf %add3A_573, %get3A_582 : vector<16xf32>
          %get3A_584 = arith.constant 1 : i32
          %get3A_585 = arith.constant 7 : i32
          %get3A_586 = arith.constant 1 : i32
          %get3A_587 = arith.index_cast %get3A_584 : i32 to index
          %get3A_588 = arith.index_cast %get3A_585 : i32 to index
          %get3A_589 = arith.index_cast %get3A_586 : i32 to index
          %get3A_590 = arith.index_cast %multiple_of3A : i32 to index
          %get3A_591 = tpu.vector_load %arg7[%get3A_587, %get3A_588, %get3A_589, %get3A_590] {strides = array<i32>} : memref<3x8x4x1024xf32, #tpu.memory_space<vmem>>, vector<1x1x1x16xf32>,
          %get3A_592 = vector.shape_cast %get3A_591 : vector<1x1x1x16xf32> to vector<16xf32>
          %add3A_593 = arith.addf %add3A_583, %get3A_592 : vector<16xf32>
          %swap3A = arith.constant 1 : i32
          %swap3A_594 = arith.index_cast %swap3A : i32 to index
          %swap3A_595 = arith.index_cast %multiple_of3A : i32 to index
          %swap3A_596 = tpu.vector_load %arg8[%swap3A_594, %swap3A_595] {strides = array<i32>} : memref<4x1024xf32, #tpu.memory_space<vmem>>, vector<1x16xf32>,
          %swap3A_597 = vector.shape_cast %swap3A_596 : vector<1x16xf32> to vector<16xf32>
          %swap3A_598 = vector.shape_cast %add3A_593 : vector<16xf32> to vector<1x16xf32>
          tpu.vector_store %arg8[%swap3A_594, %swap3A_595], %swap3A_598 {strides = array<i32>} : memref<4x1024xf32, #tpu.memory_space<vmem>>, vector<1x16xf32>,
          %scan3A_599 = arith.constant 0 : i32
          scf.yield %scan3A_599 : i32
        }
        %scan3A_494 = arith.constant 64 : i32
        %scan3A_495 = arith.constant 0 : i32
        %scan3A_496 = arith.constant 0 : i32
        %scan3A_497 = arith.constant 64 : i32
        %scan3A_498 = arith.addi %scan3A_496, %scan3A_497 : i32
        %scan3A_499 = arith.constant 1 : i32
        %scan3A_500 = scf.for %scan3A_512 = %scan3A_496 to %scan3A_498 step %scan3A_499 iter_args(%scan3A_513 = %scan3A_495) -> (i32)  : i32 {
          %mul3A_514 = arith.constant 16 : i32
          %mul3A_515 = arith.muli %scan3A_512, %mul3A_514 : i32
          %multiple_of3A = tpu.assume_multiple %mul3A_515, 16 : i32
          %get3A = arith.constant 1 : i32
          %get3A_516 = arith.constant 0 : i32
          %get3A_517 = arith.constant 2 : i32
          %get3A_518 = arith.index_cast %get3A : i32 to index
          %get3A_519 = arith.index_cast %get3A_516 : i32 to index
          %get3A_520 = arith.index_cast %get3A_517 : i32 to index
          %get3A_521 = arith.index_cast %multiple_of3A : i32 to index
          %get3A_522 = tpu.vector_load %arg7[%get3A_518, %get3A_519, %get3A_520, %get3A_521] {strides = array<i32>} : memref<3x8x4x1024xf32, #tpu.memory_space<vmem>>, vector<1x1x1x16xf32>,
          %get3A_523 = vector.shape_cast %get3A_522 : vector<1x1x1x16xf32> to vector<16xf32>
          %get3A_524 = arith.constant 1 : i32
          %get3A_525 = arith.constant 1 : i32
          %get3A_526 = arith.constant 2 : i32
          %get3A_527 = arith.index_cast %get3A_524 : i32 to index
          %get3A_528 = arith.index_cast %get3A_525 : i32 to index
          %get3A_529 = arith.index_cast %get3A_526 : i32 to index
          %get3A_530 = arith.index_cast %multiple_of3A : i32 to index
          %get3A_531 = tpu.vector_load %arg7[%get3A_527, %get3A_528, %get3A_529, %get3A_530] {strides = array<i32>} : memref<3x8x4x1024xf32, #tpu.memory_space<vmem>>, vector<1x1x1x16xf32>,
          %get3A_532 = vector.shape_cast %get3A_531 : vector<1x1x1x16xf32> to vector<16xf32>
          %add3A_533 = arith.addf %get3A_523, %get3A_532 : vector<16xf32>
          %get3A_534 = arith.constant 1 : i32
          %get3A_535 = arith.constant 2 : i32
          %get3A_536 = arith.constant 2 : i32
          %get3A_537 = arith.index_cast %get3A_534 : i32 to index
          %get3A_538 = arith.index_cast %get3A_535 : i32 to index
          %get3A_539 = arith.index_cast %get3A_536 : i32 to index
          %get3A_540 = arith.index_cast %multiple_of3A : i32 to index
          %get3A_541 = tpu.vector_load %arg7[%get3A_537, %get3A_538, %get3A_539, %get3A_540] {strides = array<i32>} : memref<3x8x4x1024xf32, #tpu.memory_space<vmem>>, vector<1x1x1x16xf32>,
          %get3A_542 = vector.shape_cast %get3A_541 : vector<1x1x1x16xf32> to vector<16xf32>
          %add3A_543 = arith.addf %add3A_533, %get3A_542 : vector<16xf32>
          %get3A_544 = arith.constant 1 : i32
          %get3A_545 = arith.constant 3 : i32
          %get3A_546 = arith.constant 2 : i32
          %get3A_547 = arith.index_cast %get3A_544 : i32 to index
          %get3A_548 = arith.index_cast %get3A_545 : i32 to index
          %get3A_549 = arith.index_cast %get3A_546 : i32 to index
          %get3A_550 = arith.index_cast %multiple_of3A : i32 to index
          %get3A_551 = tpu.vector_load %arg7[%get3A_547, %get3A_548, %get3A_549, %get3A_550] {strides = array<i32>} : memref<3x8x4x1024xf32, #tpu.memory_space<vmem>>, vector<1x1x1x16xf32>,
          %get3A_552 = vector.shape_cast %get3A_551 : vector<1x1x1x16xf32> to vector<16xf32>
          %add3A_553 = arith.addf %add3A_543, %get3A_552 : vector<16xf32>
          %get3A_554 = arith.constant 1 : i32
          %get3A_555 = arith.constant 4 : i32
          %get3A_556 = arith.constant 2 : i32
          %get3A_557 = arith.index_cast %get3A_554 : i32 to index
          %get3A_558 = arith.index_cast %get3A_555 : i32 to index
          %get3A_559 = arith.index_cast %get3A_556 : i32 to index
          %get3A_560 = arith.index_cast %multiple_of3A : i32 to index
          %get3A_561 = tpu.vector_load %arg7[%get3A_557, %get3A_558, %get3A_559, %get3A_560] {strides = array<i32>} : memref<3x8x4x1024xf32, #tpu.memory_space<vmem>>, vector<1x1x1x16xf32>,
          %get3A_562 = vector.shape_cast %get3A_561 : vector<1x1x1x16xf32> to vector<16xf32>
          %add3A_563 = arith.addf %add3A_553, %get3A_562 : vector<16xf32>
          %get3A_564 = arith.constant 1 : i32
          %get3A_565 = arith.constant 5 : i32
          %get3A_566 = arith.constant 2 : i32
          %get3A_567 = arith.index_cast %get3A_564 : i32 to index
          %get3A_568 = arith.index_cast %get3A_565 : i32 to index
          %get3A_569 = arith.index_cast %get3A_566 : i32 to index
          %get3A_570 = arith.index_cast %multiple_of3A : i32 to index
          %get3A_571 = tpu.vector_load %arg7[%get3A_567, %get3A_568, %get3A_569, %get3A_570] {strides = array<i32>} : memref<3x8x4x1024xf32, #tpu.memory_space<vmem>>, vector<1x1x1x16xf32>,
          %get3A_572 = vector.shape_cast %get3A_571 : vector<1x1x1x16xf32> to vector<16xf32>
          %add3A_573 = arith.addf %add3A_563, %get3A_572 : vector<16xf32>
          %get3A_574 = arith.constant 1 : i32
          %get3A_575 = arith.constant 6 : i32
          %get3A_576 = arith.constant 2 : i32
          %get3A_577 = arith.index_cast %get3A_574 : i32 to index
          %get3A_578 = arith.index_cast %get3A_575 : i32 to index
          %get3A_579 = arith.index_cast %get3A_576 : i32 to index
          %get3A_580 = arith.index_cast %multiple_of3A : i32 to index
          %get3A_581 = tpu.vector_load %arg7[%get3A_577, %get3A_578, %get3A_579, %get3A_580] {strides = array<i32>} : memref<3x8x4x1024xf32, #tpu.memory_space<vmem>>, vector<1x1x1x16xf32>,
          %get3A_582 = vector.shape_cast %get3A_581 : vector<1x1x1x16xf32> to vector<16xf32>
          %add3A_583 = arith.addf %add3A_573, %get3A_582 : vector<16xf32>
          %get3A_584 = arith.constant 1 : i32
          %get3A_585 = arith.constant 7 : i32
          %get3A_586 = arith.constant 2 : i32
          %get3A_587 = arith.index_cast %get3A_584 : i32 to index
          %get3A_588 = arith.index_cast %get3A_585 : i32 to index
          %get3A_589 = arith.index_cast %get3A_586 : i32 to index
          %get3A_590 = arith.index_cast %multiple_of3A : i32 to index
          %get3A_591 = tpu.vector_load %arg7[%get3A_587, %get3A_588, %get3A_589, %get3A_590] {strides = array<i32>} : memref<3x8x4x1024xf32, #tpu.memory_space<vmem>>, vector<1x1x1x16xf32>,
          %get3A_592 = vector.shape_cast %get3A_591 : vector<1x1x1x16xf32> to vector<16xf32>
          %add3A_593 = arith.addf %add3A_583, %get3A_592 : vector<16xf32>
          %swap3A = arith.constant 2 : i32
          %swap3A_594 = arith.index_cast %swap3A : i32 to index
          %swap3A_595 = arith.index_cast %multiple_of3A : i32 to index
          %swap3A_596 = tpu.vector_load %arg8[%swap3A_594, %swap3A_595] {strides = array<i32>} : memref<4x1024xf32, #tpu.memory_space<vmem>>, vector<1x16xf32>,
          %swap3A_597 = vector.shape_cast %swap3A_596 : vector<1x16xf32> to vector<16xf32>
          %swap3A_598 = vector.shape_cast %add3A_593 : vector<16xf32> to vector<1x16xf32>
          tpu.vector_store %arg8[%swap3A_594, %swap3A_595], %swap3A_598 {strides = array<i32>} : memref<4x1024xf32, #tpu.memory_space<vmem>>, vector<1x16xf32>,
          %scan3A_599 = arith.constant 0 : i32
          scf.yield %scan3A_599 : i32
        }
        %scan3A_501 = arith.constant 64 : i32
        %scan3A_502 = arith.constant 0 : i32
        %scan3A_503 = arith.constant 0 : i32
        %scan3A_504 = arith.constant 64 : i32
        %scan3A_505 = arith.addi %scan3A_503, %scan3A_504 : i32
        %scan3A_506 = arith.constant 1 : i32
        %scan3A_507 = scf.for %scan3A_512 = %scan3A_503 to %scan3A_505 step %scan3A_506 iter_args(%scan3A_513 = %scan3A_502) -> (i32)  : i32 {
          %mul3A_514 = arith.constant 16 : i32
          %mul3A_515 = arith.muli %scan3A_512, %mul3A_514 : i32
          %multiple_of3A = tpu.assume_multiple %mul3A_515, 16 : i32
          %get3A = arith.constant 1 : i32
          %get3A_516 = arith.constant 0 : i32
          %get3A_517 = arith.constant 3 : i32
          %get3A_518 = arith.index_cast %get3A : i32 to index
          %get3A_519 = arith.index_cast %get3A_516 : i32 to index
          %get3A_520 = arith.index_cast %get3A_517 : i32 to index
          %get3A_521 = arith.index_cast %multiple_of3A : i32 to index
          %get3A_522 = tpu.vector_load %arg7[%get3A_518, %get3A_519, %get3A_520, %get3A_521] {strides = array<i32>} : memref<3x8x4x1024xf32, #tpu.memory_space<vmem>>, vector<1x1x1x16xf32>,
          %get3A_523 = vector.shape_cast %get3A_522 : vector<1x1x1x16xf32> to vector<16xf32>
          %get3A_524 = arith.constant 1 : i32
          %get3A_525 = arith.constant 1 : i32
          %get3A_526 = arith.constant 3 : i32
          %get3A_527 = arith.index_cast %get3A_524 : i32 to index
          %get3A_528 = arith.index_cast %get3A_525 : i32 to index
          %get3A_529 = arith.index_cast %get3A_526 : i32 to index
          %get3A_530 = arith.index_cast %multiple_of3A : i32 to index
          %get3A_531 = tpu.vector_load %arg7[%get3A_527, %get3A_528, %get3A_529, %get3A_530] {strides = array<i32>} : memref<3x8x4x1024xf32, #tpu.memory_space<vmem>>, vector<1x1x1x16xf32>,
          %get3A_532 = vector.shape_cast %get3A_531 : vector<1x1x1x16xf32> to vector<16xf32>
          %add3A_533 = arith.addf %get3A_523, %get3A_532 : vector<16xf32>
          %get3A_534 = arith.constant 1 : i32
          %get3A_535 = arith.constant 2 : i32
          %get3A_536 = arith.constant 3 : i32
          %get3A_537 = arith.index_cast %get3A_534 : i32 to index
          %get3A_538 = arith.index_cast %get3A_535 : i32 to index
          %get3A_539 = arith.index_cast %get3A_536 : i32 to index
          %get3A_540 = arith.index_cast %multiple_of3A : i32 to index
          %get3A_541 = tpu.vector_load %arg7[%get3A_537, %get3A_538, %get3A_539, %get3A_540] {strides = array<i32>} : memref<3x8x4x1024xf32, #tpu.memory_space<vmem>>, vector<1x1x1x16xf32>,
          %get3A_542 = vector.shape_cast %get3A_541 : vector<1x1x1x16xf32> to vector<16xf32>
          %add3A_543 = arith.addf %add3A_533, %get3A_542 : vector<16xf32>
          %get3A_544 = arith.constant 1 : i32
          %get3A_545 = arith.constant 3 : i32
          %get3A_546 = arith.constant 3 : i32
          %get3A_547 = arith.index_cast %get3A_544 : i32 to index
          %get3A_548 = arith.index_cast %get3A_545 : i32 to index
          %get3A_549 = arith.index_cast %get3A_546 : i32 to index
          %get3A_550 = arith.index_cast %multiple_of3A : i32 to index
          %get3A_551 = tpu.vector_load %arg7[%get3A_547, %get3A_548, %get3A_549, %get3A_550] {strides = array<i32>} : memref<3x8x4x1024xf32, #tpu.memory_space<vmem>>, vector<1x1x1x16xf32>,
          %get3A_552 = vector.shape_cast %get3A_551 : vector<1x1x1x16xf32> to vector<16xf32>
          %add3A_553 = arith.addf %add3A_543, %get3A_552 : vector<16xf32>
          %get3A_554 = arith.constant 1 : i32
          %get3A_555 = arith.constant 4 : i32
          %get3A_556 = arith.constant 3 : i32
          %get3A_557 = arith.index_cast %get3A_554 : i32 to index
          %get3A_558 = arith.index_cast %get3A_555 : i32 to index
          %get3A_559 = arith.index_cast %get3A_556 : i32 to index
          %get3A_560 = arith.index_cast %multiple_of3A : i32 to index
          %get3A_561 = tpu.vector_load %arg7[%get3A_557, %get3A_558, %get3A_559, %get3A_560] {strides = array<i32>} : memref<3x8x4x1024xf32, #tpu.memory_space<vmem>>, vector<1x1x1x16xf32>,
          %get3A_562 = vector.shape_cast %get3A_561 : vector<1x1x1x16xf32> to vector<16xf32>
          %add3A_563 = arith.addf %add3A_553, %get3A_562 : vector<16xf32>
          %get3A_564 = arith.constant 1 : i32
          %get3A_565 = arith.constant 5 : i32
          %get3A_566 = arith.constant 3 : i32
          %get3A_567 = arith.index_cast %get3A_564 : i32 to index
          %get3A_568 = arith.index_cast %get3A_565 : i32 to index
          %get3A_569 = arith.index_cast %get3A_566 : i32 to index
          %get3A_570 = arith.index_cast %multiple_of3A : i32 to index
          %get3A_571 = tpu.vector_load %arg7[%get3A_567, %get3A_568, %get3A_569, %get3A_570] {strides = array<i32>} : memref<3x8x4x1024xf32, #tpu.memory_space<vmem>>, vector<1x1x1x16xf32>,
          %get3A_572 = vector.shape_cast %get3A_571 : vector<1x1x1x16xf32> to vector<16xf32>
          %add3A_573 = arith.addf %add3A_563, %get3A_572 : vector<16xf32>
          %get3A_574 = arith.constant 1 : i32
          %get3A_575 = arith.constant 6 : i32
          %get3A_576 = arith.constant 3 : i32
          %get3A_577 = arith.index_cast %get3A_574 : i32 to index
          %get3A_578 = arith.index_cast %get3A_575 : i32 to index
          %get3A_579 = arith.index_cast %get3A_576 : i32 to index
          %get3A_580 = arith.index_cast %multiple_of3A : i32 to index
          %get3A_581 = tpu.vector_load %arg7[%get3A_577, %get3A_578, %get3A_579, %get3A_580] {strides = array<i32>} : memref<3x8x4x1024xf32, #tpu.memory_space<vmem>>, vector<1x1x1x16xf32>,
          %get3A_582 = vector.shape_cast %get3A_581 : vector<1x1x1x16xf32> to vector<16xf32>
          %add3A_583 = arith.addf %add3A_573, %get3A_582 : vector<16xf32>
          %get3A_584 = arith.constant 1 : i32
          %get3A_585 = arith.constant 7 : i32
          %get3A_586 = arith.constant 3 : i32
          %get3A_587 = arith.index_cast %get3A_584 : i32 to index
          %get3A_588 = arith.index_cast %get3A_585 : i32 to index
          %get3A_589 = arith.index_cast %get3A_586 : i32 to index
          %get3A_590 = arith.index_cast %multiple_of3A : i32 to index
          %get3A_591 = tpu.vector_load %arg7[%get3A_587, %get3A_588, %get3A_589, %get3A_590] {strides = array<i32>} : memref<3x8x4x1024xf32, #tpu.memory_space<vmem>>, vector<1x1x1x16xf32>,
          %get3A_592 = vector.shape_cast %get3A_591 : vector<1x1x1x16xf32> to vector<16xf32>
          %add3A_593 = arith.addf %add3A_583, %get3A_592 : vector<16xf32>
          %swap3A = arith.constant 3 : i32
          %swap3A_594 = arith.index_cast %swap3A : i32 to index
          %swap3A_595 = arith.index_cast %multiple_of3A : i32 to index
          %swap3A_596 = tpu.vector_load %arg8[%swap3A_594, %swap3A_595] {strides = array<i32>} : memref<4x1024xf32, #tpu.memory_space<vmem>>, vector<1x16xf32>,
          %swap3A_597 = vector.shape_cast %swap3A_596 : vector<1x16xf32> to vector<16xf32>
          %swap3A_598 = vector.shape_cast %add3A_593 : vector<16xf32> to vector<1x16xf32>
          tpu.vector_store %arg8[%swap3A_594, %swap3A_595], %swap3A_598 {strides = array<i32>} : memref<4x1024xf32, #tpu.memory_space<vmem>>, vector<1x16xf32>,
          %scan3A_599 = arith.constant 0 : i32
          scf.yield %scan3A_599 : i32
        }
        %scan3A_508 = arith.constant 64 : i32
        %mul3A_509 = arith.constant 4 : i32
        %mul3A_510 = arith.muli %scan3A_291, %mul3A_509 : i32
        %add3A_511 = arith.addi %mul3A_34, %mul3A_510 : i32
        "tpu.region"() ({
          %run_scoped3A_512 = tpu.sem_alloc : memref<!tpu.dma_semaphore, #tpu.memory_space<semaphore_mem>>
          %dma_start3A_513 = arith.constant 0 : i32
          %dma_start3A_514 = tpu.memref_slice %arg5[%add3A_511, %dma_start3A_513] : memref<8192x1024xf32, #tpu.memory_space<hbm>> -> memref<4x1024xf32, #tpu.memory_space<hbm>>
          %dma_start3A_515 = arith.constant 0 : i32
          %dma_start3A_516 = tpu.memref_slice %arg5[%add3A_511, %dma_start3A_515] : memref<8192x1024xf32, #tpu.memory_space<hbm>> -> memref<4x1024xf32, #tpu.memory_space<hbm>>
          tpu.enqueue_dma source(%arg8 : memref<4x1024xf32, #tpu.memory_space<vmem>>) target(%dma_start3A_516 : memref<4x1024xf32, #tpu.memory_space<hbm>>) target_semaphore(%run_scoped3A_512 : memref<!tpu.dma_semaphore, #tpu.memory_space<semaphore_mem>>)
          %dma_wait3A_517 = arith.constant 0 : i32
          %dma_wait3A_518 = tpu.memref_slice %arg5[%add3A_511, %dma_wait3A_517] : memref<8192x1024xf32, #tpu.memory_space<hbm>> -> memref<4x1024xf32, #tpu.memory_space<hbm>>
          %dma_wait3A_519 = arith.constant 0 : i32
          %dma_wait3A_520 = tpu.memref_slice %arg5[%add3A_511, %dma_wait3A_519] : memref<8192x1024xf32, #tpu.memory_space<hbm>> -> memref<4x1024xf32, #tpu.memory_space<hbm>>
          tpu.wait_dma2 semaphore(%run_scoped3A_512 : memref<!tpu.dma_semaphore, #tpu.memory_space<semaphore_mem>>) src(%arg8 : memref<4x1024xf32, #tpu.memory_space<vmem>>) dst(%dma_wait3A_520 : memref<4x1024xf32, #tpu.memory_space<hbm>>)
          tpu.yield
        }) : () -> ()
      } else {
      }
      %jit3A_333 = arith.constant 3 : i32
      %eq3A_334 = arith.constant 0 : i32
      %eq3A_335 = arith.cmpi eq, %jit3A_333, %eq3A_334 : i32
      %jit3A_336 = arith.constant 1 : i32
      %select_n3A_337 = arith.select %eq3A_335, %jit3A_336, %jit3A_333 : i32
      %rem3A_338 = arith.remsi %scan3A_291, %select_n3A_337 : i32
      %ne3A_339 = arith.constant 0 : i32
      %ne3A_340 = arith.cmpi ne, %rem3A_338, %ne3A_339 : i32
      %lt3A_341 = arith.constant 0 : i32
      %lt3A_342 = arith.cmpi slt, %rem3A_338, %lt3A_341 : i32
      %lt3A_343 = arith.constant 0 : i32
      %lt3A_344 = arith.cmpi slt, %select_n3A_337, %lt3A_343 : i32
      %ne3A_345 = arith.xori %lt3A_342, %lt3A_344 : i1
      %and3A_346 = arith.andi %ne3A_345, %ne3A_340 : i1
      %add3A_347 = arith.addi %rem3A_338, %select_n3A_337 : i32
      %select_n3A_348 = arith.select %and3A_346, %add3A_347, %rem3A_338 : i32
      %eq3A_349 = arith.constant 2 : i32
      %eq3A_350 = arith.cmpi eq, %select_n3A_348, %eq3A_349 : i32
      %convert_element_type3A_351 = arith.extui %eq3A_350 : i1 to i32
      %cond3A_352 = arith.constant 0 : i32
      %cond3A_353 = arith.cmpi ne, %convert_element_type3A_351, %cond3A_352 : i32
      scf.if %cond3A_353 {
        %add3A_355 = arith.constant 2 : i32
        %add3A_356 = arith.addi %scan3A_291, %add3A_355 : i32
        %min3A = arith.constant 63 : i32
        %min3A_357 = arith.minsi %add3A_356, %min3A : i32
        %mul3A_358 = arith.constant 4 : i32
        %mul3A_359 = arith.muli %min3A_357, %mul3A_358 : i32
        %dma_start3A_360 = arith.constant 0 : i32
        %dma_start3A_361 = arith.constant 1 : i32
        %dma_start3A_362 = arith.constant 0 : i32
        %dma_start3A_363 = arith.constant 0 : i32
        %dma_start3A_364 = arith.constant 0 : i32
        %dma_start3A_365 = tpu.memref_slice %arg7[%dma_start3A_361, %dma_start3A_362, %dma_start3A_363, %dma_start3A_364] : memref<3x8x4x1024xf32, #tpu.memory_space<vmem>> -> memref<1x1x4x1024xf32, #tpu.memory_space<vmem>>
        %dma_start3A_366 = tpu.memref_squeeze %dma_start3A_365 : memref<1x1x4x1024xf32, #tpu.memory_space<vmem>> -> memref<4x1024xf32, #tpu.memory_space<vmem>>
        %dma_start3A_367 = tpu.memref_slice %arg6[%dma_start3A_360, %mul3A_359] : memref<8x256xi32, #tpu.memory_space<vmem>> -> memref<1x4xi32, #tpu.memory_space<vmem>>
        %dma_start3A_368 = tpu.memref_squeeze %dma_start3A_367 : memref<1x4xi32, #tpu.memory_space<vmem>> -> memref<4xi32, #tpu.memory_space<vmem>>
        %dma_start3A_369 = arith.constant 0 : i32
        %dma_start3A_370 = arith.constant 0 : i32
        %dma_start3A_371 = tpu.memref_slice %arg3[%dma_start3A_369, %dma_start3A_370] : memref<8192x1024xf32, #tpu.memory_space<hbm>> -> memref<8192x1024xf32, #tpu.memory_space<hbm>>
        tpu.enqueue_indirect_dma source(%dma_start3A_371 : memref<8192x1024xf32, #tpu.memory_space<hbm>>) target(%dma_start3A_366 : memref<4x1024xf32, #tpu.memory_space<vmem>>) offsets(%dma_start3A_368 : memref<4xi32, #tpu.memory_space<vmem>>) semaphore(%arg10 : memref<!tpu.dma_semaphore, #tpu.memory_space<semaphore_mem>>)
        %mul3A_372 = arith.constant 4 : i32
        %mul3A_373 = arith.muli %min3A_357, %mul3A_372 : i32
        %dma_start3A_374 = arith.constant 1 : i32
        %dma_start3A_375 = arith.constant 1 : i32
        %dma_start3A_376 = arith.constant 1 : i32
        %dma_start3A_377 = arith.constant 0 : i32
        %dma_start3A_378 = arith.constant 0 : i32
        %dma_start3A_379 = tpu.memref_slice %arg7[%dma_start3A_375, %dma_start3A_376, %dma_start3A_377, %dma_start3A_378] : memref<3x8x4x1024xf32, #tpu.memory_space<vmem>> -> memref<1x1x4x1024xf32, #tpu.memory_space<vmem>>
        %dma_start3A_380 = tpu.memref_squeeze %dma_start3A_379 : memref<1x1x4x1024xf32, #tpu.memory_space<vmem>> -> memref<4x1024xf32, #tpu.memory_space<vmem>>
        %dma_start3A_381 = tpu.memref_slice %arg6[%dma_start3A_374, %mul3A_373] : memref<8x256xi32, #tpu.memory_space<vmem>> -> memref<1x4xi32, #tpu.memory_space<vmem>>
        %dma_start3A_382 = tpu.memref_squeeze %dma_start3A_381 : memref<1x4xi32, #tpu.memory_space<vmem>> -> memref<4xi32, #tpu.memory_space<vmem>>
        %dma_start3A_383 = arith.constant 0 : i32
        %dma_start3A_384 = arith.constant 0 : i32
        %dma_start3A_385 = tpu.memref_slice %arg3[%dma_start3A_383, %dma_start3A_384] : memref<8192x1024xf32, #tpu.memory_space<hbm>> -> memref<8192x1024xf32, #tpu.memory_space<hbm>>
        tpu.enqueue_indirect_dma source(%dma_start3A_385 : memref<8192x1024xf32, #tpu.memory_space<hbm>>) target(%dma_start3A_380 : memref<4x1024xf32, #tpu.memory_space<vmem>>) offsets(%dma_start3A_382 : memref<4xi32, #tpu.memory_space<vmem>>) semaphore(%arg10 : memref<!tpu.dma_semaphore, #tpu.memory_space<semaphore_mem>>)
        %mul3A_386 = arith.constant 4 : i32
        %mul3A_387 = arith.muli %min3A_357, %mul3A_386 : i32
        %dma_start3A_388 = arith.constant 2 : i32
        %dma_start3A_389 = arith.constant 1 : i32
        %dma_start3A_390 = arith.constant 2 : i32
        %dma_start3A_391 = arith.constant 0 : i32
        %dma_start3A_392 = arith.constant 0 : i32
        %dma_start3A_393 = tpu.memref_slice %arg7[%dma_start3A_389, %dma_start3A_390, %dma_start3A_391, %dma_start3A_392] : memref<3x8x4x1024xf32, #tpu.memory_space<vmem>> -> memref<1x1x4x1024xf32, #tpu.memory_space<vmem>>
        %dma_start3A_394 = tpu.memref_squeeze %dma_start3A_393 : memref<1x1x4x1024xf32, #tpu.memory_space<vmem>> -> memref<4x1024xf32, #tpu.memory_space<vmem>>
        %dma_start3A_395 = tpu.memref_slice %arg6[%dma_start3A_388, %mul3A_387] : memref<8x256xi32, #tpu.memory_space<vmem>> -> memref<1x4xi32, #tpu.memory_space<vmem>>
        %dma_start3A_396 = tpu.memref_squeeze %dma_start3A_395 : memref<1x4xi32, #tpu.memory_space<vmem>> -> memref<4xi32, #tpu.memory_space<vmem>>
        %dma_start3A_397 = arith.constant 0 : i32
        %dma_start3A_398 = arith.constant 0 : i32
        %dma_start3A_399 = tpu.memref_slice %arg3[%dma_start3A_397, %dma_start3A_398] : memref<8192x1024xf32, #tpu.memory_space<hbm>> -> memref<8192x1024xf32, #tpu.memory_space<hbm>>
        tpu.enqueue_indirect_dma source(%dma_start3A_399 : memref<8192x1024xf32, #tpu.memory_space<hbm>>) target(%dma_start3A_394 : memref<4x1024xf32, #tpu.memory_space<vmem>>) offsets(%dma_start3A_396 : memref<4xi32, #tpu.memory_space<vmem>>) semaphore(%arg10 : memref<!tpu.dma_semaphore, #tpu.memory_space<semaphore_mem>>)
        %mul3A_400 = arith.constant 4 : i32
        %mul3A_401 = arith.muli %min3A_357, %mul3A_400 : i32
        %dma_start3A_402 = arith.constant 3 : i32
        %dma_start3A_403 = arith.constant 1 : i32
        %dma_start3A_404 = arith.constant 3 : i32
        %dma_start3A_405 = arith.constant 0 : i32
        %dma_start3A_406 = arith.constant 0 : i32
        %dma_start3A_407 = tpu.memref_slice %arg7[%dma_start3A_403, %dma_start3A_404, %dma_start3A_405, %dma_start3A_406] : memref<3x8x4x1024xf32, #tpu.memory_space<vmem>> -> memref<1x1x4x1024xf32, #tpu.memory_space<vmem>>
        %dma_start3A_408 = tpu.memref_squeeze %dma_start3A_407 : memref<1x1x4x1024xf32, #tpu.memory_space<vmem>> -> memref<4x1024xf32, #tpu.memory_space<vmem>>
        %dma_start3A_409 = tpu.memref_slice %arg6[%dma_start3A_402, %mul3A_401] : memref<8x256xi32, #tpu.memory_space<vmem>> -> memref<1x4xi32, #tpu.memory_space<vmem>>
        %dma_start3A_410 = tpu.memref_squeeze %dma_start3A_409 : memref<1x4xi32, #tpu.memory_space<vmem>> -> memref<4xi32, #tpu.memory_space<vmem>>
        %dma_start3A_411 = arith.constant 0 : i32
        %dma_start3A_412 = arith.constant 0 : i32
        %dma_start3A_413 = tpu.memref_slice %arg3[%dma_start3A_411, %dma_start3A_412] : memref<8192x1024xf32, #tpu.memory_space<hbm>> -> memref<8192x1024xf32, #tpu.memory_space<hbm>>
        tpu.enqueue_indirect_dma source(%dma_start3A_413 : memref<8192x1024xf32, #tpu.memory_space<hbm>>) target(%dma_start3A_408 : memref<4x1024xf32, #tpu.memory_space<vmem>>) offsets(%dma_start3A_410 : memref<4xi32, #tpu.memory_space<vmem>>) semaphore(%arg10 : memref<!tpu.dma_semaphore, #tpu.memory_space<semaphore_mem>>)
        %mul3A_414 = arith.constant 4 : i32
        %mul3A_415 = arith.muli %min3A_357, %mul3A_414 : i32
        %dma_start3A_416 = arith.constant 4 : i32
        %dma_start3A_417 = arith.constant 1 : i32
        %dma_start3A_418 = arith.constant 4 : i32
        %dma_start3A_419 = arith.constant 0 : i32
        %dma_start3A_420 = arith.constant 0 : i32
        %dma_start3A_421 = tpu.memref_slice %arg7[%dma_start3A_417, %dma_start3A_418, %dma_start3A_419, %dma_start3A_420] : memref<3x8x4x1024xf32, #tpu.memory_space<vmem>> -> memref<1x1x4x1024xf32, #tpu.memory_space<vmem>>
        %dma_start3A_422 = tpu.memref_squeeze %dma_start3A_421 : memref<1x1x4x1024xf32, #tpu.memory_space<vmem>> -> memref<4x1024xf32, #tpu.memory_space<vmem>>
        %dma_start3A_423 = tpu.memref_slice %arg6[%dma_start3A_416, %mul3A_415] : memref<8x256xi32, #tpu.memory_space<vmem>> -> memref<1x4xi32, #tpu.memory_space<vmem>>
        %dma_start3A_424 = tpu.memref_squeeze %dma_start3A_423 : memref<1x4xi32, #tpu.memory_space<vmem>> -> memref<4xi32, #tpu.memory_space<vmem>>
        %dma_start3A_425 = arith.constant 0 : i32
        %dma_start3A_426 = arith.constant 0 : i32
        %dma_start3A_427 = tpu.memref_slice %arg3[%dma_start3A_425, %dma_start3A_426] : memref<8192x1024xf32, #tpu.memory_space<hbm>> -> memref<8192x1024xf32, #tpu.memory_space<hbm>>
        tpu.enqueue_indirect_dma source(%dma_start3A_427 : memref<8192x1024xf32, #tpu.memory_space<hbm>>) target(%dma_start3A_422 : memref<4x1024xf32, #tpu.memory_space<vmem>>) offsets(%dma_start3A_424 : memref<4xi32, #tpu.memory_space<vmem>>) semaphore(%arg10 : memref<!tpu.dma_semaphore, #tpu.memory_space<semaphore_mem>>)
        %mul3A_428 = arith.constant 4 : i32
        %mul3A_429 = arith.muli %min3A_357, %mul3A_428 : i32
        %dma_start3A_430 = arith.constant 5 : i32
        %dma_start3A_431 = arith.constant 1 : i32
        %dma_start3A_432 = arith.constant 5 : i32
        %dma_start3A_433 = arith.constant 0 : i32
        %dma_start3A_434 = arith.constant 0 : i32
        %dma_start3A_435 = tpu.memref_slice %arg7[%dma_start3A_431, %dma_start3A_432, %dma_start3A_433, %dma_start3A_434] : memref<3x8x4x1024xf32, #tpu.memory_space<vmem>> -> memref<1x1x4x1024xf32, #tpu.memory_space<vmem>>
        %dma_start3A_436 = tpu.memref_squeeze %dma_start3A_435 : memref<1x1x4x1024xf32, #tpu.memory_space<vmem>> -> memref<4x1024xf32, #tpu.memory_space<vmem>>
        %dma_start3A_437 = tpu.memref_slice %arg6[%dma_start3A_430, %mul3A_429] : memref<8x256xi32, #tpu.memory_space<vmem>> -> memref<1x4xi32, #tpu.memory_space<vmem>>
        %dma_start3A_438 = tpu.memref_squeeze %dma_start3A_437 : memref<1x4xi32, #tpu.memory_space<vmem>> -> memref<4xi32, #tpu.memory_space<vmem>>
        %dma_start3A_439 = arith.constant 0 : i32
        %dma_start3A_440 = arith.constant 0 : i32
        %dma_start3A_441 = tpu.memref_slice %arg3[%dma_start3A_439, %dma_start3A_440] : memref<8192x1024xf32, #tpu.memory_space<hbm>> -> memref<8192x1024xf32, #tpu.memory_space<hbm>>
        tpu.enqueue_indirect_dma source(%dma_start3A_441 : memref<8192x1024xf32, #tpu.memory_space<hbm>>) target(%dma_start3A_436 : memref<4x1024xf32, #tpu.memory_space<vmem>>) offsets(%dma_start3A_438 : memref<4xi32, #tpu.memory_space<vmem>>) semaphore(%arg10 : memref<!tpu.dma_semaphore, #tpu.memory_space<semaphore_mem>>)
        %mul3A_442 = arith.constant 4 : i32
        %mul3A_443 = arith.muli %min3A_357, %mul3A_442 : i32
        %dma_start3A_444 = arith.constant 6 : i32
        %dma_start3A_445 = arith.constant 1 : i32
        %dma_start3A_446 = arith.constant 6 : i32
        %dma_start3A_447 = arith.constant 0 : i32
        %dma_start3A_448 = arith.constant 0 : i32
        %dma_start3A_449 = tpu.memref_slice %arg7[%dma_start3A_445, %dma_start3A_446, %dma_start3A_447, %dma_start3A_448] : memref<3x8x4x1024xf32, #tpu.memory_space<vmem>> -> memref<1x1x4x1024xf32, #tpu.memory_space<vmem>>
        %dma_start3A_450 = tpu.memref_squeeze %dma_start3A_449 : memref<1x1x4x1024xf32, #tpu.memory_space<vmem>> -> memref<4x1024xf32, #tpu.memory_space<vmem>>
        %dma_start3A_451 = tpu.memref_slice %arg6[%dma_start3A_444, %mul3A_443] : memref<8x256xi32, #tpu.memory_space<vmem>> -> memref<1x4xi32, #tpu.memory_space<vmem>>
        %dma_start3A_452 = tpu.memref_squeeze %dma_start3A_451 : memref<1x4xi32, #tpu.memory_space<vmem>> -> memref<4xi32, #tpu.memory_space<vmem>>
        %dma_start3A_453 = arith.constant 0 : i32
        %dma_start3A_454 = arith.constant 0 : i32
        %dma_start3A_455 = tpu.memref_slice %arg3[%dma_start3A_453, %dma_start3A_454] : memref<8192x1024xf32, #tpu.memory_space<hbm>> -> memref<8192x1024xf32, #tpu.memory_space<hbm>>
        tpu.enqueue_indirect_dma source(%dma_start3A_455 : memref<8192x1024xf32, #tpu.memory_space<hbm>>) target(%dma_start3A_450 : memref<4x1024xf32, #tpu.memory_space<vmem>>) offsets(%dma_start3A_452 : memref<4xi32, #tpu.memory_space<vmem>>) semaphore(%arg10 : memref<!tpu.dma_semaphore, #tpu.memory_space<semaphore_mem>>)
        %mul3A_456 = arith.constant 4 : i32
        %mul3A_457 = arith.muli %min3A_357, %mul3A_456 : i32
        %dma_start3A_458 = arith.constant 7 : i32
        %dma_start3A_459 = arith.constant 1 : i32
        %dma_start3A_460 = arith.constant 7 : i32
        %dma_start3A_461 = arith.constant 0 : i32
        %dma_start3A_462 = arith.constant 0 : i32
        %dma_start3A_463 = tpu.memref_slice %arg7[%dma_start3A_459, %dma_start3A_460, %dma_start3A_461, %dma_start3A_462] : memref<3x8x4x1024xf32, #tpu.memory_space<vmem>> -> memref<1x1x4x1024xf32, #tpu.memory_space<vmem>>
        %dma_start3A_464 = tpu.memref_squeeze %dma_start3A_463 : memref<1x1x4x1024xf32, #tpu.memory_space<vmem>> -> memref<4x1024xf32, #tpu.memory_space<vmem>>
        %dma_start3A_465 = tpu.memref_slice %arg6[%dma_start3A_458, %mul3A_457] : memref<8x256xi32, #tpu.memory_space<vmem>> -> memref<1x4xi32, #tpu.memory_space<vmem>>
        %dma_start3A_466 = tpu.memref_squeeze %dma_start3A_465 : memref<1x4xi32, #tpu.memory_space<vmem>> -> memref<4xi32, #tpu.memory_space<vmem>>
        %dma_start3A_467 = arith.constant 0 : i32
        %dma_start3A_468 = arith.constant 0 : i32
        %dma_start3A_469 = tpu.memref_slice %arg3[%dma_start3A_467, %dma_start3A_468] : memref<8192x1024xf32, #tpu.memory_space<hbm>> -> memref<8192x1024xf32, #tpu.memory_space<hbm>>
        tpu.enqueue_indirect_dma source(%dma_start3A_469 : memref<8192x1024xf32, #tpu.memory_space<hbm>>) target(%dma_start3A_464 : memref<4x1024xf32, #tpu.memory_space<vmem>>) offsets(%dma_start3A_466 : memref<4xi32, #tpu.memory_space<vmem>>) semaphore(%arg10 : memref<!tpu.dma_semaphore, #tpu.memory_space<semaphore_mem>>)
        %dma_wait3A_470 = arith.constant 2 : i32
        %dma_wait3A_471 = arith.constant 0 : i32
        %dma_wait3A_472 = arith.constant 0 : i32
        %dma_wait3A_473 = arith.constant 0 : i32
        %dma_wait3A_474 = tpu.memref_slice %arg7[%dma_wait3A_470, %dma_wait3A_471, %dma_wait3A_472, %dma_wait3A_473] : memref<3x8x4x1024xf32, #tpu.memory_space<vmem>> -> memref<1x8x4x1024xf32, #tpu.memory_space<vmem>>
        %dma_wait3A_475 = tpu.memref_squeeze %dma_wait3A_474 : memref<1x8x4x1024xf32, #tpu.memory_space<vmem>> -> memref<8x4x1024xf32, #tpu.memory_space<vmem>>
        %dma_wait3A_476 = arith.constant 0 : i32
        %dma_wait3A_477 = arith.constant 0 : i32
        %dma_wait3A_478 = arith.constant 0 : i32
        %dma_wait3A_479 = tpu.memref_slice %arg7[%dma_wait3A_470, %dma_wait3A_476, %dma_wait3A_477, %dma_wait3A_478] : memref<3x8x4x1024xf32, #tpu.memory_space<vmem>> -> memref<1x8x4x1024xf32, #tpu.memory_space<vmem>>
        %dma_wait3A_480 = tpu.memref_squeeze %dma_wait3A_479 : memref<1x8x4x1024xf32, #tpu.memory_space<vmem>> -> memref<8x4x1024xf32, #tpu.memory_space<vmem>>
        tpu.wait_dma2 semaphore(%arg11 : memref<!tpu.dma_semaphore, #tpu.memory_space<semaphore_mem>>) src(%arg4 : memref<8x4x1024xf32, #tpu.memory_space<hbm>>) dst(%dma_wait3A_480 : memref<8x4x1024xf32, #tpu.memory_space<vmem>>)
        %scan3A_481 = arith.constant 0 : i32
        %scan3A_482 = arith.constant 0 : i32
        %scan3A_483 = arith.constant 64 : i32
        %scan3A_484 = arith.addi %scan3A_482, %scan3A_483 : i32
        %scan3A_485 = arith.constant 1 : i32
        %scan3A_486 = scf.for %scan3A_512 = %scan3A_482 to %scan3A_484 step %scan3A_485 iter_args(%scan3A_513 = %scan3A_481) -> (i32)  : i32 {
          %mul3A_514 = arith.constant 16 : i32
          %mul3A_515 = arith.muli %scan3A_512, %mul3A_514 : i32
          %multiple_of3A = tpu.assume_multiple %mul3A_515, 16 : i32
          %get3A = arith.constant 2 : i32
          %get3A_516 = arith.constant 0 : i32
          %get3A_517 = arith.constant 0 : i32
          %get3A_518 = arith.index_cast %get3A : i32 to index
          %get3A_519 = arith.index_cast %get3A_516 : i32 to index
          %get3A_520 = arith.index_cast %get3A_517 : i32 to index
          %get3A_521 = arith.index_cast %multiple_of3A : i32 to index
          %get3A_522 = tpu.vector_load %arg7[%get3A_518, %get3A_519, %get3A_520, %get3A_521] {strides = array<i32>} : memref<3x8x4x1024xf32, #tpu.memory_space<vmem>>, vector<1x1x1x16xf32>,
          %get3A_523 = vector.shape_cast %get3A_522 : vector<1x1x1x16xf32> to vector<16xf32>
          %get3A_524 = arith.constant 2 : i32
          %get3A_525 = arith.constant 1 : i32
          %get3A_526 = arith.constant 0 : i32
          %get3A_527 = arith.index_cast %get3A_524 : i32 to index
          %get3A_528 = arith.index_cast %get3A_525 : i32 to index
          %get3A_529 = arith.index_cast %get3A_526 : i32 to index
          %get3A_530 = arith.index_cast %multiple_of3A : i32 to index
          %get3A_531 = tpu.vector_load %arg7[%get3A_527, %get3A_528, %get3A_529, %get3A_530] {strides = array<i32>} : memref<3x8x4x1024xf32, #tpu.memory_space<vmem>>, vector<1x1x1x16xf32>,
          %get3A_532 = vector.shape_cast %get3A_531 : vector<1x1x1x16xf32> to vector<16xf32>
          %add3A_533 = arith.addf %get3A_523, %get3A_532 : vector<16xf32>
          %get3A_534 = arith.constant 2 : i32
          %get3A_535 = arith.constant 2 : i32
          %get3A_536 = arith.constant 0 : i32
          %get3A_537 = arith.index_cast %get3A_534 : i32 to index
          %get3A_538 = arith.index_cast %get3A_535 : i32 to index
          %get3A_539 = arith.index_cast %get3A_536 : i32 to index
          %get3A_540 = arith.index_cast %multiple_of3A : i32 to index
          %get3A_541 = tpu.vector_load %arg7[%get3A_537, %get3A_538, %get3A_539, %get3A_540] {strides = array<i32>} : memref<3x8x4x1024xf32, #tpu.memory_space<vmem>>, vector<1x1x1x16xf32>,
          %get3A_542 = vector.shape_cast %get3A_541 : vector<1x1x1x16xf32> to vector<16xf32>
          %add3A_543 = arith.addf %add3A_533, %get3A_542 : vector<16xf32>
          %get3A_544 = arith.constant 2 : i32
          %get3A_545 = arith.constant 3 : i32
          %get3A_546 = arith.constant 0 : i32
          %get3A_547 = arith.index_cast %get3A_544 : i32 to index
          %get3A_548 = arith.index_cast %get3A_545 : i32 to index
          %get3A_549 = arith.index_cast %get3A_546 : i32 to index
          %get3A_550 = arith.index_cast %multiple_of3A : i32 to index
          %get3A_551 = tpu.vector_load %arg7[%get3A_547, %get3A_548, %get3A_549, %get3A_550] {strides = array<i32>} : memref<3x8x4x1024xf32, #tpu.memory_space<vmem>>, vector<1x1x1x16xf32>,
          %get3A_552 = vector.shape_cast %get3A_551 : vector<1x1x1x16xf32> to vector<16xf32>
          %add3A_553 = arith.addf %add3A_543, %get3A_552 : vector<16xf32>
          %get3A_554 = arith.constant 2 : i32
          %get3A_555 = arith.constant 4 : i32
          %get3A_556 = arith.constant 0 : i32
          %get3A_557 = arith.index_cast %get3A_554 : i32 to index
          %get3A_558 = arith.index_cast %get3A_555 : i32 to index
          %get3A_559 = arith.index_cast %get3A_556 : i32 to index
          %get3A_560 = arith.index_cast %multiple_of3A : i32 to index
          %get3A_561 = tpu.vector_load %arg7[%get3A_557, %get3A_558, %get3A_559, %get3A_560] {strides = array<i32>} : memref<3x8x4x1024xf32, #tpu.memory_space<vmem>>, vector<1x1x1x16xf32>,
          %get3A_562 = vector.shape_cast %get3A_561 : vector<1x1x1x16xf32> to vector<16xf32>
          %add3A_563 = arith.addf %add3A_553, %get3A_562 : vector<16xf32>
          %get3A_564 = arith.constant 2 : i32
          %get3A_565 = arith.constant 5 : i32
          %get3A_566 = arith.constant 0 : i32
          %get3A_567 = arith.index_cast %get3A_564 : i32 to index
          %get3A_568 = arith.index_cast %get3A_565 : i32 to index
          %get3A_569 = arith.index_cast %get3A_566 : i32 to index
          %get3A_570 = arith.index_cast %multiple_of3A : i32 to index
          %get3A_571 = tpu.vector_load %arg7[%get3A_567, %get3A_568, %get3A_569, %get3A_570] {strides = array<i32>} : memref<3x8x4x1024xf32, #tpu.memory_space<vmem>>, vector<1x1x1x16xf32>,
          %get3A_572 = vector.shape_cast %get3A_571 : vector<1x1x1x16xf32> to vector<16xf32>
          %add3A_573 = arith.addf %add3A_563, %get3A_572 : vector<16xf32>
          %get3A_574 = arith.constant 2 : i32
          %get3A_575 = arith.constant 6 : i32
          %get3A_576 = arith.constant 0 : i32
          %get3A_577 = arith.index_cast %get3A_574 : i32 to index
          %get3A_578 = arith.index_cast %get3A_575 : i32 to index
          %get3A_579 = arith.index_cast %get3A_576 : i32 to index
          %get3A_580 = arith.index_cast %multiple_of3A : i32 to index
          %get3A_581 = tpu.vector_load %arg7[%get3A_577, %get3A_578, %get3A_579, %get3A_580] {strides = array<i32>} : memref<3x8x4x1024xf32, #tpu.memory_space<vmem>>, vector<1x1x1x16xf32>,
          %get3A_582 = vector.shape_cast %get3A_581 : vector<1x1x1x16xf32> to vector<16xf32>
          %add3A_583 = arith.addf %add3A_573, %get3A_582 : vector<16xf32>
          %get3A_584 = arith.constant 2 : i32
          %get3A_585 = arith.constant 7 : i32
          %get3A_586 = arith.constant 0 : i32
          %get3A_587 = arith.index_cast %get3A_584 : i32 to index
          %get3A_588 = arith.index_cast %get3A_585 : i32 to index
          %get3A_589 = arith.index_cast %get3A_586 : i32 to index
          %get3A_590 = arith.index_cast %multiple_of3A : i32 to index
          %get3A_591 = tpu.vector_load %arg7[%get3A_587, %get3A_588, %get3A_589, %get3A_590] {strides = array<i32>} : memref<3x8x4x1024xf32, #tpu.memory_space<vmem>>, vector<1x1x1x16xf32>,
          %get3A_592 = vector.shape_cast %get3A_591 : vector<1x1x1x16xf32> to vector<16xf32>
          %add3A_593 = arith.addf %add3A_583, %get3A_592 : vector<16xf32>
          %swap3A = arith.constant 0 : i32
          %swap3A_594 = arith.index_cast %swap3A : i32 to index
          %swap3A_595 = arith.index_cast %multiple_of3A : i32 to index
          %swap3A_596 = tpu.vector_load %arg8[%swap3A_594, %swap3A_595] {strides = array<i32>} : memref<4x1024xf32, #tpu.memory_space<vmem>>, vector<1x16xf32>,
          %swap3A_597 = vector.shape_cast %swap3A_596 : vector<1x16xf32> to vector<16xf32>
          %swap3A_598 = vector.shape_cast %add3A_593 : vector<16xf32> to vector<1x16xf32>
          tpu.vector_store %arg8[%swap3A_594, %swap3A_595], %swap3A_598 {strides = array<i32>} : memref<4x1024xf32, #tpu.memory_space<vmem>>, vector<1x16xf32>,
          %scan3A_599 = arith.constant 0 : i32
          scf.yield %scan3A_599 : i32
        }
        %scan3A_487 = arith.constant 64 : i32
        %scan3A_488 = arith.constant 0 : i32
        %scan3A_489 = arith.constant 0 : i32
        %scan3A_490 = arith.constant 64 : i32
        %scan3A_491 = arith.addi %scan3A_489, %scan3A_490 : i32
        %scan3A_492 = arith.constant 1 : i32
        %scan3A_493 = scf.for %scan3A_512 = %scan3A_489 to %scan3A_491 step %scan3A_492 iter_args(%scan3A_513 = %scan3A_488) -> (i32)  : i32 {
          %mul3A_514 = arith.constant 16 : i32
          %mul3A_515 = arith.muli %scan3A_512, %mul3A_514 : i32
          %multiple_of3A = tpu.assume_multiple %mul3A_515, 16 : i32
          %get3A = arith.constant 2 : i32
          %get3A_516 = arith.constant 0 : i32
          %get3A_517 = arith.constant 1 : i32
          %get3A_518 = arith.index_cast %get3A : i32 to index
          %get3A_519 = arith.index_cast %get3A_516 : i32 to index
          %get3A_520 = arith.index_cast %get3A_517 : i32 to index
          %get3A_521 = arith.index_cast %multiple_of3A : i32 to index
          %get3A_522 = tpu.vector_load %arg7[%get3A_518, %get3A_519, %get3A_520, %get3A_521] {strides = array<i32>} : memref<3x8x4x1024xf32, #tpu.memory_space<vmem>>, vector<1x1x1x16xf32>,
          %get3A_523 = vector.shape_cast %get3A_522 : vector<1x1x1x16xf32> to vector<16xf32>
          %get3A_524 = arith.constant 2 : i32
          %get3A_525 = arith.constant 1 : i32
          %get3A_526 = arith.constant 1 : i32
          %get3A_527 = arith.index_cast %get3A_524 : i32 to index
          %get3A_528 = arith.index_cast %get3A_525 : i32 to index
          %get3A_529 = arith.index_cast %get3A_526 : i32 to index
          %get3A_530 = arith.index_cast %multiple_of3A : i32 to index
          %get3A_531 = tpu.vector_load %arg7[%get3A_527, %get3A_528, %get3A_529, %get3A_530] {strides = array<i32>} : memref<3x8x4x1024xf32, #tpu.memory_space<vmem>>, vector<1x1x1x16xf32>,
          %get3A_532 = vector.shape_cast %get3A_531 : vector<1x1x1x16xf32> to vector<16xf32>
          %add3A_533 = arith.addf %get3A_523, %get3A_532 : vector<16xf32>
          %get3A_534 = arith.constant 2 : i32
          %get3A_535 = arith.constant 2 : i32
          %get3A_536 = arith.constant 1 : i32
          %get3A_537 = arith.index_cast %get3A_534 : i32 to index
          %get3A_538 = arith.index_cast %get3A_535 : i32 to index
          %get3A_539 = arith.index_cast %get3A_536 : i32 to index
          %get3A_540 = arith.index_cast %multiple_of3A : i32 to index
          %get3A_541 = tpu.vector_load %arg7[%get3A_537, %get3A_538, %get3A_539, %get3A_540] {strides = array<i32>} : memref<3x8x4x1024xf32, #tpu.memory_space<vmem>>, vector<1x1x1x16xf32>,
          %get3A_542 = vector.shape_cast %get3A_541 : vector<1x1x1x16xf32> to vector<16xf32>
          %add3A_543 = arith.addf %add3A_533, %get3A_542 : vector<16xf32>
          %get3A_544 = arith.constant 2 : i32
          %get3A_545 = arith.constant 3 : i32
          %get3A_546 = arith.constant 1 : i32
          %get3A_547 = arith.index_cast %get3A_544 : i32 to index
          %get3A_548 = arith.index_cast %get3A_545 : i32 to index
          %get3A_549 = arith.index_cast %get3A_546 : i32 to index
          %get3A_550 = arith.index_cast %multiple_of3A : i32 to index
          %get3A_551 = tpu.vector_load %arg7[%get3A_547, %get3A_548, %get3A_549, %get3A_550] {strides = array<i32>} : memref<3x8x4x1024xf32, #tpu.memory_space<vmem>>, vector<1x1x1x16xf32>,
          %get3A_552 = vector.shape_cast %get3A_551 : vector<1x1x1x16xf32> to vector<16xf32>
          %add3A_553 = arith.addf %add3A_543, %get3A_552 : vector<16xf32>
          %get3A_554 = arith.constant 2 : i32
          %get3A_555 = arith.constant 4 : i32
          %get3A_556 = arith.constant 1 : i32
          %get3A_557 = arith.index_cast %get3A_554 : i32 to index
          %get3A_558 = arith.index_cast %get3A_555 : i32 to index
          %get3A_559 = arith.index_cast %get3A_556 : i32 to index
          %get3A_560 = arith.index_cast %multiple_of3A : i32 to index
          %get3A_561 = tpu.vector_load %arg7[%get3A_557, %get3A_558, %get3A_559, %get3A_560] {strides = array<i32>} : memref<3x8x4x1024xf32, #tpu.memory_space<vmem>>, vector<1x1x1x16xf32>,
          %get3A_562 = vector.shape_cast %get3A_561 : vector<1x1x1x16xf32> to vector<16xf32>
          %add3A_563 = arith.addf %add3A_553, %get3A_562 : vector<16xf32>
          %get3A_564 = arith.constant 2 : i32
          %get3A_565 = arith.constant 5 : i32
          %get3A_566 = arith.constant 1 : i32
          %get3A_567 = arith.index_cast %get3A_564 : i32 to index
          %get3A_568 = arith.index_cast %get3A_565 : i32 to index
          %get3A_569 = arith.index_cast %get3A_566 : i32 to index
          %get3A_570 = arith.index_cast %multiple_of3A : i32 to index
          %get3A_571 = tpu.vector_load %arg7[%get3A_567, %get3A_568, %get3A_569, %get3A_570] {strides = array<i32>} : memref<3x8x4x1024xf32, #tpu.memory_space<vmem>>, vector<1x1x1x16xf32>,
          %get3A_572 = vector.shape_cast %get3A_571 : vector<1x1x1x16xf32> to vector<16xf32>
          %add3A_573 = arith.addf %add3A_563, %get3A_572 : vector<16xf32>
          %get3A_574 = arith.constant 2 : i32
          %get3A_575 = arith.constant 6 : i32
          %get3A_576 = arith.constant 1 : i32
          %get3A_577 = arith.index_cast %get3A_574 : i32 to index
          %get3A_578 = arith.index_cast %get3A_575 : i32 to index
          %get3A_579 = arith.index_cast %get3A_576 : i32 to index
          %get3A_580 = arith.index_cast %multiple_of3A : i32 to index
          %get3A_581 = tpu.vector_load %arg7[%get3A_577, %get3A_578, %get3A_579, %get3A_580] {strides = array<i32>} : memref<3x8x4x1024xf32, #tpu.memory_space<vmem>>, vector<1x1x1x16xf32>,
          %get3A_582 = vector.shape_cast %get3A_581 : vector<1x1x1x16xf32> to vector<16xf32>
          %add3A_583 = arith.addf %add3A_573, %get3A_582 : vector<16xf32>
          %get3A_584 = arith.constant 2 : i32
          %get3A_585 = arith.constant 7 : i32
          %get3A_586 = arith.constant 1 : i32
          %get3A_587 = arith.index_cast %get3A_584 : i32 to index
          %get3A_588 = arith.index_cast %get3A_585 : i32 to index
          %get3A_589 = arith.index_cast %get3A_586 : i32 to index
          %get3A_590 = arith.index_cast %multiple_of3A : i32 to index
          %get3A_591 = tpu.vector_load %arg7[%get3A_587, %get3A_588, %get3A_589, %get3A_590] {strides = array<i32>} : memref<3x8x4x1024xf32, #tpu.memory_space<vmem>>, vector<1x1x1x16xf32>,
          %get3A_592 = vector.shape_cast %get3A_591 : vector<1x1x1x16xf32> to vector<16xf32>
          %add3A_593 = arith.addf %add3A_583, %get3A_592 : vector<16xf32>
          %swap3A = arith.constant 1 : i32
          %swap3A_594 = arith.index_cast %swap3A : i32 to index
          %swap3A_595 = arith.index_cast %multiple_of3A : i32 to index
          %swap3A_596 = tpu.vector_load %arg8[%swap3A_594, %swap3A_595] {strides = array<i32>} : memref<4x1024xf32, #tpu.memory_space<vmem>>, vector<1x16xf32>,
          %swap3A_597 = vector.shape_cast %swap3A_596 : vector<1x16xf32> to vector<16xf32>
          %swap3A_598 = vector.shape_cast %add3A_593 : vector<16xf32> to vector<1x16xf32>
          tpu.vector_store %arg8[%swap3A_594, %swap3A_595], %swap3A_598 {strides = array<i32>} : memref<4x1024xf32, #tpu.memory_space<vmem>>, vector<1x16xf32>,
          %scan3A_599 = arith.constant 0 : i32
          scf.yield %scan3A_599 : i32
        }
        %scan3A_494 = arith.constant 64 : i32
        %scan3A_495 = arith.constant 0 : i32
        %scan3A_496 = arith.constant 0 : i32
        %scan3A_497 = arith.constant 64 : i32
        %scan3A_498 = arith.addi %scan3A_496, %scan3A_497 : i32
        %scan3A_499 = arith.constant 1 : i32
        %scan3A_500 = scf.for %scan3A_512 = %scan3A_496 to %scan3A_498 step %scan3A_499 iter_args(%scan3A_513 = %scan3A_495) -> (i32)  : i32 {
          %mul3A_514 = arith.constant 16 : i32
          %mul3A_515 = arith.muli %scan3A_512, %mul3A_514 : i32
          %multiple_of3A = tpu.assume_multiple %mul3A_515, 16 : i32
          %get3A = arith.constant 2 : i32
          %get3A_516 = arith.constant 0 : i32
          %get3A_517 = arith.constant 2 : i32
          %get3A_518 = arith.index_cast %get3A : i32 to index
          %get3A_519 = arith.index_cast %get3A_516 : i32 to index
          %get3A_520 = arith.index_cast %get3A_517 : i32 to index
          %get3A_521 = arith.index_cast %multiple_of3A : i32 to index
          %get3A_522 = tpu.vector_load %arg7[%get3A_518, %get3A_519, %get3A_520, %get3A_521] {strides = array<i32>} : memref<3x8x4x1024xf32, #tpu.memory_space<vmem>>, vector<1x1x1x16xf32>,
          %get3A_523 = vector.shape_cast %get3A_522 : vector<1x1x1x16xf32> to vector<16xf32>
          %get3A_524 = arith.constant 2 : i32
          %get3A_525 = arith.constant 1 : i32
          %get3A_526 = arith.constant 2 : i32
          %get3A_527 = arith.index_cast %get3A_524 : i32 to index
          %get3A_528 = arith.index_cast %get3A_525 : i32 to index
          %get3A_529 = arith.index_cast %get3A_526 : i32 to index
          %get3A_530 = arith.index_cast %multiple_of3A : i32 to index
          %get3A_531 = tpu.vector_load %arg7[%get3A_527, %get3A_528, %get3A_529, %get3A_530] {strides = array<i32>} : memref<3x8x4x1024xf32, #tpu.memory_space<vmem>>, vector<1x1x1x16xf32>,
          %get3A_532 = vector.shape_cast %get3A_531 : vector<1x1x1x16xf32> to vector<16xf32>
          %add3A_533 = arith.addf %get3A_523, %get3A_532 : vector<16xf32>
          %get3A_534 = arith.constant 2 : i32
          %get3A_535 = arith.constant 2 : i32
          %get3A_536 = arith.constant 2 : i32
          %get3A_537 = arith.index_cast %get3A_534 : i32 to index
          %get3A_538 = arith.index_cast %get3A_535 : i32 to index
          %get3A_539 = arith.index_cast %get3A_536 : i32 to index
          %get3A_540 = arith.index_cast %multiple_of3A : i32 to index
          %get3A_541 = tpu.vector_load %arg7[%get3A_537, %get3A_538, %get3A_539, %get3A_540] {strides = array<i32>} : memref<3x8x4x1024xf32, #tpu.memory_space<vmem>>, vector<1x1x1x16xf32>,
          %get3A_542 = vector.shape_cast %get3A_541 : vector<1x1x1x16xf32> to vector<16xf32>
          %add3A_543 = arith.addf %add3A_533, %get3A_542 : vector<16xf32>
          %get3A_544 = arith.constant 2 : i32
          %get3A_545 = arith.constant 3 : i32
          %get3A_546 = arith.constant 2 : i32
          %get3A_547 = arith.index_cast %get3A_544 : i32 to index
          %get3A_548 = arith.index_cast %get3A_545 : i32 to index
          %get3A_549 = arith.index_cast %get3A_546 : i32 to index
          %get3A_550 = arith.index_cast %multiple_of3A : i32 to index
          %get3A_551 = tpu.vector_load %arg7[%get3A_547, %get3A_548, %get3A_549, %get3A_550] {strides = array<i32>} : memref<3x8x4x1024xf32, #tpu.memory_space<vmem>>, vector<1x1x1x16xf32>,
          %get3A_552 = vector.shape_cast %get3A_551 : vector<1x1x1x16xf32> to vector<16xf32>
          %add3A_553 = arith.addf %add3A_543, %get3A_552 : vector<16xf32>
          %get3A_554 = arith.constant 2 : i32
          %get3A_555 = arith.constant 4 : i32
          %get3A_556 = arith.constant 2 : i32
          %get3A_557 = arith.index_cast %get3A_554 : i32 to index
          %get3A_558 = arith.index_cast %get3A_555 : i32 to index
          %get3A_559 = arith.index_cast %get3A_556 : i32 to index
          %get3A_560 = arith.index_cast %multiple_of3A : i32 to index
          %get3A_561 = tpu.vector_load %arg7[%get3A_557, %get3A_558, %get3A_559, %get3A_560] {strides = array<i32>} : memref<3x8x4x1024xf32, #tpu.memory_space<vmem>>, vector<1x1x1x16xf32>,
          %get3A_562 = vector.shape_cast %get3A_561 : vector<1x1x1x16xf32> to vector<16xf32>
          %add3A_563 = arith.addf %add3A_553, %get3A_562 : vector<16xf32>
          %get3A_564 = arith.constant 2 : i32
          %get3A_565 = arith.constant 5 : i32
          %get3A_566 = arith.constant 2 : i32
          %get3A_567 = arith.index_cast %get3A_564 : i32 to index
          %get3A_568 = arith.index_cast %get3A_565 : i32 to index
          %get3A_569 = arith.index_cast %get3A_566 : i32 to index
          %get3A_570 = arith.index_cast %multiple_of3A : i32 to index
          %get3A_571 = tpu.vector_load %arg7[%get3A_567, %get3A_568, %get3A_569, %get3A_570] {strides = array<i32>} : memref<3x8x4x1024xf32, #tpu.memory_space<vmem>>, vector<1x1x1x16xf32>,
          %get3A_572 = vector.shape_cast %get3A_571 : vector<1x1x1x16xf32> to vector<16xf32>
          %add3A_573 = arith.addf %add3A_563, %get3A_572 : vector<16xf32>
          %get3A_574 = arith.constant 2 : i32
          %get3A_575 = arith.constant 6 : i32
          %get3A_576 = arith.constant 2 : i32
          %get3A_577 = arith.index_cast %get3A_574 : i32 to index
          %get3A_578 = arith.index_cast %get3A_575 : i32 to index
          %get3A_579 = arith.index_cast %get3A_576 : i32 to index
          %get3A_580 = arith.index_cast %multiple_of3A : i32 to index
          %get3A_581 = tpu.vector_load %arg7[%get3A_577, %get3A_578, %get3A_579, %get3A_580] {strides = array<i32>} : memref<3x8x4x1024xf32, #tpu.memory_space<vmem>>, vector<1x1x1x16xf32>,
          %get3A_582 = vector.shape_cast %get3A_581 : vector<1x1x1x16xf32> to vector<16xf32>
          %add3A_583 = arith.addf %add3A_573, %get3A_582 : vector<16xf32>
          %get3A_584 = arith.constant 2 : i32
          %get3A_585 = arith.constant 7 : i32
          %get3A_586 = arith.constant 2 : i32
          %get3A_587 = arith.index_cast %get3A_584 : i32 to index
          %get3A_588 = arith.index_cast %get3A_585 : i32 to index
          %get3A_589 = arith.index_cast %get3A_586 : i32 to index
          %get3A_590 = arith.index_cast %multiple_of3A : i32 to index
          %get3A_591 = tpu.vector_load %arg7[%get3A_587, %get3A_588, %get3A_589, %get3A_590] {strides = array<i32>} : memref<3x8x4x1024xf32, #tpu.memory_space<vmem>>, vector<1x1x1x16xf32>,
          %get3A_592 = vector.shape_cast %get3A_591 : vector<1x1x1x16xf32> to vector<16xf32>
          %add3A_593 = arith.addf %add3A_583, %get3A_592 : vector<16xf32>
          %swap3A = arith.constant 2 : i32
          %swap3A_594 = arith.index_cast %swap3A : i32 to index
          %swap3A_595 = arith.index_cast %multiple_of3A : i32 to index
          %swap3A_596 = tpu.vector_load %arg8[%swap3A_594, %swap3A_595] {strides = array<i32>} : memref<4x1024xf32, #tpu.memory_space<vmem>>, vector<1x16xf32>,
          %swap3A_597 = vector.shape_cast %swap3A_596 : vector<1x16xf32> to vector<16xf32>
          %swap3A_598 = vector.shape_cast %add3A_593 : vector<16xf32> to vector<1x16xf32>
          tpu.vector_store %arg8[%swap3A_594, %swap3A_595], %swap3A_598 {strides = array<i32>} : memref<4x1024xf32, #tpu.memory_space<vmem>>, vector<1x16xf32>,
          %scan3A_599 = arith.constant 0 : i32
          scf.yield %scan3A_599 : i32
        }
        %scan3A_501 = arith.constant 64 : i32
        %scan3A_502 = arith.constant 0 : i32
        %scan3A_503 = arith.constant 0 : i32
        %scan3A_504 = arith.constant 64 : i32
        %scan3A_505 = arith.addi %scan3A_503, %scan3A_504 : i32
        %scan3A_506 = arith.constant 1 : i32
        %scan3A_507 = scf.for %scan3A_512 = %scan3A_503 to %scan3A_505 step %scan3A_506 iter_args(%scan3A_513 = %scan3A_502) -> (i32)  : i32 {
          %mul3A_514 = arith.constant 16 : i32
          %mul3A_515 = arith.muli %scan3A_512, %mul3A_514 : i32
          %multiple_of3A = tpu.assume_multiple %mul3A_515, 16 : i32
          %get3A = arith.constant 2 : i32
          %get3A_516 = arith.constant 0 : i32
          %get3A_517 = arith.constant 3 : i32
          %get3A_518 = arith.index_cast %get3A : i32 to index
          %get3A_519 = arith.index_cast %get3A_516 : i32 to index
          %get3A_520 = arith.index_cast %get3A_517 : i32 to index
          %get3A_521 = arith.index_cast %multiple_of3A : i32 to index
          %get3A_522 = tpu.vector_load %arg7[%get3A_518, %get3A_519, %get3A_520, %get3A_521] {strides = array<i32>} : memref<3x8x4x1024xf32, #tpu.memory_space<vmem>>, vector<1x1x1x16xf32>,
          %get3A_523 = vector.shape_cast %get3A_522 : vector<1x1x1x16xf32> to vector<16xf32>
          %get3A_524 = arith.constant 2 : i32
          %get3A_525 = arith.constant 1 : i32
          %get3A_526 = arith.constant 3 : i32
          %get3A_527 = arith.index_cast %get3A_524 : i32 to index
          %get3A_528 = arith.index_cast %get3A_525 : i32 to index
          %get3A_529 = arith.index_cast %get3A_526 : i32 to index
          %get3A_530 = arith.index_cast %multiple_of3A : i32 to index
          %get3A_531 = tpu.vector_load %arg7[%get3A_527, %get3A_528, %get3A_529, %get3A_530] {strides = array<i32>} : memref<3x8x4x1024xf32, #tpu.memory_space<vmem>>, vector<1x1x1x16xf32>,
          %get3A_532 = vector.shape_cast %get3A_531 : vector<1x1x1x16xf32> to vector<16xf32>
          %add3A_533 = arith.addf %get3A_523, %get3A_532 : vector<16xf32>
          %get3A_534 = arith.constant 2 : i32
          %get3A_535 = arith.constant 2 : i32
          %get3A_536 = arith.constant 3 : i32
          %get3A_537 = arith.index_cast %get3A_534 : i32 to index
          %get3A_538 = arith.index_cast %get3A_535 : i32 to index
          %get3A_539 = arith.index_cast %get3A_536 : i32 to index
          %get3A_540 = arith.index_cast %multiple_of3A : i32 to index
          %get3A_541 = tpu.vector_load %arg7[%get3A_537, %get3A_538, %get3A_539, %get3A_540] {strides = array<i32>} : memref<3x8x4x1024xf32, #tpu.memory_space<vmem>>, vector<1x1x1x16xf32>,
          %get3A_542 = vector.shape_cast %get3A_541 : vector<1x1x1x16xf32> to vector<16xf32>
          %add3A_543 = arith.addf %add3A_533, %get3A_542 : vector<16xf32>
          %get3A_544 = arith.constant 2 : i32
          %get3A_545 = arith.constant 3 : i32
          %get3A_546 = arith.constant 3 : i32
          %get3A_547 = arith.index_cast %get3A_544 : i32 to index
          %get3A_548 = arith.index_cast %get3A_545 : i32 to index
          %get3A_549 = arith.index_cast %get3A_546 : i32 to index
          %get3A_550 = arith.index_cast %multiple_of3A : i32 to index
          %get3A_551 = tpu.vector_load %arg7[%get3A_547, %get3A_548, %get3A_549, %get3A_550] {strides = array<i32>} : memref<3x8x4x1024xf32, #tpu.memory_space<vmem>>, vector<1x1x1x16xf32>,
          %get3A_552 = vector.shape_cast %get3A_551 : vector<1x1x1x16xf32> to vector<16xf32>
          %add3A_553 = arith.addf %add3A_543, %get3A_552 : vector<16xf32>
          %get3A_554 = arith.constant 2 : i32
          %get3A_555 = arith.constant 4 : i32
          %get3A_556 = arith.constant 3 : i32
          %get3A_557 = arith.index_cast %get3A_554 : i32 to index
          %get3A_558 = arith.index_cast %get3A_555 : i32 to index
          %get3A_559 = arith.index_cast %get3A_556 : i32 to index
          %get3A_560 = arith.index_cast %multiple_of3A : i32 to index
          %get3A_561 = tpu.vector_load %arg7[%get3A_557, %get3A_558, %get3A_559, %get3A_560] {strides = array<i32>} : memref<3x8x4x1024xf32, #tpu.memory_space<vmem>>, vector<1x1x1x16xf32>,
          %get3A_562 = vector.shape_cast %get3A_561 : vector<1x1x1x16xf32> to vector<16xf32>
          %add3A_563 = arith.addf %add3A_553, %get3A_562 : vector<16xf32>
          %get3A_564 = arith.constant 2 : i32
          %get3A_565 = arith.constant 5 : i32
          %get3A_566 = arith.constant 3 : i32
          %get3A_567 = arith.index_cast %get3A_564 : i32 to index
          %get3A_568 = arith.index_cast %get3A_565 : i32 to index
          %get3A_569 = arith.index_cast %get3A_566 : i32 to index
          %get3A_570 = arith.index_cast %multiple_of3A : i32 to index
          %get3A_571 = tpu.vector_load %arg7[%get3A_567, %get3A_568, %get3A_569, %get3A_570] {strides = array<i32>} : memref<3x8x4x1024xf32, #tpu.memory_space<vmem>>, vector<1x1x1x16xf32>,
          %get3A_572 = vector.shape_cast %get3A_571 : vector<1x1x1x16xf32> to vector<16xf32>
          %add3A_573 = arith.addf %add3A_563, %get3A_572 : vector<16xf32>
          %get3A_574 = arith.constant 2 : i32
          %get3A_575 = arith.constant 6 : i32
          %get3A_576 = arith.constant 3 : i32
          %get3A_577 = arith.index_cast %get3A_574 : i32 to index
          %get3A_578 = arith.index_cast %get3A_575 : i32 to index
          %get3A_579 = arith.index_cast %get3A_576 : i32 to index
          %get3A_580 = arith.index_cast %multiple_of3A : i32 to index
          %get3A_581 = tpu.vector_load %arg7[%get3A_577, %get3A_578, %get3A_579, %get3A_580] {strides = array<i32>} : memref<3x8x4x1024xf32, #tpu.memory_space<vmem>>, vector<1x1x1x16xf32>,
          %get3A_582 = vector.shape_cast %get3A_581 : vector<1x1x1x16xf32> to vector<16xf32>
          %add3A_583 = arith.addf %add3A_573, %get3A_582 : vector<16xf32>
          %get3A_584 = arith.constant 2 : i32
          %get3A_585 = arith.constant 7 : i32
          %get3A_586 = arith.constant 3 : i32
          %get3A_587 = arith.index_cast %get3A_584 : i32 to index
          %get3A_588 = arith.index_cast %get3A_585 : i32 to index
          %get3A_589 = arith.index_cast %get3A_586 : i32 to index
          %get3A_590 = arith.index_cast %multiple_of3A : i32 to index
          %get3A_591 = tpu.vector_load %arg7[%get3A_587, %get3A_588, %get3A_589, %get3A_590] {strides = array<i32>} : memref<3x8x4x1024xf32, #tpu.memory_space<vmem>>, vector<1x1x1x16xf32>,
          %get3A_592 = vector.shape_cast %get3A_591 : vector<1x1x1x16xf32> to vector<16xf32>
          %add3A_593 = arith.addf %add3A_583, %get3A_592 : vector<16xf32>
          %swap3A = arith.constant 3 : i32
          %swap3A_594 = arith.index_cast %swap3A : i32 to index
          %swap3A_595 = arith.index_cast %multiple_of3A : i32 to index
          %swap3A_596 = tpu.vector_load %arg8[%swap3A_594, %swap3A_595] {strides = array<i32>} : memref<4x1024xf32, #tpu.memory_space<vmem>>, vector<1x16xf32>,
          %swap3A_597 = vector.shape_cast %swap3A_596 : vector<1x16xf32> to vector<16xf32>
          %swap3A_598 = vector.shape_cast %add3A_593 : vector<16xf32> to vector<1x16xf32>
          tpu.vector_store %arg8[%swap3A_594, %swap3A_595], %swap3A_598 {strides = array<i32>} : memref<4x1024xf32, #tpu.memory_space<vmem>>, vector<1x16xf32>,
          %scan3A_599 = arith.constant 0 : i32
          scf.yield %scan3A_599 : i32
        }
        %scan3A_508 = arith.constant 64 : i32
        %mul3A_509 = arith.constant 4 : i32
        %mul3A_510 = arith.muli %scan3A_291, %mul3A_509 : i32
        %add3A_511 = arith.addi %mul3A_34, %mul3A_510 : i32
        "tpu.region"() ({
          %run_scoped3A_512 = tpu.sem_alloc : memref<!tpu.dma_semaphore, #tpu.memory_space<semaphore_mem>>
          %dma_start3A_513 = arith.constant 0 : i32
          %dma_start3A_514 = tpu.memref_slice %arg5[%add3A_511, %dma_start3A_513] : memref<8192x1024xf32, #tpu.memory_space<hbm>> -> memref<4x1024xf32, #tpu.memory_space<hbm>>
          %dma_start3A_515 = arith.constant 0 : i32
          %dma_start3A_516 = tpu.memref_slice %arg5[%add3A_511, %dma_start3A_515] : memref<8192x1024xf32, #tpu.memory_space<hbm>> -> memref<4x1024xf32, #tpu.memory_space<hbm>>
          tpu.enqueue_dma source(%arg8 : memref<4x1024xf32, #tpu.memory_space<vmem>>) target(%dma_start3A_516 : memref<4x1024xf32, #tpu.memory_space<hbm>>) target_semaphore(%run_scoped3A_512 : memref<!tpu.dma_semaphore, #tpu.memory_space<semaphore_mem>>)
          %dma_wait3A_517 = arith.constant 0 : i32
          %dma_wait3A_518 = tpu.memref_slice %arg5[%add3A_511, %dma_wait3A_517] : memref<8192x1024xf32, #tpu.memory_space<hbm>> -> memref<4x1024xf32, #tpu.memory_space<hbm>>
          %dma_wait3A_519 = arith.constant 0 : i32
          %dma_wait3A_520 = tpu.memref_slice %arg5[%add3A_511, %dma_wait3A_519] : memref<8192x1024xf32, #tpu.memory_space<hbm>> -> memref<4x1024xf32, #tpu.memory_space<hbm>>
          tpu.wait_dma2 semaphore(%run_scoped3A_512 : memref<!tpu.dma_semaphore, #tpu.memory_space<semaphore_mem>>) src(%arg8 : memref<4x1024xf32, #tpu.memory_space<vmem>>) dst(%dma_wait3A_520 : memref<4x1024xf32, #tpu.memory_space<hbm>>)
          tpu.yield
        }) : () -> ()
      } else {
      }
      %scan3A_354 = arith.constant 0 : i32
      scf.yield %scan3A_354 : i32
    }
    %scan3A_269 = arith.constant 64 : i32
    %dma_wait3A = arith.constant 1 : i32
    %dma_wait3A_270 = arith.constant 0 : i32
    %dma_wait3A_271 = arith.constant 0 : i32
    %dma_wait3A_272 = arith.constant 0 : i32
    %dma_wait3A_273 = tpu.memref_slice %arg7[%dma_wait3A, %dma_wait3A_270, %dma_wait3A_271, %dma_wait3A_272] : memref<3x8x4x1024xf32, #tpu.memory_space<vmem>> -> memref<1x8x4x1024xf32, #tpu.memory_space<vmem>>
    %dma_wait3A_274 = tpu.memref_squeeze %dma_wait3A_273 : memref<1x8x4x1024xf32, #tpu.memory_space<vmem>> -> memref<8x4x1024xf32, #tpu.memory_space<vmem>>
    %dma_wait3A_275 = arith.constant 0 : i32
    %dma_wait3A_276 = arith.constant 0 : i32
    %dma_wait3A_277 = arith.constant 0 : i32
    %dma_wait3A_278 = tpu.memref_slice %arg7[%dma_wait3A, %dma_wait3A_275, %dma_wait3A_276, %dma_wait3A_277] : memref<3x8x4x1024xf32, #tpu.memory_space<vmem>> -> memref<1x8x4x1024xf32, #tpu.memory_space<vmem>>
    %dma_wait3A_279 = tpu.memref_squeeze %dma_wait3A_278 : memref<1x8x4x1024xf32, #tpu.memory_space<vmem>> -> memref<8x4x1024xf32, #tpu.memory_space<vmem>>
    tpu.wait_dma2 semaphore(%arg10 : memref<!tpu.dma_semaphore, #tpu.memory_space<semaphore_mem>>) src(%arg4 : memref<8x4x1024xf32, #tpu.memory_space<hbm>>) dst(%dma_wait3A_279 : memref<8x4x1024xf32, #tpu.memory_space<vmem>>)
    %dma_wait3A_280 = arith.constant 2 : i32
    %dma_wait3A_281 = arith.constant 0 : i32
    %dma_wait3A_282 = arith.constant 0 : i32
    %dma_wait3A_283 = arith.constant 0 : i32
    %dma_wait3A_284 = tpu.memref_slice %arg7[%dma_wait3A_280, %dma_wait3A_281, %dma_wait3A_282, %dma_wait3A_283] : memref<3x8x4x1024xf32, #tpu.memory_space<vmem>> -> memref<1x8x4x1024xf32, #tpu.memory_space<vmem>>
    %dma_wait3A_285 = tpu.memref_squeeze %dma_wait3A_284 : memref<1x8x4x1024xf32, #tpu.memory_space<vmem>> -> memref<8x4x1024xf32, #tpu.memory_space<vmem>>
    %dma_wait3A_286 = arith.constant 0 : i32
    %dma_wait3A_287 = arith.constant 0 : i32
    %dma_wait3A_288 = arith.constant 0 : i32
    %dma_wait3A_289 = tpu.memref_slice %arg7[%dma_wait3A_280, %dma_wait3A_286, %dma_wait3A_287, %dma_wait3A_288] : memref<3x8x4x1024xf32, #tpu.memory_space<vmem>> -> memref<1x8x4x1024xf32, #tpu.memory_space<vmem>>
    %dma_wait3A_290 = tpu.memref_squeeze %dma_wait3A_289 : memref<1x8x4x1024xf32, #tpu.memory_space<vmem>> -> memref<8x4x1024xf32, #tpu.memory_space<vmem>>
    tpu.wait_dma2 semaphore(%arg11 : memref<!tpu.dma_semaphore, #tpu.memory_space<semaphore_mem>>) src(%arg4 : memref<8x4x1024xf32, #tpu.memory_space<hbm>>) dst(%dma_wait3A_290 : memref<8x4x1024xf32, #tpu.memory_space<vmem>>)
    return
  }
}

</mosaic_0001>

<sc_bundles>
// kernel: kernel.3.cloned.1.call-start
scs
__scs_entry_jumppad:
0x0: {  	(pc) =	sbr.rel $0x88, $3  }
0x1: {  	(tag) =	ssettag $0x0;
	lr =	simm.s32 $0x1  }
0x2: {  	[smem:$0x3F9F] =	sst lr;
	_ =	strace $0xD0000000  }
0x3: {  	_ = 	snop  }
0x4: {  	_ = 	snop  }
0x5: {  	_ = 	snop  }
0x6: {  	_ = 	snop  }
0x7: {  	_ = 	snop  }
__scs_overlays_trampoline_lowered:
0x8: {  	[smem:$0x3FAE] =	sst s0  }
0x9: {  	[smem:$0x3FAF] =	sst s1  }
0xa: {  	[smem:$0x3FB0] =	sst s2  }
0xb: {  	[smem:$0x3FB1] =	sst s3  }
0xc: {  	[smem:$0x3FB2] =	sst s4  }
0xd: {  	[smem:$0x3FB3] =	sst s5  }
0xe: {  	[smem:$0x3FB4] =	sst s6  }
0xf: {  	[smem:$0x3FB5] =	sst s7  }
0x10: {  	[smem:$0x3FB6] =	sst s8  }
0x11: {  	[smem:$0x3FB7] =	sst s9;
	s0 =	simm.s32 @!p0 $0x0  }
0x12: {  	s1 =	sld [smem:$0x3F9D];
	s0 =	simm.s32 @p0 $0x1  }
0x13: {  	[smem:$0x3FB8] =	sst s0;
	s0 =	simm.s32 @!p1 $0x0  }
0x14: {  	s2 =	sld [smem:$0x3F9C];
	s0 =	simm.s32 @p1 $0x1  }
0x15: {  	[smem:$0x3FB9] =	sst s0;
	s0 =	simm.s32 @!p2 $0x0  }
0x16: {  	s3 =	sld [smem:$0x3FDB];
	s0 =	simm.s32 @p2 $0x1  }
0x17: {  	s4 =	simm.s32 $0x1BF5;
	[smem:$0x3FBB] =	sst s0  }
0x18: {  	s0 =	sld [smem:$0x3F9E];
	_ =	swait.ge [sflag:s4], $0x0  }
0x19: {  	s7 =	sld [smem:$0x3F9F]  }
0x1a: {  	s8 =	sadd.s32 $0xFFFFE003, lr  }
0x1b: {  	s9 =	sadd.s32 $0xFFFFFEF7, lr;
	s5 =	simm.s32 $0xFFFFFFFF;
	p2 =	slt.u32 s8, $0xFFFFF086  }
0x1c: {  	p1 =	slt.u32 s9, $0xF7A;
	s5 =	simm.s32 @!p2 $0x0  }
0x1d: {  	s5 =	simm.s32 @p1 $0x1;
	p0 =	seq.s32 s7, s2  }
0x1e: {  	s7 =	smul.u32 @!p0 $0xF7A, s2;
	p2 =	seq.s32 @!p0 s5, $0x0  }
0x1f: {  	s9 =	smul.u32 $0xF7A, s1;
	s8 =	simm.s32 @!p0 $0x1BF5;
	p2 =	por !p2, p0  }
0x20: {  	[sflag:s8] =	ssyncset.s32 @!p0 $0xFFFFF086;
	s6 =	sadd.s32 @!p0 s3, s7;
	s7 =	simm.s32 @!p0 $0x108  }
0x21: {  	s3 =	sadd.s32 s3, s9;
	s6 =	sadd.s32 @!p0 $0x88, s6;
	s7 =	simm.s32 @p2 $0x1082  }
0x22: {  	[simem:s7], [sflag:s8] =	dma.local @!p0 [hbm:s6], $0xF7A  }
0x23: {  	s9 =	sor.u32 $0xD0000000, s2;
	s6 =	simm.s32 $0x108;
	_ =	swait.ge @!p0 [sflag:s8], $0x0  }
0x24: {  	s3 =	sadd.s32 $0x88, s3;
	s6 =	simm.s32 @!p1 $0x1082;
	[sflag:s4] =	ssyncset.s32 $0xFFFFF086  }
0x25: {  	[simem:s6], [sflag:s4] =	dma.local [hbm:s3], $0xF7A  }
0x26: {  	[smem:$0x3F9F] =	sst s1;
	(tag) =	ssettag s2;
	_ =	strace s9  }
0x27: {  	s1 =	sld [smem:$0x3FAF]  }
0x28: {  	s2 =	sld [smem:$0x3FB0]  }
0x29: {  	s4 =	sld [smem:$0x3FB2]  }
0x2a: {  	p0 =	seq.s32 s5, $0x0;
	s5 =	sld [smem:$0x3FB3]  }
0x2b: {  	s6 =	sld [smem:$0x3FB4]  }
0x2c: {  	s7 =	sld [smem:$0x3FB5]  }
0x2d: {  	s3 =	simm.s32 $0x108;
	s8 =	sld [smem:$0x3FB6]  }
0x2e: {  	s3 =	simm.s32 @!p0 $0x1082;
	s9 =	sld [smem:$0x3FB7]  }
0x2f: {  	lr =	sadd.s32 s0, s3;
	s0 =	sld [smem:$0x3FAE]  }
0x30: {  	s3 =	sld [smem:$0x3FB1]  }
0x31: {  	[smem:$0x3FBA] =	sst s10  }
0x32: {  	s10 =	sld [smem:$0x3FB8];
	_ =	sdelay $0x3  }
0x33: {  	p0 =	seq.s32 s10, $0x1;
	s10 =	sld [smem:$0x3FBA];
	_ =	sdelay $0x3  }
0x34: {  	[smem:$0x3FBA] =	sst s10  }
0x35: {  	s10 =	sld [smem:$0x3FB9];
	_ =	sdelay $0x3  }
0x36: {  	p1 =	seq.s32 s10, $0x1;
	s10 =	sld [smem:$0x3FBA];
	_ =	sdelay $0x3  }
0x37: {  	[smem:$0x3FBA] =	sst s10  }
0x38: {  	s10 =	sld [smem:$0x3FBB]  }
0x39: {  	_ = 	snop;
	(pc) =	sbr.ind lr, $3  }
0x3a: {  	_ = 	snop  }
0x3b: {  	_ = 	snop  }
0x3c: {  	p2 =	seq.s32 s10, $0x1;
	s10 =	sld [smem:$0x3FBA]  }
0x3d: {  	_ =	shalt  }
0x3e: {  	_ =	shalt  }
0x3f: {  	_ =	shalt  }
0x40: {  	_ =	shalt  }
0x41: {  	_ =	shalt  }
0x42: {  	_ =	shalt  }
0x43: {  	_ =	shalt  }
0x44: {  	_ =	shalt  }
0x45: {  	_ =	shalt  }
0x46: {  	_ =	shalt  }
0x47: {  	_ =	shalt  }
0x48: {  	_ =	shalt  }
0x49: {  	_ =	shalt  }
0x4a: {  	_ =	shalt  }
0x4b: {  	_ =	shalt  }
0x4c: {  	_ =	shalt  }
0x4d: {  	_ =	shalt  }
0x4e: {  	_ =	shalt  }
0x4f: {  	_ =	shalt  }
0x50: {  	_ =	shalt  }
0x51: {  	_ =	shalt  }
0x52: {  	_ =	shalt  }
0x53: {  	_ =	shalt  }
0x54: {  	_ =	shalt  }
0x55: {  	_ =	shalt  }
0x56: {  	_ =	shalt  }
0x57: {  	_ =	shalt  }
0x58: {  	_ =	shalt  }
0x59: {  	_ =	shalt  }
0x5a: {  	_ =	shalt  }
0x5b: {  	_ =	shalt  }
0x5c: {  	_ =	shalt  }
0x5d: {  	_ =	shalt  }
0x5e: {  	_ =	shalt  }
0x5f: {  	_ =	shalt  }
0x60: {  	_ =	shalt  }
0x61: {  	_ =	shalt  }
0x62: {  	_ =	shalt  }
0x63: {  	_ =	shalt  }
0x64: {  	_ =	shalt  }
0x65: {  	_ =	shalt  }
0x66: {  	_ =	shalt  }
0x67: {  	_ =	shalt  }
0x68: {  	_ =	shalt  }
0x69: {  	_ =	shalt  }
0x6a: {  	_ =	shalt  }
0x6b: {  	_ =	shalt  }
0x6c: {  	_ =	shalt  }
0x6d: {  	_ =	shalt  }
0x6e: {  	_ =	shalt  }
0x6f: {  	_ =	shalt  }
0x70: {  	_ =	shalt  }
0x71: {  	_ =	shalt  }
0x72: {  	_ =	shalt  }
0x73: {  	_ =	shalt  }
0x74: {  	_ =	shalt  }
0x75: {  	_ =	shalt  }
0x76: {  	_ =	shalt  }
0x77: {  	_ =	shalt  }
0x78: {  	_ =	shalt  }
0x79: {  	_ =	shalt  }
0x7a: {  	_ =	shalt  }
0x7b: {  	_ =	shalt  }
0x7c: {  	_ =	shalt  }
0x7d: {  	_ =	shalt  }
0x7e: {  	_ =	shalt  }
0x7f: {  	_ =	shalt  }
0x80: {  	_ =	shalt  }
0x81: {  	_ =	shalt  }
0x82: {  	_ =	shalt  }
0x83: {  	_ =	shalt  }
0x84: {  	_ =	shalt  }
0x85: {  	_ =	shalt  }
0x86: {  	_ =	shalt  }
0x87: {  	_ =	shalt  }
.Lfunc_end0:
.L_simem_size_0:
called_computation_lowered:
.L_overlay_start_0:
0x88: {  	s2 =	sld [smem:$0x3FD9]  }
0x89: {  	s3 =	sld [smem:$0x3FFE];
	_ =	sdelay $0x1  }
0x8a: {  	s1 =	srdreg.scid  }
0x8b: {  	s0 =	sand.u32 $0x1, s1  }
0x8c: {  	s18 =	sshll.u32 s0, $0xA;
	s2 =	sadd.s32 s3, s2  }
0x8d: {  	s2 =	sadd.s32 s2, s18  }
0x8e: {  	[smem:$0x3FC6] =	sst s2  }
0x8f: {  	_ = 	snop  }
0x90: {  	s2 =	sld [smem:$0x3FC9]  }
0x91: {  	s19 =	sld [smem:$0x3FC8]  }
0x92: {  	s4 =	sld [smem:$0x3FD0];
	(tm) =	ssettm $0x1  }
0x93: {  	s5 =	sld [smem:$0x3FFB];
	_ =	sdelay $0x3  }
0x94: {  	_ =	strace s5  }
0x95: {  	s5 =	sld [smem:$0x3FFC];
	_ =	sdelay $0x3  }
0x96: {  	_ =	strace s5  }
0x97: {  	s5 =	sld [smem:$0x3FFD];
	_ =	sdelay $0x3  }
0x98: {  	_ =	strace s5  }
0x99: {  	_ =	strace $0x8FFFFFFF  }
0x9a: {  	s20 =	sld [smem:$0x3FDB];
	_ =	sdelay $0x1  }
0x9b: {  	s6 =	simm.s32 $_scs_section_size  }
0x9c: {  	s7 =	simm.s32 $_size__tile_overlayer_lowered;
	s8 =	simm.s32 $_tile_overlayer_lowered  }
0x9d: {  	s23 =	simm.s32 $0x1BFF;
	s22 =	sshll.u32 s8, $0x1;
	s5 =	sadd.s32 s6, s20  }
0x9e: {  	s9 =	simm.s32 $0x0;
	s21 =	sshll.u32 s7, $0x1;
	s7 =	sadd.s32 s22, s5  }
0x9f: {  	[timem:s9], [sflag:s23] =	dma.local [hbm:s7], s21  }
0xa0: {  	_ =	swait.ge [sflag:s23], s21  }
0xa1: {  	s6 =	ssub.s32 $0x0, s21;
	[sflag:s23] =	ssyncset.done $0x0  }
0xa2: {  	[sflag:s23] =	ssyncadd.s32 s6;
	_ =	sdelay $0x1  }
0xa3: {  	s24 =	simm.s32 $0x1B8B  }
0xa4: {  	_ =	swait.ge [sflag:s24], $0x1  }
0xa5: {  	[sflag:s24] =	ssyncset.done $0x0  }
0xa6: {  	s25 =	simm.s32 $0x1B8E;
	[sflag:s24] =	ssyncadd.s32 $0xFFFFFFFF  }
0xa7: {  	s26 =	simm.s32 $execute0_lowered;
	[smem:$0x3FD2] =	sst s25  }
0xa8: {  	s6 =	sshll.u32 s26, $0x1;
	_ =	strace $0x80000046;
	[dreg:$0x1] =	wrdreg $0xFFFFFFFF  }
0xa9: {  	s28 =	simm.s32 $_size_execute0_lowered;
	s5 =	sadd.s32 s5, s6;
	[dreg:$0x0] =	wrdreg $0x0  }
0xaa: {  	s6 =	sshll.u32 s28, $0x1;
	[dreg:$0x2] =	wrdreg s5  }
0xab: {  	[dreg:$0x3] =	wrdreg s6  }
0xac: {  	[dreg:$0x4] =	wrdreg $0xC0  }
0xad: {  	_ =	task [dreg:s9], $0x5FFFF  }
0xae: {  	[dreg:$0x1] =	wrdreg $0xFFFFFFFF  }
0xaf: {  	[dreg:$0x0] =	wrdreg $0x60  }
0xb0: {  	[dreg:$0x2] =	wrdreg s2  }
0xb1: {  	[dreg:$0x3] =	wrdreg s19  }
0xb2: {  	[dreg:$0x4] =	wrdreg s4  }
0xb3: {  	[dreg:$0x5] =	wrdreg $0x9  }
0xb4: {  	_ =	task.clear_ibuf [dreg:s9], $0x6FFFF;
	_ =	strace $0x90000046  }
0xb5: {  	s29 =	simm.s32 $0x9;
	_ =	strace $0x80000048  }
0xb6: {  	_ =	swait.ge [sflag:s29], $0x1  }
0xb7: {  	[sflag:s29] =	ssyncadd.s32 $0xFFFFFFFF  }
0xb8: {  	_ =	strace $0x90000048  }
0xb9: {  	_ =	sfence  }
0xba: {  	s30 =	sld [smem:$0x0];
	_ =	sdelay $0x2  }
0xbb: {  	s31 =	sshll.u32 s1, $0xD;
	s1 =	sshrl.u32 s1, $0x2  }
0xbc: {  	s3 =	sand.u32 $0x4000, s31;
	s1 =	sadd.s32 s1, s30  }
0xbd: {  	s0 =	sor.u32 s3, s0;
	s1 =	sshll.u32 s1, $0x11  }
0xbe: {  	s0 =	sor.u32 s1, s0  }
0xbf: {  	s0 =	sadd.s32 $0x8F2B, s0  }
0xc0: {  	[sflag:s0] =	ssyncadd.remote.s32 $0x1  }
0xc1: {  	_ =	sfence.sel $0xFFFF  }
0xc2: {  	[dreg:$0x0] =	wrdreg $0xFFFFFFFF;
	(pc) =	sbr.abs _section_cstart, $3  }
0xc3: {  	[dreg:$0x1] =	wrdreg $0xFFFFFFFF  }
0xc4: {  	_ =	task.clear_ibuf [dreg:s9], $0x2FFFF;
	_ =	strace $0x9FFFFFFF  }
0xc5: {  	(tm) =	ssettm $0x7FFFFFFF  }
tec
execute0_lowered:
.L_overlay_start_1:
0x0: {  	(tag) =	ssettag $0x1  }
0x1: {  	s0 =	rddreg [dreg:$0x0]  }
0x2: {  	s2 =	rddreg [dreg:$0x1]  }
0x3: {  	s1 =	srdreg.scid;
	s7 =	stileid.u32  }
0x4: {  	s4 =	rddreg [dreg:$0x2];
	s16 =	simm.s32 $0x400;
	s17 =	simm.s32 $0x4  }
0x5: {  	s28 =	simm.s32 $0x200;
	s29 =	simm.s32 $0xE800;
	s30 =	simm.s32 $0xF000  }
0x6: {  	s31 =	simm.s32 $0xF800;
	s1 =	sand.u32 $0x1, s1;
	s3 =	sshll.u32 s7, $0x1  }
0x7: {  	s7 =	sshll.u32 s7, $0x9;
	s5 =	sor.u32 s1, s3;
	s1 =	ssub.s32 $0x2, s1  }
0x8: {  	s3 =	simm.s32 $0x0;
	s6 =	sshll.u32 s5, $0x8;
	s8 =	sshrl.u32 s1, $0x1  }
0x9: {  	s7 =	sand.u32 $0x1800, s7;
	s6 =	sand.u32 $0x700, s6;
	s1 =	ssub.s32 s1, s8  }
0xa: {  	[smem:$0x7FF] =	sst s3;
	s6 =	sor.u32 s7, s6;
	s22 =	smax.u32 s1, $0x1  }
0xb: {  	_ =	strace $0x80000047;
	s6 =	sadd.s32 s0, s6;
	[dreg:$0xc] =	wrdreg s22  }
0xc: {  	s12 =	sadd.s32 $0x200, s2;
	s9 =	sadd.s32 $0x40, s6;
	[dreg:$0x4] =	wrdreg s6  }
0xd: {  	s13 =	sshll.u32 s5, $0xF;
	s19 =	sadd.s32 $0x50, s6;
	[dreg:$0x8] =	wrdreg s9  }
0xe: {  	s13 =	sadd.s32 s4, s13;
	s20 =	sadd.s32 $0x60, s6;
	[dreg:$0x9] =	wrdreg s19  }
0xf: {  	s1 =	simm.s32 $0x10000;
	s21 =	sadd.s32 $0x70, s6;
	[dreg:$0xa] =	wrdreg s20  }
0x10: {  	s0 =	simm.s32 $0x3;
	s23 =	sadd.s32 $0x80, s6;
	[dreg:$0xb] =	wrdreg s21  }
0x11: {  	s14 =	sadd.s32 $0x10, s6;
	s15 =	sadd.s32 $0x20, s6;
	[dreg:$0xd] =	wrdreg s23  }
0x12: {  	s18 =	sadd.s32 $0x30, s6;
	[dreg:$0x5] =	wrdreg s14;
	s24 =	sadd.s32 $0x80, s14  }
.Ltmp0:
0x13: {  	[dreg:$0x6] =	wrdreg s15;
	s25 =	sadd.s32 $0x80, s15;
	(pc) =	sbr.rel .LBB2_1-.Ltmp0, $4  }
0x14: {  	[dreg:$0x7] =	wrdreg s18;
	s26 =	sadd.s32 $0x80, s18;
	s23 =	simm.s32 $0xD000  }
0x15: {  	v0 =	vlaneseq.u32;
	s18 =	simm.s32 $0x18800;
	s20 =	simm.s32 $0x2;
	[dreg:$0xe] =	wrdreg s24  }
0x16: {  	v1 =	vshrl.u32 v0, $0x2;
	s14 =	simm.s32 $0x1;
	s15 =	simm.s32 $0x0;
	[dreg:$0xf] =	wrdreg s25  }
0x17: {  	vm0 =	vmmov $0xffff;
	v0 =	vand.u32 $0x3, v0;
	v1 =	vmul.u32 $0x8, v1;
	[dreg:$0x10] =	wrdreg s26;
	s24 =	simm.s32 $0xD800;
	s26 =	simm.s32 $0xE000  }
.LBB2_40:
0x18: {  	_ =	swait.ge [sflag:s20], $0x8000  }
0x19: {  	[sflag:s20] =	ssyncset.done $0x0  }
0x1a: {  	[sflag:s20] =	ssyncadd.s32 $0xFFFF8000  }
0x1b: {  	_ =	swait.ge [sflag:s0], $0x8000  }
0x1c: {  	s15 =	sadd.s32 $0x1, s15;
	s4 =	rddreg [dreg:$0xc]  }
0x1d: {  	p0 =	sne.s32 s15, s4  }
.Ltmp1:
0x1e: {  	_ = 	snop;
	(pc) =	sbr.rel @!p0 .LBB2_41-.Ltmp1, $3  }
0x1f: {  	_ =	sdelay $0x1  }
0x20: {  	[sflag:s0] =	ssyncset.done $0x0  }
0x21: {  	[sflag:s0] =	ssyncadd.s32 $0xFFFF8000  }
.LBB2_1:
0x22: {  	s4 =	rddreg [dreg:$0x4]  }
0x23: {  	[tilespmem:s3], [sflag:$0x4] =	stream.linear.gather [hbm4b:s4+s3], $0x80, $0x38;
	[tilespmem:$0x19800] =	vst v63  }
0x24: {  	s10 =	rddreg [dreg:$0xd]  }
0x25: {  	[tilespmem:s16], [sflag:$0x4] =	stream.linear.gather [hbm4b:s10+s3], $0x80, $0x38;
	[tilespmem:$0x19800] =	vst v63  }
0x26: {  	_ =	swait.ge [sflag:s17], $0x100  }
0x27: {  	[sflag:s17] =	ssyncset.done $0x0  }
0x28: {  	s5 =	simm.s32 $0x80;
	s11 =	rddreg [dreg:$0x5];
	[sflag:s17] =	ssyncadd.s32 $0xFFFFFF00  }
0x29: {  	[tilespmem:s5], [sflag:$0x4] =	stream.linear.gather [hbm4b:s11+s3], $0x80, $0x38;
	[tilespmem:$0x19800] =	vst v63  }
0x2a: {  	s21 =	simm.s32 $0x480;
	s19 =	rddreg [dreg:$0xe]  }
0x2b: {  	[tilespmem:s21], [sflag:$0x4] =	stream.linear.gather [hbm4b:s19+s3], $0x80, $0x38;
	[tilespmem:$0x19800] =	vst v63  }
0x2c: {  	_ =	swait.ge [sflag:s17], $0x100  }
0x2d: {  	[sflag:s17] =	ssyncset.done $0x0  }
0x2e: {  	s25 =	simm.s32 $0x100;
	s22 =	rddreg [dreg:$0x6];
	[sflag:s17] =	ssyncadd.s32 $0xFFFFFF00  }
0x2f: {  	[tilespmem:s25], [sflag:$0x4] =	stream.linear.gather [hbm4b:s22+s3], $0x80, $0x38;
	[tilespmem:$0x19800] =	vst v63  }
0x30: {  	s7 =	simm.s32 $0x500;
	s6 =	rddreg [dreg:$0xf]  }
0x31: {  	[tilespmem:s7], [sflag:$0x4] =	stream.linear.gather [hbm4b:s6+s3], $0x80, $0x38;
	[tilespmem:$0x19800] =	vst v63  }
0x32: {  	_ =	swait.ge [sflag:s17], $0x100  }
0x33: {  	[sflag:s17] =	ssyncset.done $0x0  }
0x34: {  	s9 =	simm.s32 $0x180;
	s8 =	rddreg [dreg:$0x7];
	[sflag:s17] =	ssyncadd.s32 $0xFFFFFF00  }
0x35: {  	[tilespmem:s9], [sflag:$0x4] =	stream.linear.gather [hbm4b:s8+s3], $0x80, $0x38;
	[tilespmem:$0x19800] =	vst v63  }
0x36: {  	s11 =	simm.s32 $0x580;
	s10 =	rddreg [dreg:$0x10]  }
0x37: {  	[tilespmem:s11], [sflag:$0x4] =	stream.linear.gather [hbm4b:s10+s3], $0x80, $0x38;
	[tilespmem:$0x19800] =	vst v63  }
0x38: {  	_ =	swait.ge [sflag:s17], $0x100  }
0x39: {  	[sflag:s17] =	ssyncset.done $0x0  }
0x3a: {  	s19 =	rddreg [dreg:$0x8];
	[sflag:s17] =	ssyncadd.s32 $0xFFFFFF00  }
0x3b: {  	[tilespmem:s28], [sflag:$0x4] =	stream.linear.gather [hbm4b:s19+s3], $0x80, $0x38;
	[tilespmem:$0x19800] =	vst v63  }
0x3c: {  	s21 =	simm.s32 $0x600;
	s4 =	sadd.s32 $0x80, s19  }
0x3d: {  	[tilespmem:s21], [sflag:$0x4] =	stream.linear.gather [hbm4b:s4+s3], $0x80, $0x38;
	[tilespmem:$0x19800] =	vst v63  }
0x3e: {  	_ =	swait.ge [sflag:s17], $0x100  }
0x3f: {  	[sflag:s17] =	ssyncset.done $0x0  }
0x40: {  	s25 =	simm.s32 $0x280;
	s22 =	rddreg [dreg:$0x9];
	[sflag:s17] =	ssyncadd.s32 $0xFFFFFF00  }
0x41: {  	[tilespmem:s25], [sflag:$0x4] =	stream.linear.gather [hbm4b:s22+s3], $0x80, $0x38;
	[tilespmem:$0x19800] =	vst v63  }
0x42: {  	s6 =	simm.s32 $0x680;
	s4 =	sadd.s32 $0x80, s22  }
0x43: {  	[tilespmem:s6], [sflag:$0x4] =	stream.linear.gather [hbm4b:s4+s3], $0x80, $0x38;
	[tilespmem:$0x19800] =	vst v63  }
0x44: {  	_ =	swait.ge [sflag:s17], $0x100  }
0x45: {  	[sflag:s17] =	ssyncset.done $0x0  }
0x46: {  	s8 =	simm.s32 $0x300;
	s7 =	rddreg [dreg:$0xa];
	[sflag:s17] =	ssyncadd.s32 $0xFFFFFF00  }
0x47: {  	[tilespmem:s8], [sflag:$0x4] =	stream.linear.gather [hbm4b:s7+s3], $0x80, $0x38;
	[tilespmem:$0x19800] =	vst v63  }
0x48: {  	s9 =	simm.s32 $0x700;
	s4 =	sadd.s32 $0x80, s7  }
0x49: {  	[tilespmem:s9], [sflag:$0x4] =	stream.linear.gather [hbm4b:s4+s3], $0x80, $0x38;
	[tilespmem:$0x19800] =	vst v63  }
0x4a: {  	_ =	swait.ge [sflag:s17], $0x100  }
0x4b: {  	[sflag:s17] =	ssyncset.done $0x0  }
0x4c: {  	s11 =	simm.s32 $0x380;
	s10 =	rddreg [dreg:$0xb];
	[sflag:s17] =	ssyncadd.s32 $0xFFFFFF00  }
0x4d: {  	[tilespmem:s11], [sflag:$0x4] =	stream.linear.gather [hbm4b:s10+s3], $0x80, $0x38;
	[tilespmem:$0x19800] =	vst v63  }
0x4e: {  	s19 =	simm.s32 $0x780;
	s4 =	sadd.s32 $0x80, s10  }
0x4f: {  	[tilespmem:s19], [sflag:$0x4] =	stream.linear.gather [hbm4b:s4+s3], $0x80, $0x38;
	[tilespmem:$0x19800] =	vst v63  }
0x50: {  	_ =	swait.ge [sflag:s17], $0x100  }
0x51: {  	s21 =	sand.u32 $0x70, s3;
	s22 =	sand.u32 $0x400, s3;
	[sflag:s17] =	ssyncset.done $0x0  }
0x52: {  	s4 =	sor.u32 s21, s22;
	[sflag:s17] =	ssyncadd.s32 $0xFFFFFF00  }
0x53: {  	v2 =	vld [tilespmem:s4+$0x300]  }
0x54: {  	v3 =	vld [tilespmem:s4+$0x180]  }
0x55: {  	v4 =	vld [tilespmem:s4+$0x200]  }
0x56: {  	v6 =	vld [tilespmem:s4+$0x100]  }
0x57: {  	v5 =	vld [tilespmem:s4+$0x280]  }
0x58: {  	v7 =	vld [tilespmem:s4+$0x80];
	v2 =	vadd.s32 $0x1800, v2  }
0x59: {  	v3 =	vadd.s32 $0xC00, v3;
	[tilespmem:s4+$0x300] =	vst v2  }
0x5a: {  	[tilespmem:s4+$0x180] =	vst v3;
	v2 =	vadd.s32 $0x1000, v4  }
0x5b: {  	v3 =	vadd.s32 $0x800, v6;
	[tilespmem:s4+$0x200] =	vst v2  }
0x5c: {  	v2 =	vadd.s32 $0x1400, v5;
	[tilespmem:s4+$0x100] =	vst v3  }
0x5d: {  	s25 =	sor.u32 s3, s3;
	[tilespmem:s4+$0x280] =	vst v2;
	v2 =	vadd.s32 $0x400, v7  }
0x5e: {  	s6 =	sor.u32 $0x380, s25;
	[tilespmem:s4+$0x80] =	vst v2  }
0x5f: {  	s5 =	simm.s32 $0x0;
	s4 =	simm.s32 $0x10;
	v2 =	vld [tilespmem:s6+$0x0]  }
.LBB2_2:
0x60: {  	p0 =	sne.s32 s4, $0xF0  }
0x61: {  	s5 =	sadd.s32 $0x80, s5;
	s7 =	smov.u32 s4;
	s4 =	sadd.s32 $0x10, s4  }
0x62: {  	_ =	sdelay $0x2  }
0x63: {  	s8 =	sand.u32 $0x70, s7;
	s9 =	sand.u32 $0x400, s5;
	v2 =	vadd.s32 $0x1C00, v2  }
0x64: {  	s8 =	sor.u32 s8, s9;
	[tilespmem:s6+$0x0] =	vst v2  }
0x65: {  	v2 =	vld [tilespmem:s8+$0x300]  }
0x66: {  	v3 =	vld [tilespmem:s8+$0x180]  }
0x67: {  	v4 =	vld [tilespmem:s8+$0x200]  }
0x68: {  	v5 =	vld [tilespmem:s8+$0x280]  }
0x69: {  	v6 =	vld [tilespmem:s8+$0x100]  }
0x6a: {  	v7 =	vld [tilespmem:s8+$0x80];
	v2 =	vadd.s32 $0x1800, v2  }
0x6b: {  	v3 =	vadd.s32 $0xC00, v3;
	[tilespmem:s8+$0x300] =	vst v2  }
0x6c: {  	[tilespmem:s8+$0x180] =	vst v3;
	v2 =	vadd.s32 $0x1000, v4  }
.Ltmp2:
0x6d: {  	[tilespmem:s8+$0x200] =	vst v2;
	v2 =	vadd.s32 $0x1400, v5;
	(pc) =	sbr.rel @p0 .LBB2_2-.Ltmp2, $4  }
0x6e: {  	v3 =	vadd.s32 $0x800, v6;
	[tilespmem:s8+$0x280] =	vst v2  }
0x6f: {  	s6 =	sor.u32 s5, s7;
	v2 =	vadd.s32 $0x400, v7;
	[tilespmem:s8+$0x100] =	vst v3  }
0x70: {  	s6 =	sor.u32 $0x380, s6;
	[tilespmem:s8+$0x80] =	vst v2  }
0x71: {  	v2 =	vld [tilespmem:s6+$0x0]  }
0x72: {  	_ =	sdelay $0x3  }
0x73: {  	v2 =	vadd.s32 $0x1C00, v2  }
0x74: {  	[tilespmem:s6+$0x0] =	vst v2  }
0x75: {  	v2 =	vld.msk [tilespmem:$0x0], $0xf;
	_ =	sdelay $0x4  }
0x76: {  	v3 =	vshll.u32 v2, $0x3  }
0x77: {  	v2 =	vand.u32 $0x7, v2;
	v3 =	vand.u32 $0xFFFFFFC0, v3  }
0x78: {  	v2 =	vor.u32 v2, v3  }
0x79: {  	v2 =	vperm.xlane v2, v0;
	_ =	sdelay $0x1  }
0x7a: {  	v2 =	vadd.s32 v1, v2;
	_ =	sdelay $0x3  }
0x7b: {  	s19 =	simm.s32 $0x0;
	s4 =	simm.s32 $0x800  }
0x7c: {  	[tilespmem:s4], [sflag:$0x1] =	stream.indirect_vreg.gather [hbm4b:s2+s19], $0x80, v2, vm0, $0xb8;
	[tilespmem:$0x19800] =	vst v63  }
0x7d: {  	s11 =	simm.s32 $0x1000  }
0x7e: {  	[tilespmem:s11], [sflag:$0x1] =	stream.indirect_vreg.gather [hbm4b:s12+s19], $0x80, v2, vm0, $0xb8;
	[tilespmem:$0x19800] =	vst v63  }
0x7f: {  	v2 =	vld.msk [tilespmem:$0x80], $0xf;
	_ =	sdelay $0x4  }
0x80: {  	v3 =	vshll.u32 v2, $0x3  }
0x81: {  	v2 =	vand.u32 $0x7, v2;
	v3 =	vand.u32 $0xFFFFFFC0, v3  }
0x82: {  	v2 =	vor.u32 v2, v3  }
0x83: {  	v2 =	vperm.xlane v2, v0;
	_ =	sdelay $0x1  }
0x84: {  	v2 =	vadd.s32 v1, v2;
	_ =	sdelay $0x3  }
0x85: {  	s21 =	simm.s32 $0x1800  }
0x86: {  	[tilespmem:s21], [sflag:$0x1] =	stream.indirect_vreg.gather [hbm4b:s2+s19], $0x80, v2, vm0, $0xb8;
	[tilespmem:$0x19800] =	vst v63  }
0x87: {  	s22 =	simm.s32 $0x2000  }
0x88: {  	[tilespmem:s22], [sflag:$0x1] =	stream.indirect_vreg.gather [hbm4b:s12+s19], $0x80, v2, vm0, $0xb8;
	[tilespmem:$0x19800] =	vst v63  }
0x89: {  	v2 =	vld.msk [tilespmem:$0x100], $0xf;
	_ =	sdelay $0x4  }
0x8a: {  	v3 =	vshll.u32 v2, $0x3  }
0x8b: {  	v2 =	vand.u32 $0x7, v2;
	v3 =	vand.u32 $0xFFFFFFC0, v3  }
0x8c: {  	v2 =	vor.u32 v2, v3  }
0x8d: {  	v2 =	vperm.xlane v2, v0;
	_ =	sdelay $0x1  }
0x8e: {  	v2 =	vadd.s32 v1, v2;
	_ =	sdelay $0x3  }
0x8f: {  	s25 =	simm.s32 $0x2800  }
0x90: {  	[tilespmem:s25], [sflag:$0x1] =	stream.indirect_vreg.gather [hbm4b:s2+s19], $0x80, v2, vm0, $0xb8;
	[tilespmem:$0x19800] =	vst v63  }
0x91: {  	s5 =	simm.s32 $0x3000  }
0x92: {  	[tilespmem:s5], [sflag:$0x1] =	stream.indirect_vreg.gather [hbm4b:s12+s19], $0x80, v2, vm0, $0xb8;
	[tilespmem:$0x19800] =	vst v63  }
0x93: {  	v2 =	vld.msk [tilespmem:$0x180], $0xf;
	_ =	sdelay $0x4  }
0x94: {  	v3 =	vshll.u32 v2, $0x3  }
0x95: {  	v2 =	vand.u32 $0x7, v2;
	v3 =	vand.u32 $0xFFFFFFC0, v3  }
0x96: {  	v2 =	vor.u32 v2, v3  }
0x97: {  	v2 =	vperm.xlane v2, v0;
	_ =	sdelay $0x1  }
0x98: {  	v2 =	vadd.s32 v1, v2;
	_ =	sdelay $0x3  }
0x99: {  	s6 =	simm.s32 $0x3800  }
0x9a: {  	[tilespmem:s6], [sflag:$0x1] =	stream.indirect_vreg.gather [hbm4b:s2+s19], $0x80, v2, vm0, $0xb8;
	[tilespmem:$0x19800] =	vst v63  }
0x9b: {  	s7 =	simm.s32 $0x4000  }
0x9c: {  	[tilespmem:s7], [sflag:$0x1] =	stream.indirect_vreg.gather [hbm4b:s12+s19], $0x80, v2, vm0, $0xb8;
	[tilespmem:$0x19800] =	vst v63  }
0x9d: {  	v2 =	vld.msk [tilespmem:$0x200], $0xf;
	_ =	sdelay $0x4  }
0x9e: {  	v3 =	vshll.u32 v2, $0x3  }
0x9f: {  	v2 =	vand.u32 $0x7, v2;
	v3 =	vand.u32 $0xFFFFFFC0, v3  }
0xa0: {  	v2 =	vor.u32 v2, v3  }
0xa1: {  	v2 =	vperm.xlane v2, v0;
	_ =	sdelay $0x1  }
0xa2: {  	v2 =	vadd.s32 v1, v2;
	_ =	sdelay $0x3  }
0xa3: {  	s8 =	simm.s32 $0x4800  }
0xa4: {  	[tilespmem:s8], [sflag:$0x1] =	stream.indirect_vreg.gather [hbm4b:s2+s19], $0x80, v2, vm0, $0xb8;
	[tilespmem:$0x19800] =	vst v63  }
0xa5: {  	s9 =	simm.s32 $0x5000  }
0xa6: {  	[tilespmem:s9], [sflag:$0x1] =	stream.indirect_vreg.gather [hbm4b:s12+s19], $0x80, v2, vm0, $0xb8;
	[tilespmem:$0x19800] =	vst v63  }
0xa7: {  	v2 =	vld.msk [tilespmem:$0x280], $0xf;
	_ =	sdelay $0x4  }
0xa8: {  	v3 =	vshll.u32 v2, $0x3  }
0xa9: {  	v2 =	vand.u32 $0x7, v2;
	v3 =	vand.u32 $0xFFFFFFC0, v3  }
0xaa: {  	v2 =	vor.u32 v2, v3  }
0xab: {  	v2 =	vperm.xlane v2, v0;
	_ =	sdelay $0x1  }
0xac: {  	v2 =	vadd.s32 v1, v2;
	_ =	sdelay $0x3  }
0xad: {  	s10 =	simm.s32 $0x5800  }
0xae: {  	[tilespmem:s10], [sflag:$0x1] =	stream.indirect_vreg.gather [hbm4b:s2+s19], $0x80, v2, vm0, $0xb8;
	[tilespmem:$0x19800] =	vst v63  }
0xaf: {  	s11 =	simm.s32 $0x6000  }
0xb0: {  	[tilespmem:s11], [sflag:$0x1] =	stream.indirect_vreg.gather [hbm4b:s12+s19], $0x80, v2, vm0, $0xb8;
	[tilespmem:$0x19800] =	vst v63  }
0xb1: {  	v2 =	vld.msk [tilespmem:$0x300], $0xf;
	_ =	sdelay $0x4  }
0xb2: {  	v3 =	vshll.u32 v2, $0x3  }
0xb3: {  	v2 =	vand.u32 $0x7, v2;
	v3 =	vand.u32 $0xFFFFFFC0, v3  }
0xb4: {  	v2 =	vor.u32 v2, v3  }
0xb5: {  	v2 =	vperm.xlane v2, v0;
	_ =	sdelay $0x1  }
0xb6: {  	v2 =	vadd.s32 v1, v2;
	_ =	sdelay $0x3  }
0xb7: {  	s21 =	simm.s32 $0x6800  }
0xb8: {  	[tilespmem:s21], [sflag:$0x1] =	stream.indirect_vreg.gather [hbm4b:s2+s19], $0x80, v2, vm0, $0xb8;
	[tilespmem:$0x19800] =	vst v63  }
0xb9: {  	s22 =	simm.s32 $0x7000  }
0xba: {  	[tilespmem:s22], [sflag:$0x1] =	stream.indirect_vreg.gather [hbm4b:s12+s19], $0x80, v2, vm0, $0xb8;
	[tilespmem:$0x19800] =	vst v63  }
0xbb: {  	v2 =	vld.msk [tilespmem:$0x380], $0xf;
	_ =	sdelay $0x4  }
0xbc: {  	v3 =	vshll.u32 v2, $0x3  }
0xbd: {  	v2 =	vand.u32 $0x7, v2;
	v3 =	vand.u32 $0xFFFFFFC0, v3  }
0xbe: {  	v2 =	vor.u32 v2, v3  }
0xbf: {  	v2 =	vperm.xlane v2, v0;
	_ =	sdelay $0x1  }
0xc0: {  	v2 =	vadd.s32 v1, v2;
	_ =	sdelay $0x3  }
0xc1: {  	s25 =	simm.s32 $0x7800  }
0xc2: {  	[tilespmem:s25], [sflag:$0x1] =	stream.indirect_vreg.gather [hbm4b:s2+s19], $0x80, v2, vm0, $0xb8;
	[tilespmem:$0x19800] =	vst v63  }
0xc3: {  	s5 =	simm.s32 $0x8000  }
0xc4: {  	[tilespmem:s5], [sflag:$0x1] =	stream.indirect_vreg.gather [hbm4b:s12+s19], $0x80, v2, vm0, $0xb8;
	[tilespmem:$0x19800] =	vst v63  }
0xc5: {  	v2 =	vld.msk [tilespmem:$0x4], $0xf;
	_ =	sdelay $0x4  }
0xc6: {  	v3 =	vshll.u32 v2, $0x3  }
0xc7: {  	v2 =	vand.u32 $0x7, v2;
	v3 =	vand.u32 $0xFFFFFFC0, v3  }
0xc8: {  	v2 =	vor.u32 v2, v3  }
0xc9: {  	v2 =	vperm.xlane v2, v0;
	_ =	sdelay $0x1  }
0xca: {  	v2 =	vadd.s32 v1, v2;
	_ =	sdelay $0x3  }
0xcb: {  	s6 =	simm.s32 $0x8800  }
0xcc: {  	[tilespmem:s6], [sflag:$0x2] =	stream.indirect_vreg.gather [hbm4b:s2+s19], $0x80, v2, vm0, $0xb8;
	[tilespmem:$0x19800] =	vst v63  }
0xcd: {  	s7 =	simm.s32 $0x9000  }
0xce: {  	[tilespmem:s7], [sflag:$0x2] =	stream.indirect_vreg.gather [hbm4b:s12+s19], $0x80, v2, vm0, $0xb8;
	[tilespmem:$0x19800] =	vst v63  }
0xcf: {  	v2 =	vld.msk [tilespmem:$0x84], $0xf;
	_ =	sdelay $0x4  }
0xd0: {  	v3 =	vshll.u32 v2, $0x3  }
0xd1: {  	v2 =	vand.u32 $0x7, v2;
	v3 =	vand.u32 $0xFFFFFFC0, v3  }
0xd2: {  	v2 =	vor.u32 v2, v3  }
0xd3: {  	v2 =	vperm.xlane v2, v0;
	_ =	sdelay $0x1  }
0xd4: {  	v2 =	vadd.s32 v1, v2;
	_ =	sdelay $0x3  }
0xd5: {  	s8 =	simm.s32 $0x9800  }
0xd6: {  	[tilespmem:s8], [sflag:$0x2] =	stream.indirect_vreg.gather [hbm4b:s2+s19], $0x80, v2, vm0, $0xb8;
	[tilespmem:$0x19800] =	vst v63  }
0xd7: {  	s9 =	simm.s32 $0xA000  }
0xd8: {  	[tilespmem:s9], [sflag:$0x2] =	stream.indirect_vreg.gather [hbm4b:s12+s19], $0x80, v2, vm0, $0xb8;
	[tilespmem:$0x19800] =	vst v63  }
0xd9: {  	v2 =	vld.msk [tilespmem:$0x104], $0xf;
	_ =	sdelay $0x4  }
0xda: {  	v3 =	vshll.u32 v2, $0x3  }
0xdb: {  	v2 =	vand.u32 $0x7, v2;
	v3 =	vand.u32 $0xFFFFFFC0, v3  }
0xdc: {  	v2 =	vor.u32 v2, v3  }
0xdd: {  	v2 =	vperm.xlane v2, v0;
	_ =	sdelay $0x1  }
0xde: {  	v2 =	vadd.s32 v1, v2;
	_ =	sdelay $0x3  }
0xdf: {  	s10 =	simm.s32 $0xA800  }
0xe0: {  	[tilespmem:s10], [sflag:$0x2] =	stream.indirect_vreg.gather [hbm4b:s2+s19], $0x80, v2, vm0, $0xb8;
	[tilespmem:$0x19800] =	vst v63  }
0xe1: {  	s11 =	simm.s32 $0xB000  }
0xe2: {  	[tilespmem:s11], [sflag:$0x2] =	stream.indirect_vreg.gather [hbm4b:s12+s19], $0x80, v2, vm0, $0xb8;
	[tilespmem:$0x19800] =	vst v63  }
0xe3: {  	v2 =	vld.msk [tilespmem:$0x184], $0xf;
	_ =	sdelay $0x4  }
0xe4: {  	v3 =	vshll.u32 v2, $0x3  }
0xe5: {  	v2 =	vand.u32 $0x7, v2;
	v3 =	vand.u32 $0xFFFFFFC0, v3  }
0xe6: {  	v2 =	vor.u32 v2, v3  }
0xe7: {  	v2 =	vperm.xlane v2, v0;
	_ =	sdelay $0x1  }
0xe8: {  	v2 =	vadd.s32 v1, v2;
	_ =	sdelay $0x3  }
0xe9: {  	s21 =	simm.s32 $0xB800  }
0xea: {  	[tilespmem:s21], [sflag:$0x2] =	stream.indirect_vreg.gather [hbm4b:s2+s19], $0x80, v2, vm0, $0xb8;
	[tilespmem:$0x19800] =	vst v63  }
0xeb: {  	s22 =	simm.s32 $0xC000  }
0xec: {  	[tilespmem:s22], [sflag:$0x2] =	stream.indirect_vreg.gather [hbm4b:s12+s19], $0x80, v2, vm0, $0xb8;
	[tilespmem:$0x19800] =	vst v63  }
0xed: {  	v2 =	vld.msk [tilespmem:$0x204], $0xf;
	_ =	sdelay $0x4  }
0xee: {  	v3 =	vshll.u32 v2, $0x3  }
0xef: {  	v2 =	vand.u32 $0x7, v2;
	v3 =	vand.u32 $0xFFFFFFC0, v3  }
0xf0: {  	v2 =	vor.u32 v2, v3  }
0xf1: {  	v2 =	vperm.xlane v2, v0;
	_ =	sdelay $0x1  }
0xf2: {  	v2 =	vadd.s32 v1, v2;
	_ =	sdelay $0x3  }
0xf3: {  	s25 =	simm.s32 $0xC800  }
0xf4: {  	[tilespmem:s25], [sflag:$0x2] =	stream.indirect_vreg.gather [hbm4b:s2+s19], $0x80, v2, vm0, $0xb8;
	[tilespmem:$0x19800] =	vst v63  }
0xf5: {  	_ = 	snop  }
0xf6: {  	[tilespmem:s23], [sflag:$0x2] =	stream.indirect_vreg.gather [hbm4b:s12+s19], $0x80, v2, vm0, $0xb8;
	[tilespmem:$0x19800] =	vst v63  }
0xf7: {  	v2 =	vld.msk [tilespmem:$0x284], $0xf;
	_ =	sdelay $0x4  }
0xf8: {  	v3 =	vshll.u32 v2, $0x3  }
0xf9: {  	v2 =	vand.u32 $0x7, v2;
	v3 =	vand.u32 $0xFFFFFFC0, v3  }
0xfa: {  	v2 =	vor.u32 v2, v3  }
0xfb: {  	v2 =	vperm.xlane v2, v0;
	_ =	sdelay $0x1  }
0xfc: {  	v2 =	vadd.s32 v1, v2;
	_ =	sdelay $0x4  }
0xfd: {  	[tilespmem:s24], [sflag:$0x2] =	stream.indirect_vreg.gather [hbm4b:s2+s19], $0x80, v2, vm0, $0xb8;
	[tilespmem:$0x19800] =	vst v63  }
0xfe: {  	_ = 	snop  }
0xff: {  	[tilespmem:s26], [sflag:$0x2] =	stream.indirect_vreg.gather [hbm4b:s12+s19], $0x80, v2, vm0, $0xb8;
	[tilespmem:$0x19800] =	vst v63  }
0x100: {  	v2 =	vld.msk [tilespmem:$0x304], $0xf;
	_ =	sdelay $0x4  }
0x101: {  	v3 =	vshll.u32 v2, $0x3  }
0x102: {  	v2 =	vand.u32 $0x7, v2;
	v3 =	vand.u32 $0xFFFFFFC0, v3  }
0x103: {  	v2 =	vor.u32 v2, v3  }
0x104: {  	v2 =	vperm.xlane v2, v0;
	_ =	sdelay $0x1  }
0x105: {  	v2 =	vadd.s32 v1, v2;
	_ =	sdelay $0x4  }
0x106: {  	[tilespmem:s29], [sflag:$0x2] =	stream.indirect_vreg.gather [hbm4b:s2+s19], $0x80, v2, vm0, $0xb8;
	[tilespmem:$0x19800] =	vst v63  }
0x107: {  	_ = 	snop  }
0x108: {  	[tilespmem:s30], [sflag:$0x2] =	stream.indirect_vreg.gather [hbm4b:s12+s19], $0x80, v2, vm0, $0xb8;
	[tilespmem:$0x19800] =	vst v63  }
0x109: {  	v2 =	vld.msk [tilespmem:$0x384], $0xf;
	_ =	sdelay $0x4  }
0x10a: {  	v3 =	vshll.u32 v2, $0x3  }
0x10b: {  	v2 =	vand.u32 $0x7, v2;
	v3 =	vand.u32 $0xFFFFFFC0, v3  }
0x10c: {  	v2 =	vor.u32 v2, v3  }
0x10d: {  	v2 =	vperm.xlane v2, v0;
	_ =	sdelay $0x1  }
0x10e: {  	v2 =	vadd.s32 v1, v2;
	_ =	sdelay $0x2  }
.Ltmp3:
0x10f: {  	_ = 	snop;
	(pc) =	sbr.rel .LBB2_4-.Ltmp3, $4  }
0x110: {  	_ = 	snop  }
0x111: {  	[tilespmem:s31], [sflag:$0x2] =	stream.indirect_vreg.gather [hbm4b:s2+s19], $0x80, v2, vm0, $0xb8;
	[tilespmem:$0x19800] =	vst v63  }
0x112: {  	_ = 	snop  }
0x113: {  	[tilespmem:s1], [sflag:$0x2] =	stream.indirect_vreg.gather [hbm4b:s12+s19], $0x80, v2, vm0, $0xb8;
	[tilespmem:$0x19800] =	vst v63  }
.LBB2_31:
0x114: {  	s5 =	smov.u32 s25  }
.LBB2_38:
0x115: {  	v9 =	vld [tilespmem:s5+$0x10980];
	v4 =	vadd.f32 @p1 v4, v10  }
0x116: {  	v57 =	vld [tilespmem:s5+$0x11980]  }
0x117: {  	v11 =	vld @p0 [tilespmem:s22+$0x16980];
	v4 =	vadd.f32 @p1 v6, v4  }
0x118: {  	v58 =	vld [tilespmem:s5+$0x12980]  }
0x119: {  	v12 =	vld @p0 [tilespmem:s22+$0x17980];
	[tilespmem:s25+$0x18980] =	vst @p1 v4  }
0x11a: {  	v4 =	vld [tilespmem:s5+$0x13980]  }
0x11b: {  	v2 =	vadd.f32 @p0 v2, v7;
	v59 =	vadd.f32 v57, v9  }
0x11c: {  	v60 =	vld [tilespmem:s5+$0x14980]  }
0x11d: {  	v2 =	vadd.f32 @p0 v3, v2;
	v3 =	vadd.f32 v58, v59  }
0x11e: {  	v61 =	vld [tilespmem:s5+$0x15980]  }
0x11f: {  	v2 =	vadd.f32 @p0 v5, v2;
	v3 =	vadd.f32 v4, v3  }
0x120: {  	v62 =	vld [tilespmem:s5+$0x16980]  }
0x121: {  	v2 =	vadd.f32 @p0 v8, v2;
	v3 =	vadd.f32 v60, v3  }
0x122: {  	v63 =	vld [tilespmem:s5+$0x17980]  }
0x123: {  	v7 =	vpsel p0, v11, v0;
	v2 =	vpsel p0, v2, v0;
	v3 =	vadd.f32 v61, v3  }
0x124: {  	v2 =	vadd.f32 @p0 v7, v2  }
0x125: {  	v6 =	vpsel p0, v12, v0;
	v3 =	vadd.f32 v62, v3  }
0x126: {  	s4 =	smov.u32 @p0 s22;
	v2 =	vadd.f32 @p0 v6, v2  }
0x127: {  	s4 =	smov.u32 @p0 s4;
	v3 =	vadd.f32 v63, v3  }
0x128: {  	[tilespmem:s4+$0x18980] =	vst @p0 v2  }
0x129: {  	s4 =	simm.s32 $0x4;
	[tilespmem:s5+$0x18980] =	vst v3  }
.LBB2_39:
0x12a: {  	s5 =	sshll.u32 s19, $0x9;
	s6 =	sshll.u32 s19, $0x6  }
0x12b: {  	s19 =	sadd.s32 $0x1, s19;
	s5 =	sand.u32 $0x7C00, s5;
	s6 =	sand.u32 $0x40, s6  }
0x12c: {  	p0 =	sne.s32 s19, $0x40;
	s5 =	sor.u32 s6, s5  }
.Ltmp4:
0x12d: {  	s5 =	sadd.s32 s5, s13;
	(pc) =	sbr.rel @!p0 .LBB2_40-.Ltmp4, $4  }
0x12e: {  	[hbm4b:s5+s28] =	stream.strided.scatter [tilespmem:s18], [sflag:s4], $0x1000, s16, s28, $0x38;
	[tilespmem:$0x19800] =	vst v63  }
0x12f: {  	_ =	swait.ge [sflag:s4], $0x1000  }
0x130: {  	[sflag:s4] =	ssyncset.done $0x0  }
0x131: {  	[sflag:s4] =	ssyncadd.s32 $0xFFFFF000  }
.LBB2_4:
0x132: {  	s4 =	smul.u32 $0xAB, s19;
	_ =	sdelay $0x1  }
0x133: {  	s4 =	sshrl.u32 s4, $0x9  }
0x134: {  	s4 =	sand.u32 $0x7F, s4  }
0x135: {  	s4 =	smul.u32 $0x3, s4;
	_ =	sdelay $0x1  }
0x136: {  	s4 =	ssub.s32 s19, s4  }
0x137: {  	s4 =	sand.u32 $0xFF, s4  }
0x138: {  	p0 =	seq.s32 s4, $0x2  }
.Ltmp5:
0x139: {  	_ = 	snop;
	(pc) =	sbr.rel @p0 .LBB2_24-.Ltmp5, $1  }
0x13a: {  	_ =	sdelay $0x3  }
0x13b: {  	p0 =	seq.s32 s4, $0x1  }
.Ltmp6:
0x13c: {  	s25 =	smin.u32 s19, $0x3D;
	(pc) =	sbr.rel @!p0 .LBB2_6-.Ltmp6, $4  }
0x13d: {  	s4 =	sadd.s32 $0x2, s25  }
0x13e: {  	s5 =	sshll.u32 s4, $0x2;
	s4 =	sshll.u32 s4, $0x5  }
0x13f: {  	s5 =	sand.u32 $0x7C, s5;
	s4 =	sand.u32 $0xC00, s4  }
0x140: {  	s5 =	sor.u32 s5, s4  }
0x141: {  	v2 =	vld.msk [tilespmem:s5+$0x0], $0xf;
	_ =	sdelay $0x4  }
0x142: {  	v3 =	vshll.u32 v2, $0x3  }
0x143: {  	v2 =	vand.u32 $0x7, v2;
	v3 =	vand.u32 $0xFFFFFFC0, v3  }
0x144: {  	v2 =	vor.u32 v2, v3  }
0x145: {  	v2 =	vperm.xlane v2, v0;
	_ =	sdelay $0x1  }
0x146: {  	v2 =	vadd.s32 v1, v2;
	_ =	sdelay $0x3  }
0x147: {  	s4 =	simm.s32 $0x0;
	s6 =	simm.s32 $0x800  }
0x148: {  	[tilespmem:s6], [sflag:$0x1] =	stream.indirect_vreg.gather [hbm4b:s2+s4], $0x80, v2, vm0, $0xb8;
	[tilespmem:$0x19800] =	vst v63  }
0x149: {  	s11 =	simm.s32 $0x1000;
	s21 =	sor.u32 $0x80, s5  }
0x14a: {  	[tilespmem:s11], [sflag:$0x1] =	stream.indirect_vreg.gather [hbm4b:s12+s4], $0x80, v2, vm0, $0xb8;
	[tilespmem:$0x19800] =	vst v63  }
0x14b: {  	v2 =	vld.msk [tilespmem:s21+$0x0], $0xf;
	_ =	sdelay $0x4  }
0x14c: {  	v3 =	vshll.u32 v2, $0x3  }
0x14d: {  	v2 =	vand.u32 $0x7, v2;
	v3 =	vand.u32 $0xFFFFFFC0, v3  }
0x14e: {  	v2 =	vor.u32 v2, v3  }
0x14f: {  	v2 =	vperm.xlane v2, v0;
	_ =	sdelay $0x1  }
0x150: {  	v2 =	vadd.s32 v1, v2;
	_ =	sdelay $0x3  }
0x151: {  	s22 =	simm.s32 $0x1800  }
0x152: {  	[tilespmem:s22], [sflag:$0x1] =	stream.indirect_vreg.gather [hbm4b:s2+s4], $0x80, v2, vm0, $0xb8;
	[tilespmem:$0x19800] =	vst v63  }
0x153: {  	s25 =	simm.s32 $0x2000;
	s7 =	sor.u32 $0x100, s5  }
0x154: {  	[tilespmem:s25], [sflag:$0x1] =	stream.indirect_vreg.gather [hbm4b:s12+s4], $0x80, v2, vm0, $0xb8;
	[tilespmem:$0x19800] =	vst v63  }
0x155: {  	v2 =	vld.msk [tilespmem:s7+$0x0], $0xf;
	_ =	sdelay $0x4  }
0x156: {  	v3 =	vshll.u32 v2, $0x3  }
0x157: {  	v2 =	vand.u32 $0x7, v2;
	v3 =	vand.u32 $0xFFFFFFC0, v3  }
0x158: {  	v2 =	vor.u32 v2, v3  }
0x159: {  	v2 =	vperm.xlane v2, v0;
	_ =	sdelay $0x1  }
0x15a: {  	v2 =	vadd.s32 v1, v2;
	_ =	sdelay $0x3  }
0x15b: {  	s8 =	simm.s32 $0x2800  }
0x15c: {  	[tilespmem:s8], [sflag:$0x1] =	stream.indirect_vreg.gather [hbm4b:s2+s4], $0x80, v2, vm0, $0xb8;
	[tilespmem:$0x19800] =	vst v63  }
0x15d: {  	s9 =	simm.s32 $0x3000;
	s10 =	sor.u32 $0x180, s5  }
0x15e: {  	[tilespmem:s9], [sflag:$0x1] =	stream.indirect_vreg.gather [hbm4b:s12+s4], $0x80, v2, vm0, $0xb8;
	[tilespmem:$0x19800] =	vst v63  }
0x15f: {  	v2 =	vld.msk [tilespmem:s10+$0x0], $0xf;
	_ =	sdelay $0x4  }
0x160: {  	v3 =	vshll.u32 v2, $0x3  }
0x161: {  	v2 =	vand.u32 $0x7, v2;
	v3 =	vand.u32 $0xFFFFFFC0, v3  }
0x162: {  	v2 =	vor.u32 v2, v3  }
0x163: {  	v2 =	vperm.xlane v2, v0;
	_ =	sdelay $0x1  }
0x164: {  	v2 =	vadd.s32 v1, v2;
	_ =	sdelay $0x3  }
0x165: {  	s11 =	simm.s32 $0x3800  }
0x166: {  	[tilespmem:s11], [sflag:$0x1] =	stream.indirect_vreg.gather [hbm4b:s2+s4], $0x80, v2, vm0, $0xb8;
	[tilespmem:$0x19800] =	vst v63  }
0x167: {  	s21 =	simm.s32 $0x4000;
	s22 =	sor.u32 $0x200, s5  }
0x168: {  	[tilespmem:s21], [sflag:$0x1] =	stream.indirect_vreg.gather [hbm4b:s12+s4], $0x80, v2, vm0, $0xb8;
	[tilespmem:$0x19800] =	vst v63  }
0x169: {  	v2 =	vld.msk [tilespmem:s22+$0x0], $0xf;
	_ =	sdelay $0x4  }
0x16a: {  	v3 =	vshll.u32 v2, $0x3  }
0x16b: {  	v2 =	vand.u32 $0x7, v2;
	v3 =	vand.u32 $0xFFFFFFC0, v3  }
0x16c: {  	v2 =	vor.u32 v2, v3  }
0x16d: {  	v2 =	vperm.xlane v2, v0;
	_ =	sdelay $0x1  }
0x16e: {  	v2 =	vadd.s32 v1, v2;
	_ =	sdelay $0x3  }
0x16f: {  	s25 =	simm.s32 $0x4800  }
0x170: {  	[tilespmem:s25], [sflag:$0x1] =	stream.indirect_vreg.gather [hbm4b:s2+s4], $0x80, v2, vm0, $0xb8;
	[tilespmem:$0x19800] =	vst v63  }
0x171: {  	s7 =	simm.s32 $0x5000;
	s8 =	sor.u32 $0x280, s5  }
0x172: {  	[tilespmem:s7], [sflag:$0x1] =	stream.indirect_vreg.gather [hbm4b:s12+s4], $0x80, v2, vm0, $0xb8;
	[tilespmem:$0x19800] =	vst v63  }
0x173: {  	v2 =	vld.msk [tilespmem:s8+$0x0], $0xf;
	_ =	sdelay $0x4  }
0x174: {  	v3 =	vshll.u32 v2, $0x3  }
0x175: {  	v2 =	vand.u32 $0x7, v2;
	v3 =	vand.u32 $0xFFFFFFC0, v3  }
0x176: {  	v2 =	vor.u32 v2, v3  }
0x177: {  	v2 =	vperm.xlane v2, v0;
	_ =	sdelay $0x1  }
0x178: {  	v2 =	vadd.s32 v1, v2;
	_ =	sdelay $0x3  }
0x179: {  	s9 =	simm.s32 $0x5800  }
0x17a: {  	[tilespmem:s9], [sflag:$0x1] =	stream.indirect_vreg.gather [hbm4b:s2+s4], $0x80, v2, vm0, $0xb8;
	[tilespmem:$0x19800] =	vst v63  }
0x17b: {  	s10 =	simm.s32 $0x6000;
	s11 =	sor.u32 $0x300, s5  }
0x17c: {  	[tilespmem:s10], [sflag:$0x1] =	stream.indirect_vreg.gather [hbm4b:s12+s4], $0x80, v2, vm0, $0xb8;
	[tilespmem:$0x19800] =	vst v63  }
0x17d: {  	v2 =	vld.msk [tilespmem:s11+$0x0], $0xf;
	_ =	sdelay $0x4  }
0x17e: {  	v3 =	vshll.u32 v2, $0x3  }
0x17f: {  	v2 =	vand.u32 $0x7, v2;
	v3 =	vand.u32 $0xFFFFFFC0, v3  }
0x180: {  	v2 =	vor.u32 v2, v3  }
0x181: {  	v2 =	vperm.xlane v2, v0;
	_ =	sdelay $0x1  }
0x182: {  	v2 =	vadd.s32 v1, v2;
	_ =	sdelay $0x3  }
0x183: {  	s21 =	simm.s32 $0x6800  }
0x184: {  	[tilespmem:s21], [sflag:$0x1] =	stream.indirect_vreg.gather [hbm4b:s2+s4], $0x80, v2, vm0, $0xb8;
	[tilespmem:$0x19800] =	vst v63  }
0x185: {  	s22 =	simm.s32 $0x7000;
	s25 =	sor.u32 $0x380, s5  }
0x186: {  	[tilespmem:s22], [sflag:$0x1] =	stream.indirect_vreg.gather [hbm4b:s12+s4], $0x80, v2, vm0, $0xb8;
	[tilespmem:$0x19800] =	vst v63  }
0x187: {  	v2 =	vld.msk [tilespmem:s25+$0x0], $0xf;
	_ =	sdelay $0x4  }
0x188: {  	v3 =	vshll.u32 v2, $0x3  }
0x189: {  	v2 =	vand.u32 $0x7, v2;
	v3 =	vand.u32 $0xFFFFFFC0, v3  }
0x18a: {  	v2 =	vor.u32 v2, v3  }
0x18b: {  	v2 =	vperm.xlane v2, v0;
	_ =	sdelay $0x1  }
0x18c: {  	v2 =	vadd.s32 v1, v2;
	_ =	sdelay $0x3  }
0x18d: {  	s6 =	simm.s32 $0x7800  }
0x18e: {  	[tilespmem:s6], [sflag:$0x1] =	stream.indirect_vreg.gather [hbm4b:s2+s4], $0x80, v2, vm0, $0xb8;
	[tilespmem:$0x19800] =	vst v63  }
0x18f: {  	s7 =	simm.s32 $0x8000  }
0x190: {  	[tilespmem:s7], [sflag:$0x1] =	stream.indirect_vreg.gather [hbm4b:s12+s4], $0x80, v2, vm0, $0xb8;
	[tilespmem:$0x19800] =	vst v63  }
0x191: {  	_ =	swait.ge [sflag:s20], $0x8000  }
0x192: {  	s8 =	sand.u32 $0x70, s4;
	s4 =	sand.u32 $0xE00, s4;
	[sflag:s20] =	ssyncset.done $0x0  }
0x193: {  	s25 =	sor.u32 s8, s4;
	[sflag:s20] =	ssyncadd.s32 $0xFFFF8000  }
0x194: {  	v2 =	vld [tilespmem:s25+$0x8800]  }
0x195: {  	v3 =	vld [tilespmem:s25+$0x9800];
	_ =	sdelay $0x1  }
0x196: {  	v4 =	vld [tilespmem:s25+$0xA800];
	_ =	sdelay $0x1  }
0x197: {  	s9 =	simm.s32 $0x10;
	s10 =	simm.s32 $0x40;
	v5 =	vld [tilespmem:s25+$0xB800]  }
0x198: {  	s5 =	sand.u32 $0xE00, s10;
	s4 =	sand.u32 $0x70, s9;
	v7 =	vld [tilespmem:s25+$0xD800];
	v2 =	vadd.f32 v3, v2  }
0x199: {  	s22 =	sor.u32 s4, s5;
	v6 =	vld [tilespmem:s25+$0xC800]  }
0x19a: {  	v8 =	vld [tilespmem:s22+$0x8800];
	v2 =	vadd.f32 v4, v2  }
0x19b: {  	v9 =	vld [tilespmem:s22+$0x9800]  }
0x19c: {  	v3 =	vld [tilespmem:s22+$0xA800];
	v2 =	vadd.f32 v5, v2  }
0x19d: {  	v4 =	vld [tilespmem:s25+$0xE800]  }
0x19e: {  	v5 =	vld [tilespmem:s25+$0xF800];
	v10 =	vadd.f32 v6, v2  }
0x19f: {  	s11 =	simm.s32 $0x20;
	s7 =	simm.s32 $0x80;
	v6 =	vld [tilespmem:s22+$0xB800]  }
0x1a0: {  	s21 =	sand.u32 $0xE00, s7;
	s9 =	simm.s32 $0x30;
	s5 =	sand.u32 $0x70, s11;
	v8 =	vadd.f32 v9, v8;
	v2 =	vld [tilespmem:s22+$0xD800];
	v9 =	vadd.f32 v7, v10  }
0x1a1: {  	s8 =	smov.u32 s25;
	s6 =	sor.u32 s5, s21;
	s4 =	smov.u32 s22;
	v7 =	vld [tilespmem:s22+$0xC800]  }
.LBB2_16:
0x1a2: {  	p0 =	sne.s32 s9, $0x3F0;
	v10 =	vld [tilespmem:s6+$0x8800];
	v3 =	vadd.f32 v3, v8;
	v8 =	vadd.f32 v4, v9  }
0x1a3: {  	v9 =	vld [tilespmem:s6+$0x9800]  }
0x1a4: {  	v6 =	vadd.f32 v6, v3;
	v4 =	vld [tilespmem:s4+$0xE800];
	v8 =	vadd.f32 v5, v8  }
.Ltmp7:
0x1a5: {  	v3 =	vld [tilespmem:s6+$0xA800];
	(pc) =	sbr.rel @p0 .LBB2_16-.Ltmp7, $4  }
0x1a6: {  	v7 =	vadd.f32 v7, v6;
	v5 =	vld [tilespmem:s4+$0xF800];
	[tilespmem:s8+$0x18800] =	vst v8;
	s8 =	smov.u32 s4;
	s4 =	smov.u32 s6  }
0x1a7: {  	s7 =	sadd.s32 $0x40, s7;
	v6 =	vld [tilespmem:s4+$0xB800]  }
0x1a8: {  	s10 =	sand.u32 $0xE00, s7;
	s6 =	sand.u32 $0x70, s9;
	v8 =	vadd.f32 v9, v10;
	v9 =	vadd.f32 v2, v7;
	v2 =	vld [tilespmem:s4+$0xD800]  }
0x1a9: {  	s9 =	sadd.s32 $0x10, s9;
	s6 =	sor.u32 s6, s10;
	v7 =	vld [tilespmem:s4+$0xC800]  }
0x1aa: {  	v10 =	vld [tilespmem:s6+$0x8800];
	v4 =	vadd.f32 v4, v9  }
0x1ab: {  	v9 =	vld [tilespmem:s6+$0x9800]  }
0x1ac: {  	v11 =	vld [tilespmem:s4+$0xE800];
	v4 =	vadd.f32 v5, v4  }
0x1ad: {  	v5 =	vld [tilespmem:s6+$0xA800]  }
0x1ae: {  	v12 =	vld [tilespmem:s4+$0xF800];
	[tilespmem:s8+$0x18800] =	vst v4  }
0x1af: {  	v4 =	vld [tilespmem:s6+$0xB800]  }
0x1b0: {  	v9 =	vadd.f32 v9, v10  }
0x1b1: {  	v3 =	vadd.f32 v3, v8;
	v8 =	vld [tilespmem:s6+$0xC800]  }
0x1b2: {  	v5 =	vadd.f32 v5, v9  }
0x1b3: {  	v3 =	vadd.f32 v6, v3;
	v6 =	vld [tilespmem:s6+$0xD800]  }
0x1b4: {  	v4 =	vadd.f32 v4, v5  }
0x1b5: {  	v3 =	vadd.f32 v7, v3;
	v5 =	vld [tilespmem:s6+$0xE800]  }
0x1b6: {  	v4 =	vadd.f32 v8, v4  }
0x1b7: {  	v2 =	vadd.f32 v2, v3;
	v3 =	vld [tilespmem:s6+$0xF800]  }
0x1b8: {  	v4 =	vadd.f32 v6, v4  }
0x1b9: {  	v2 =	vadd.f32 v11, v2  }
0x1ba: {  	v4 =	vadd.f32 v5, v4  }
0x1bb: {  	v2 =	vadd.f32 v12, v2  }
0x1bc: {  	v3 =	vadd.f32 v3, v4  }
0x1bd: {  	[tilespmem:s4+$0x18800] =	vst v2  }
0x1be: {  	[tilespmem:s6+$0x18800] =	vst v3  }
0x1bf: {  	v2 =	vld [tilespmem:s25+$0x8880]  }
0x1c0: {  	v3 =	vld [tilespmem:s25+$0x9880];
	_ =	sdelay $0x1  }
0x1c1: {  	v4 =	vld [tilespmem:s25+$0xA880];
	_ =	sdelay $0x1  }
0x1c2: {  	v5 =	vld [tilespmem:s25+$0xB880]  }
0x1c3: {  	v7 =	vld [tilespmem:s25+$0xD880];
	v2 =	vadd.f32 v3, v2  }
0x1c4: {  	v8 =	vld [tilespmem:s25+$0xC880]  }
0x1c5: {  	v9 =	vld [tilespmem:s22+$0x8880];
	v2 =	vadd.f32 v4, v2  }
0x1c6: {  	v10 =	vld [tilespmem:s22+$0x9880]  }
0x1c7: {  	v3 =	vld [tilespmem:s22+$0xA880];
	v2 =	vadd.f32 v5, v2  }
0x1c8: {  	v4 =	vld [tilespmem:s25+$0xE880]  }
0x1c9: {  	v6 =	vld [tilespmem:s25+$0xF880];
	v11 =	vadd.f32 v8, v2  }
0x1ca: {  	s6 =	simm.s32 $0x80;
	v5 =	vld [tilespmem:s22+$0xB880]  }
0x1cb: {  	s21 =	sand.u32 $0xE00, s6;
	v2 =	vld [tilespmem:s22+$0xD880];
	v8 =	vadd.f32 v10, v9;
	v9 =	vadd.f32 v7, v11  }
0x1cc: {  	s4 =	sor.u32 s5, s21;
	s5 =	simm.s32 $0x30;
	v7 =	vld [tilespmem:s22+$0xC880]  }
.LBB2_18:
0x1cd: {  	p0 =	sne.s32 s5, $0x3F0;
	v10 =	vld [tilespmem:s4+$0x8880];
	v3 =	vadd.f32 v3, v8;
	v8 =	vadd.f32 v4, v9  }
0x1ce: {  	v9 =	vld [tilespmem:s4+$0x9880]  }
0x1cf: {  	v5 =	vadd.f32 v5, v3;
	v4 =	vld [tilespmem:s22+$0xE880];
	v8 =	vadd.f32 v6, v8  }
.Ltmp8:
0x1d0: {  	v3 =	vld [tilespmem:s4+$0xA880];
	(pc) =	sbr.rel @p0 .LBB2_18-.Ltmp8, $4  }
0x1d1: {  	v7 =	vadd.f32 v7, v5;
	v6 =	vld [tilespmem:s22+$0xF880];
	[tilespmem:s25+$0x18880] =	vst v8;
	s25 =	smov.u32 s22;
	s22 =	smov.u32 s4  }
0x1d2: {  	s6 =	sadd.s32 $0x40, s6;
	v5 =	vld [tilespmem:s22+$0xB880]  }
0x1d3: {  	s7 =	sand.u32 $0xE00, s6;
	s4 =	sand.u32 $0x70, s5;
	v8 =	vadd.f32 v9, v10;
	v9 =	vadd.f32 v2, v7;
	v2 =	vld [tilespmem:s22+$0xD880]  }
0x1d4: {  	s5 =	sadd.s32 $0x10, s5;
	s4 =	sor.u32 s4, s7;
	v7 =	vld [tilespmem:s22+$0xC880]  }
0x1d5: {  	v10 =	vld [tilespmem:s4+$0x8880];
	v4 =	vadd.f32 v4, v9  }
0x1d6: {  	v9 =	vld [tilespmem:s4+$0x9880]  }
0x1d7: {  	v11 =	vld [tilespmem:s22+$0xE880];
	v4 =	vadd.f32 v6, v4  }
0x1d8: {  	v6 =	vld [tilespmem:s4+$0xA880]  }
0x1d9: {  	v12 =	vld [tilespmem:s22+$0xF880];
	[tilespmem:s25+$0x18880] =	vst v4  }
0x1da: {  	v4 =	vld [tilespmem:s4+$0xB880]  }
0x1db: {  	v9 =	vadd.f32 v9, v10  }
0x1dc: {  	v3 =	vadd.f32 v3, v8;
	v8 =	vld [tilespmem:s4+$0xC880]  }
0x1dd: {  	v6 =	vadd.f32 v6, v9  }
0x1de: {  	v3 =	vadd.f32 v5, v3;
	v5 =	vld [tilespmem:s4+$0xD880]  }
0x1df: {  	v4 =	vadd.f32 v4, v6  }
0x1e0: {  	v3 =	vadd.f32 v7, v3;
	v6 =	vld [tilespmem:s4+$0xE880]  }
0x1e1: {  	v4 =	vadd.f32 v8, v4  }
0x1e2: {  	v2 =	vadd.f32 v2, v3;
	v3 =	vld [tilespmem:s4+$0xF880]  }
0x1e3: {  	v4 =	vadd.f32 v5, v4  }
0x1e4: {  	v2 =	vadd.f32 v11, v2  }
0x1e5: {  	v4 =	vadd.f32 v6, v4  }
0x1e6: {  	v2 =	vadd.f32 v12, v2  }
0x1e7: {  	s5 =	simm.s32 $0x0;
	v3 =	vadd.f32 v3, v4  }
0x1e8: {  	s6 =	sand.u32 $0x70, s5;
	s5 =	sand.u32 $0xE00, s5;
	[tilespmem:s22+$0x18880] =	vst v2  }
0x1e9: {  	s25 =	sor.u32 s6, s5;
	[tilespmem:s4+$0x18880] =	vst v3  }
0x1ea: {  	v2 =	vld [tilespmem:s25+$0x8900]  }
0x1eb: {  	v3 =	vld [tilespmem:s25+$0x9900];
	_ =	sdelay $0x1  }
0x1ec: {  	v4 =	vld [tilespmem:s25+$0xA900];
	_ =	sdelay $0x1  }
0x1ed: {  	s9 =	simm.s32 $0x10;
	s10 =	simm.s32 $0x40;
	v5 =	vld [tilespmem:s25+$0xB900]  }
0x1ee: {  	s5 =	sand.u32 $0xE00, s10;
	s4 =	sand.u32 $0x70, s9;
	v7 =	vld [tilespmem:s25+$0xD900];
	v2 =	vadd.f32 v3, v2  }
0x1ef: {  	s22 =	sor.u32 s4, s5;
	v6 =	vld [tilespmem:s25+$0xC900]  }
0x1f0: {  	v8 =	vld [tilespmem:s22+$0x8900];
	v2 =	vadd.f32 v4, v2  }
0x1f1: {  	v9 =	vld [tilespmem:s22+$0x9900]  }
0x1f2: {  	v3 =	vld [tilespmem:s22+$0xA900];
	v2 =	vadd.f32 v5, v2  }
0x1f3: {  	v4 =	vld [tilespmem:s25+$0xE900]  }
0x1f4: {  	v5 =	vld [tilespmem:s25+$0xF900];
	v10 =	vadd.f32 v6, v2  }
0x1f5: {  	s11 =	simm.s32 $0x20;
	s7 =	simm.s32 $0x80;
	v6 =	vld [tilespmem:s22+$0xB900]  }
0x1f6: {  	s21 =	sand.u32 $0xE00, s7;
	s8 =	smov.u32 s25;
	s5 =	sand.u32 $0x70, s11;
	v8 =	vadd.f32 v9, v8;
	v2 =	vld [tilespmem:s22+$0xD900];
	v9 =	vadd.f32 v7, v10  }
0x1f7: {  	s9 =	simm.s32 $0x30;
	s6 =	sor.u32 s5, s21;
	s4 =	smov.u32 s22;
	v7 =	vld [tilespmem:s22+$0xC900]  }
.LBB2_20:
0x1f8: {  	p0 =	sne.s32 s9, $0x3F0;
	v10 =	vld [tilespmem:s6+$0x8900];
	v3 =	vadd.f32 v3, v8;
	v8 =	vadd.f32 v4, v9  }
0x1f9: {  	v9 =	vld [tilespmem:s6+$0x9900]  }
0x1fa: {  	v6 =	vadd.f32 v6, v3;
	v4 =	vld [tilespmem:s4+$0xE900];
	v8 =	vadd.f32 v5, v8  }
.Ltmp9:
0x1fb: {  	v3 =	vld [tilespmem:s6+$0xA900];
	(pc) =	sbr.rel @p0 .LBB2_20-.Ltmp9, $4  }
0x1fc: {  	v7 =	vadd.f32 v7, v6;
	v5 =	vld [tilespmem:s4+$0xF900];
	[tilespmem:s8+$0x18900] =	vst v8;
	s8 =	smov.u32 s4;
	s4 =	smov.u32 s6  }
0x1fd: {  	s7 =	sadd.s32 $0x40, s7;
	v6 =	vld [tilespmem:s4+$0xB900]  }
0x1fe: {  	s10 =	sand.u32 $0xE00, s7;
	s6 =	sand.u32 $0x70, s9;
	v8 =	vadd.f32 v9, v10;
	v9 =	vadd.f32 v2, v7;
	v2 =	vld [tilespmem:s4+$0xD900]  }
0x1ff: {  	s9 =	sadd.s32 $0x10, s9;
	s6 =	sor.u32 s6, s10;
	v7 =	vld [tilespmem:s4+$0xC900]  }
0x200: {  	v10 =	vld [tilespmem:s6+$0x8900];
	v4 =	vadd.f32 v4, v9  }
0x201: {  	v9 =	vld [tilespmem:s6+$0x9900]  }
0x202: {  	v11 =	vld [tilespmem:s4+$0xE900];
	v4 =	vadd.f32 v5, v4  }
0x203: {  	v5 =	vld [tilespmem:s6+$0xA900]  }
0x204: {  	v12 =	vld [tilespmem:s4+$0xF900];
	[tilespmem:s8+$0x18900] =	vst v4  }
0x205: {  	v4 =	vld [tilespmem:s6+$0xB900]  }
0x206: {  	v9 =	vadd.f32 v9, v10  }
0x207: {  	v3 =	vadd.f32 v3, v8;
	v8 =	vld [tilespmem:s6+$0xC900]  }
0x208: {  	v5 =	vadd.f32 v5, v9  }
0x209: {  	v3 =	vadd.f32 v6, v3;
	v6 =	vld [tilespmem:s6+$0xD900]  }
0x20a: {  	v4 =	vadd.f32 v4, v5  }
0x20b: {  	v3 =	vadd.f32 v7, v3;
	v5 =	vld [tilespmem:s6+$0xE900]  }
0x20c: {  	v4 =	vadd.f32 v8, v4  }
0x20d: {  	v2 =	vadd.f32 v2, v3;
	v3 =	vld [tilespmem:s6+$0xF900]  }
0x20e: {  	v4 =	vadd.f32 v6, v4  }
0x20f: {  	v2 =	vadd.f32 v11, v2  }
0x210: {  	v4 =	vadd.f32 v5, v4  }
0x211: {  	v2 =	vadd.f32 v12, v2  }
0x212: {  	v3 =	vadd.f32 v3, v4  }
0x213: {  	[tilespmem:s4+$0x18900] =	vst v2  }
0x214: {  	[tilespmem:s6+$0x18900] =	vst v3  }
0x215: {  	v2 =	vld [tilespmem:s25+$0x8980]  }
0x216: {  	v3 =	vld [tilespmem:s25+$0x9980];
	_ =	sdelay $0x1  }
0x217: {  	v4 =	vld [tilespmem:s25+$0xA980];
	_ =	sdelay $0x1  }
0x218: {  	v5 =	vld [tilespmem:s25+$0xB980]  }
0x219: {  	v7 =	vld [tilespmem:s25+$0xD980];
	v2 =	vadd.f32 v3, v2  }
0x21a: {  	v8 =	vld [tilespmem:s25+$0xC980]  }
0x21b: {  	v9 =	vld [tilespmem:s22+$0x8980];
	v2 =	vadd.f32 v4, v2  }
0x21c: {  	v10 =	vld [tilespmem:s22+$0x9980]  }
0x21d: {  	v3 =	vld [tilespmem:s22+$0xA980];
	v2 =	vadd.f32 v5, v2  }
0x21e: {  	v4 =	vld [tilespmem:s25+$0xE980]  }
0x21f: {  	v6 =	vld [tilespmem:s25+$0xF980];
	v11 =	vadd.f32 v8, v2  }
0x220: {  	s6 =	simm.s32 $0x80;
	v5 =	vld [tilespmem:s22+$0xB980]  }
0x221: {  	s21 =	sand.u32 $0xE00, s6;
	v2 =	vld [tilespmem:s22+$0xD980];
	v8 =	vadd.f32 v10, v9;
	v9 =	vadd.f32 v7, v11  }
0x222: {  	s4 =	sor.u32 s5, s21;
	s5 =	simm.s32 $0x30;
	v7 =	vld [tilespmem:s22+$0xC980]  }
.LBB2_22:
0x223: {  	p0 =	seq.s32 s5, $0x3F0;
	v10 =	vld [tilespmem:s4+$0x8980];
	v3 =	vadd.f32 v3, v8;
	v8 =	vadd.f32 v4, v9  }
0x224: {  	v9 =	vld [tilespmem:s4+$0x9980]  }
0x225: {  	v5 =	vadd.f32 v5, v3;
	v4 =	vld [tilespmem:s22+$0xE980];
	v8 =	vadd.f32 v6, v8  }
.Ltmp10:
0x226: {  	v3 =	vld [tilespmem:s4+$0xA980];
	(pc) =	sbr.rel @!p0 .LBB2_22-.Ltmp10, $4  }
0x227: {  	v7 =	vadd.f32 v7, v5;
	v6 =	vld [tilespmem:s22+$0xF980];
	[tilespmem:s25+$0x18980] =	vst v8;
	s25 =	smov.u32 s22;
	s22 =	smov.u32 s4  }
0x228: {  	s6 =	sadd.s32 $0x40, s6;
	v5 =	vld [tilespmem:s22+$0xB980]  }
0x229: {  	s7 =	sand.u32 $0xE00, s6;
	s4 =	sand.u32 $0x70, s5;
	v8 =	vadd.f32 v9, v10;
	v9 =	vadd.f32 v2, v7;
	v2 =	vld [tilespmem:s22+$0xD980]  }
0x22a: {  	s5 =	sadd.s32 $0x10, s5;
	s4 =	sor.u32 s4, s7;
	v7 =	vld [tilespmem:s22+$0xC980]  }
0x22b: {  	v10 =	vld [tilespmem:s4+$0x8980];
	v4 =	vadd.f32 v4, v9  }
0x22c: {  	v59 =	vld [tilespmem:s4+$0x9980]  }
0x22d: {  	v11 =	vld [tilespmem:s22+$0xE980];
	v4 =	vadd.f32 v6, v4  }
0x22e: {  	v60 =	vld [tilespmem:s4+$0xA980]  }
0x22f: {  	v12 =	vld [tilespmem:s22+$0xF980];
	[tilespmem:s25+$0x18980] =	vst v4  }
0x230: {  	v4 =	vld [tilespmem:s4+$0xB980]  }
0x231: {  	v9 =	vadd.f32 v59, v10  }
0x232: {  	v3 =	vadd.f32 v3, v8;
	v61 =	vld [tilespmem:s4+$0xC980]  }
0x233: {  	v6 =	vadd.f32 v60, v9  }
0x234: {  	v3 =	vadd.f32 v5, v3;
	v62 =	vld [tilespmem:s4+$0xD980]  }
0x235: {  	v4 =	vadd.f32 v4, v6  }
0x236: {  	v3 =	vadd.f32 v7, v3;
	v63 =	vld [tilespmem:s4+$0xE980]  }
0x237: {  	v4 =	vadd.f32 v61, v4  }
0x238: {  	v2 =	vadd.f32 v2, v3;
	v3 =	vld [tilespmem:s4+$0xF980]  }
0x239: {  	v4 =	vadd.f32 v62, v4  }
0x23a: {  	v2 =	vadd.f32 v11, v2  }
.Ltmp11:
0x23b: {  	v4 =	vadd.f32 v63, v4;
	(pc) =	sbr.rel .LBB2_39-.Ltmp11, $4  }
0x23c: {  	v2 =	vadd.f32 v12, v2  }
0x23d: {  	v3 =	vadd.f32 v3, v4  }
0x23e: {  	[tilespmem:s22+$0x18980] =	vst v2  }
0x23f: {  	[tilespmem:s4+$0x18980] =	vst v3;
	s4 =	simm.s32 $0x5  }
.LBB2_24:
0x240: {  	p0 =	slt.s32 s19, $0x3D;
	s4 =	smov.u32 s19  }
0x241: {  	s4 =	simm.s32 @!p0 $0x3D  }
0x242: {  	s4 =	sadd.s32 $0x2, s4  }
0x243: {  	s5 =	sshll.u32 s4, $0x2;
	s4 =	sshll.u32 s4, $0x5  }
0x244: {  	s5 =	sand.u32 $0x7C, s5;
	s4 =	sand.u32 $0xC00, s4  }
0x245: {  	s5 =	sor.u32 s5, s4  }
0x246: {  	v2 =	vld.msk [tilespmem:s5+$0x0], $0xf;
	_ =	sdelay $0x4  }
0x247: {  	v3 =	vshll.u32 v2, $0x3  }
0x248: {  	v2 =	vand.u32 $0x7, v2;
	v3 =	vand.u32 $0xFFFFFFC0, v3  }
0x249: {  	v2 =	vor.u32 v2, v3  }
0x24a: {  	v2 =	vperm.xlane v2, v0;
	_ =	sdelay $0x1  }
0x24b: {  	v2 =	vadd.s32 v1, v2;
	_ =	sdelay $0x3  }
0x24c: {  	s6 =	simm.s32 $0x8800;
	s4 =	simm.s32 $0x0  }
0x24d: {  	[tilespmem:s6], [sflag:$0x2] =	stream.indirect_vreg.gather [hbm4b:s2+s4], $0x80, v2, vm0, $0xb8;
	[tilespmem:$0x19800] =	vst v63  }
0x24e: {  	s10 =	simm.s32 $0x9000;
	s11 =	sor.u32 $0x80, s5  }
0x24f: {  	[tilespmem:s10], [sflag:$0x2] =	stream.indirect_vreg.gather [hbm4b:s12+s4], $0x80, v2, vm0, $0xb8;
	[tilespmem:$0x19800] =	vst v63  }
0x250: {  	v2 =	vld.msk [tilespmem:s11+$0x0], $0xf;
	_ =	sdelay $0x4  }
0x251: {  	v3 =	vshll.u32 v2, $0x3  }
0x252: {  	v2 =	vand.u32 $0x7, v2;
	v3 =	vand.u32 $0xFFFFFFC0, v3  }
0x253: {  	v2 =	vor.u32 v2, v3  }
0x254: {  	v2 =	vperm.xlane v2, v0;
	_ =	sdelay $0x1  }
0x255: {  	v2 =	vadd.s32 v1, v2;
	_ =	sdelay $0x3  }
0x256: {  	s21 =	simm.s32 $0x9800  }
0x257: {  	[tilespmem:s21], [sflag:$0x2] =	stream.indirect_vreg.gather [hbm4b:s2+s4], $0x80, v2, vm0, $0xb8;
	[tilespmem:$0x19800] =	vst v63  }
0x258: {  	s22 =	simm.s32 $0xA000;
	s25 =	sor.u32 $0x100, s5  }
0x259: {  	[tilespmem:s22], [sflag:$0x2] =	stream.indirect_vreg.gather [hbm4b:s12+s4], $0x80, v2, vm0, $0xb8;
	[tilespmem:$0x19800] =	vst v63  }
0x25a: {  	v2 =	vld.msk [tilespmem:s25+$0x0], $0xf;
	_ =	sdelay $0x4  }
0x25b: {  	v3 =	vshll.u32 v2, $0x3  }
0x25c: {  	v2 =	vand.u32 $0x7, v2;
	v3 =	vand.u32 $0xFFFFFFC0, v3  }
0x25d: {  	v2 =	vor.u32 v2, v3  }
0x25e: {  	v2 =	vperm.xlane v2, v0;
	_ =	sdelay $0x1  }
0x25f: {  	v2 =	vadd.s32 v1, v2;
	_ =	sdelay $0x3  }
0x260: {  	s7 =	simm.s32 $0xA800  }
0x261: {  	[tilespmem:s7], [sflag:$0x2] =	stream.indirect_vreg.gather [hbm4b:s2+s4], $0x80, v2, vm0, $0xb8;
	[tilespmem:$0x19800] =	vst v63  }
0x262: {  	s8 =	simm.s32 $0xB000;
	s9 =	sor.u32 $0x180, s5  }
0x263: {  	[tilespmem:s8], [sflag:$0x2] =	stream.indirect_vreg.gather [hbm4b:s12+s4], $0x80, v2, vm0, $0xb8;
	[tilespmem:$0x19800] =	vst v63  }
0x264: {  	v2 =	vld.msk [tilespmem:s9+$0x0], $0xf;
	_ =	sdelay $0x4  }
0x265: {  	v3 =	vshll.u32 v2, $0x3  }
0x266: {  	v2 =	vand.u32 $0x7, v2;
	v3 =	vand.u32 $0xFFFFFFC0, v3  }
0x267: {  	v2 =	vor.u32 v2, v3  }
0x268: {  	v2 =	vperm.xlane v2, v0;
	_ =	sdelay $0x1  }
0x269: {  	v2 =	vadd.s32 v1, v2;
	_ =	sdelay $0x3  }
0x26a: {  	s10 =	simm.s32 $0xB800  }
0x26b: {  	[tilespmem:s10], [sflag:$0x2] =	stream.indirect_vreg.gather [hbm4b:s2+s4], $0x80, v2, vm0, $0xb8;
	[tilespmem:$0x19800] =	vst v63  }
0x26c: {  	s11 =	simm.s32 $0xC000;
	s21 =	sor.u32 $0x200, s5  }
0x26d: {  	[tilespmem:s11], [sflag:$0x2] =	stream.indirect_vreg.gather [hbm4b:s12+s4], $0x80, v2, vm0, $0xb8;
	[tilespmem:$0x19800] =	vst v63  }
0x26e: {  	v2 =	vld.msk [tilespmem:s21+$0x0], $0xf;
	_ =	sdelay $0x4  }
0x26f: {  	v3 =	vshll.u32 v2, $0x3  }
0x270: {  	v2 =	vand.u32 $0x7, v2;
	v3 =	vand.u32 $0xFFFFFFC0, v3  }
0x271: {  	v2 =	vor.u32 v2, v3  }
0x272: {  	v2 =	vperm.xlane v2, v0;
	_ =	sdelay $0x1  }
0x273: {  	v2 =	vadd.s32 v1, v2;
	_ =	sdelay $0x3  }
0x274: {  	s22 =	simm.s32 $0xC800  }
0x275: {  	[tilespmem:s22], [sflag:$0x2] =	stream.indirect_vreg.gather [hbm4b:s2+s4], $0x80, v2, vm0, $0xb8;
	[tilespmem:$0x19800] =	vst v63  }
0x276: {  	s25 =	sor.u32 $0x280, s5  }
0x277: {  	[tilespmem:s23], [sflag:$0x2] =	stream.indirect_vreg.gather [hbm4b:s12+s4], $0x80, v2, vm0, $0xb8;
	[tilespmem:$0x19800] =	vst v63  }
0x278: {  	v2 =	vld.msk [tilespmem:s25+$0x0], $0xf;
	_ =	sdelay $0x4  }
0x279: {  	v3 =	vshll.u32 v2, $0x3  }
0x27a: {  	v2 =	vand.u32 $0x7, v2;
	v3 =	vand.u32 $0xFFFFFFC0, v3  }
0x27b: {  	v2 =	vor.u32 v2, v3  }
0x27c: {  	v2 =	vperm.xlane v2, v0;
	_ =	sdelay $0x1  }
0x27d: {  	v2 =	vadd.s32 v1, v2;
	_ =	sdelay $0x4  }
0x27e: {  	[tilespmem:s24], [sflag:$0x2] =	stream.indirect_vreg.gather [hbm4b:s2+s4], $0x80, v2, vm0, $0xb8;
	[tilespmem:$0x19800] =	vst v63  }
0x27f: {  	s7 =	sor.u32 $0x300, s5  }
0x280: {  	[tilespmem:s26], [sflag:$0x2] =	stream.indirect_vreg.gather [hbm4b:s12+s4], $0x80, v2, vm0, $0xb8;
	[tilespmem:$0x19800] =	vst v63  }
0x281: {  	v2 =	vld.msk [tilespmem:s7+$0x0], $0xf;
	_ =	sdelay $0x4  }
0x282: {  	v3 =	vshll.u32 v2, $0x3  }
0x283: {  	v2 =	vand.u32 $0x7, v2;
	v3 =	vand.u32 $0xFFFFFFC0, v3  }
0x284: {  	v2 =	vor.u32 v2, v3  }
0x285: {  	v2 =	vperm.xlane v2, v0;
	_ =	sdelay $0x1  }
0x286: {  	v2 =	vadd.s32 v1, v2;
	_ =	sdelay $0x4  }
0x287: {  	[tilespmem:s29], [sflag:$0x2] =	stream.indirect_vreg.gather [hbm4b:s2+s4], $0x80, v2, vm0, $0xb8;
	[tilespmem:$0x19800] =	vst v63  }
0x288: {  	s5 =	sor.u32 $0x380, s5  }
0x289: {  	[tilespmem:s30], [sflag:$0x2] =	stream.indirect_vreg.gather [hbm4b:s12+s4], $0x80, v2, vm0, $0xb8;
	[tilespmem:$0x19800] =	vst v63  }
0x28a: {  	v2 =	vld.msk [tilespmem:s5+$0x0], $0xf;
	_ =	sdelay $0x4  }
0x28b: {  	v3 =	vshll.u32 v2, $0x3  }
0x28c: {  	v2 =	vand.u32 $0x7, v2;
	v3 =	vand.u32 $0xFFFFFFC0, v3  }
0x28d: {  	v2 =	vor.u32 v2, v3  }
0x28e: {  	v2 =	vperm.xlane v2, v0;
	_ =	sdelay $0x1  }
0x28f: {  	v2 =	vadd.s32 v1, v2;
	_ =	sdelay $0x4  }
0x290: {  	[tilespmem:s31], [sflag:$0x2] =	stream.indirect_vreg.gather [hbm4b:s2+s4], $0x80, v2, vm0, $0xb8;
	[tilespmem:$0x19800] =	vst v63  }
0x291: {  	_ = 	snop  }
0x292: {  	[tilespmem:s1], [sflag:$0x2] =	stream.indirect_vreg.gather [hbm4b:s12+s4], $0x80, v2, vm0, $0xb8;
	[tilespmem:$0x19800] =	vst v63  }
0x293: {  	_ =	swait.ge [sflag:s0], $0x8000  }
0x294: {  	s8 =	sand.u32 $0x70, s4;
	s4 =	sand.u32 $0xE00, s4;
	[sflag:s0] =	ssyncset.done $0x0  }
0x295: {  	s25 =	sor.u32 s8, s4;
	[sflag:s0] =	ssyncadd.s32 $0xFFFF8000  }
0x296: {  	v2 =	vld [tilespmem:s25+$0x10800]  }
0x297: {  	v3 =	vld [tilespmem:s25+$0x11800];
	_ =	sdelay $0x1  }
0x298: {  	v4 =	vld [tilespmem:s25+$0x12800];
	_ =	sdelay $0x1  }
0x299: {  	s9 =	simm.s32 $0x10;
	s10 =	simm.s32 $0x40;
	v5 =	vld [tilespmem:s25+$0x13800]  }
0x29a: {  	s5 =	sand.u32 $0xE00, s10;
	s4 =	sand.u32 $0x70, s9;
	v7 =	vld [tilespmem:s25+$0x15800];
	v2 =	vadd.f32 v3, v2  }
0x29b: {  	s22 =	sor.u32 s4, s5;
	v6 =	vld [tilespmem:s25+$0x14800]  }
0x29c: {  	v8 =	vld [tilespmem:s22+$0x10800];
	v2 =	vadd.f32 v4, v2  }
0x29d: {  	v9 =	vld [tilespmem:s22+$0x11800]  }
0x29e: {  	v3 =	vld [tilespmem:s22+$0x12800];
	v2 =	vadd.f32 v5, v2  }
0x29f: {  	v4 =	vld [tilespmem:s25+$0x16800]  }
0x2a0: {  	v5 =	vld [tilespmem:s25+$0x17800];
	v10 =	vadd.f32 v6, v2  }
0x2a1: {  	s11 =	simm.s32 $0x20;
	s7 =	simm.s32 $0x80;
	v6 =	vld [tilespmem:s22+$0x13800]  }
0x2a2: {  	s21 =	sand.u32 $0xE00, s7;
	s9 =	simm.s32 $0x30;
	s5 =	sand.u32 $0x70, s11;
	v8 =	vadd.f32 v9, v8;
	v2 =	vld [tilespmem:s22+$0x15800];
	v9 =	vadd.f32 v7, v10  }
0x2a3: {  	s8 =	smov.u32 s25;
	s6 =	sor.u32 s5, s21;
	s4 =	smov.u32 s22;
	v7 =	vld [tilespmem:s22+$0x14800]  }
.LBB2_25:
0x2a4: {  	p0 =	sne.s32 s9, $0x3F0;
	v10 =	vld [tilespmem:s6+$0x10800];
	v3 =	vadd.f32 v3, v8;
	v8 =	vadd.f32 v4, v9  }
0x2a5: {  	v9 =	vld [tilespmem:s6+$0x11800]  }
0x2a6: {  	v6 =	vadd.f32 v6, v3;
	v4 =	vld [tilespmem:s4+$0x16800];
	v8 =	vadd.f32 v5, v8  }
.Ltmp12:
0x2a7: {  	v3 =	vld [tilespmem:s6+$0x12800];
	(pc) =	sbr.rel @p0 .LBB2_25-.Ltmp12, $4  }
0x2a8: {  	v7 =	vadd.f32 v7, v6;
	v5 =	vld [tilespmem:s4+$0x17800];
	[tilespmem:s8+$0x18800] =	vst v8;
	s8 =	smov.u32 s4;
	s4 =	smov.u32 s6  }
0x2a9: {  	s7 =	sadd.s32 $0x40, s7;
	v6 =	vld [tilespmem:s4+$0x13800]  }
0x2aa: {  	s10 =	sand.u32 $0xE00, s7;
	s6 =	sand.u32 $0x70, s9;
	v8 =	vadd.f32 v9, v10;
	v9 =	vadd.f32 v2, v7;
	v2 =	vld [tilespmem:s4+$0x15800]  }
0x2ab: {  	s9 =	sadd.s32 $0x10, s9;
	s6 =	sor.u32 s6, s10;
	v7 =	vld [tilespmem:s4+$0x14800]  }
0x2ac: {  	v10 =	vld [tilespmem:s6+$0x10800];
	v4 =	vadd.f32 v4, v9  }
0x2ad: {  	v9 =	vld [tilespmem:s6+$0x11800]  }
0x2ae: {  	v11 =	vld [tilespmem:s4+$0x16800];
	v4 =	vadd.f32 v5, v4  }
0x2af: {  	v5 =	vld [tilespmem:s6+$0x12800]  }
0x2b0: {  	v12 =	vld [tilespmem:s4+$0x17800];
	[tilespmem:s8+$0x18800] =	vst v4  }
0x2b1: {  	v4 =	vld [tilespmem:s6+$0x13800]  }
0x2b2: {  	v9 =	vadd.f32 v9, v10  }
0x2b3: {  	v3 =	vadd.f32 v3, v8;
	v8 =	vld [tilespmem:s6+$0x14800]  }
0x2b4: {  	v5 =	vadd.f32 v5, v9  }
0x2b5: {  	v3 =	vadd.f32 v6, v3;
	v6 =	vld [tilespmem:s6+$0x15800]  }
0x2b6: {  	v4 =	vadd.f32 v4, v5  }
0x2b7: {  	v3 =	vadd.f32 v7, v3;
	v5 =	vld [tilespmem:s6+$0x16800]  }
0x2b8: {  	v4 =	vadd.f32 v8, v4  }
0x2b9: {  	v2 =	vadd.f32 v2, v3;
	v3 =	vld [tilespmem:s6+$0x17800]  }
0x2ba: {  	v4 =	vadd.f32 v6, v4  }
0x2bb: {  	v2 =	vadd.f32 v11, v2  }
0x2bc: {  	v4 =	vadd.f32 v5, v4  }
0x2bd: {  	v2 =	vadd.f32 v12, v2  }
0x2be: {  	v3 =	vadd.f32 v3, v4  }
0x2bf: {  	[tilespmem:s4+$0x18800] =	vst v2  }
0x2c0: {  	[tilespmem:s6+$0x18800] =	vst v3  }
0x2c1: {  	v2 =	vld [tilespmem:s25+$0x10880]  }
0x2c2: {  	v3 =	vld [tilespmem:s25+$0x11880];
	_ =	sdelay $0x1  }
0x2c3: {  	v4 =	vld [tilespmem:s25+$0x12880];
	_ =	sdelay $0x1  }
0x2c4: {  	v5 =	vld [tilespmem:s25+$0x13880]  }
0x2c5: {  	v7 =	vld [tilespmem:s25+$0x15880];
	v2 =	vadd.f32 v3, v2  }
0x2c6: {  	v8 =	vld [tilespmem:s25+$0x14880]  }
0x2c7: {  	v9 =	vld [tilespmem:s22+$0x10880];
	v2 =	vadd.f32 v4, v2  }
0x2c8: {  	v10 =	vld [tilespmem:s22+$0x11880]  }
0x2c9: {  	v3 =	vld [tilespmem:s22+$0x12880];
	v2 =	vadd.f32 v5, v2  }
0x2ca: {  	v4 =	vld [tilespmem:s25+$0x16880]  }
0x2cb: {  	v6 =	vld [tilespmem:s25+$0x17880];
	v11 =	vadd.f32 v8, v2  }
0x2cc: {  	s6 =	simm.s32 $0x80;
	v5 =	vld [tilespmem:s22+$0x13880]  }
0x2cd: {  	s21 =	sand.u32 $0xE00, s6;
	v2 =	vld [tilespmem:s22+$0x15880];
	v8 =	vadd.f32 v10, v9;
	v9 =	vadd.f32 v7, v11  }
0x2ce: {  	s4 =	sor.u32 s5, s21;
	s5 =	simm.s32 $0x30;
	v7 =	vld [tilespmem:s22+$0x14880]  }
.LBB2_27:
0x2cf: {  	p0 =	sne.s32 s5, $0x3F0;
	v10 =	vld [tilespmem:s4+$0x10880];
	v3 =	vadd.f32 v3, v8;
	v8 =	vadd.f32 v4, v9  }
0x2d0: {  	v9 =	vld [tilespmem:s4+$0x11880]  }
0x2d1: {  	v5 =	vadd.f32 v5, v3;
	v4 =	vld [tilespmem:s22+$0x16880];
	v8 =	vadd.f32 v6, v8  }
.Ltmp13:
0x2d2: {  	v3 =	vld [tilespmem:s4+$0x12880];
	(pc) =	sbr.rel @p0 .LBB2_27-.Ltmp13, $4  }
0x2d3: {  	v7 =	vadd.f32 v7, v5;
	v6 =	vld [tilespmem:s22+$0x17880];
	[tilespmem:s25+$0x18880] =	vst v8;
	s25 =	smov.u32 s22;
	s22 =	smov.u32 s4  }
0x2d4: {  	s6 =	sadd.s32 $0x40, s6;
	v5 =	vld [tilespmem:s22+$0x13880]  }
0x2d5: {  	s7 =	sand.u32 $0xE00, s6;
	s4 =	sand.u32 $0x70, s5;
	v8 =	vadd.f32 v9, v10;
	v9 =	vadd.f32 v2, v7;
	v2 =	vld [tilespmem:s22+$0x15880]  }
0x2d6: {  	s5 =	sadd.s32 $0x10, s5;
	s4 =	sor.u32 s4, s7;
	v7 =	vld [tilespmem:s22+$0x14880]  }
0x2d7: {  	v10 =	vld [tilespmem:s4+$0x10880];
	v4 =	vadd.f32 v4, v9  }
0x2d8: {  	v9 =	vld [tilespmem:s4+$0x11880]  }
0x2d9: {  	v11 =	vld [tilespmem:s22+$0x16880];
	v4 =	vadd.f32 v6, v4  }
0x2da: {  	v6 =	vld [tilespmem:s4+$0x12880]  }
0x2db: {  	v12 =	vld [tilespmem:s22+$0x17880];
	[tilespmem:s25+$0x18880] =	vst v4  }
0x2dc: {  	v4 =	vld [tilespmem:s4+$0x13880]  }
0x2dd: {  	v9 =	vadd.f32 v9, v10  }
0x2de: {  	v3 =	vadd.f32 v3, v8;
	v8 =	vld [tilespmem:s4+$0x14880]  }
0x2df: {  	v6 =	vadd.f32 v6, v9  }
0x2e0: {  	v3 =	vadd.f32 v5, v3;
	v5 =	vld [tilespmem:s4+$0x15880]  }
0x2e1: {  	v4 =	vadd.f32 v4, v6  }
0x2e2: {  	v3 =	vadd.f32 v7, v3;
	v6 =	vld [tilespmem:s4+$0x16880]  }
0x2e3: {  	v4 =	vadd.f32 v8, v4  }
0x2e4: {  	v2 =	vadd.f32 v2, v3;
	v3 =	vld [tilespmem:s4+$0x17880]  }
0x2e5: {  	v4 =	vadd.f32 v5, v4  }
0x2e6: {  	v2 =	vadd.f32 v11, v2  }
0x2e7: {  	v4 =	vadd.f32 v6, v4  }
0x2e8: {  	v2 =	vadd.f32 v12, v2  }
0x2e9: {  	s5 =	simm.s32 $0x0;
	v3 =	vadd.f32 v3, v4  }
0x2ea: {  	s6 =	sand.u32 $0x70, s5;
	s5 =	sand.u32 $0xE00, s5;
	[tilespmem:s22+$0x18880] =	vst v2  }
0x2eb: {  	s25 =	sor.u32 s6, s5;
	[tilespmem:s4+$0x18880] =	vst v3  }
0x2ec: {  	v2 =	vld [tilespmem:s25+$0x10900]  }
0x2ed: {  	v3 =	vld [tilespmem:s25+$0x11900];
	_ =	sdelay $0x1  }
0x2ee: {  	v4 =	vld [tilespmem:s25+$0x12900];
	_ =	sdelay $0x1  }
0x2ef: {  	s9 =	simm.s32 $0x10;
	s10 =	simm.s32 $0x40;
	v5 =	vld [tilespmem:s25+$0x13900]  }
0x2f0: {  	s5 =	sand.u32 $0xE00, s10;
	s4 =	sand.u32 $0x70, s9;
	v7 =	vld [tilespmem:s25+$0x15900];
	v2 =	vadd.f32 v3, v2  }
0x2f1: {  	s22 =	sor.u32 s4, s5;
	v6 =	vld [tilespmem:s25+$0x14900]  }
0x2f2: {  	v8 =	vld [tilespmem:s22+$0x10900];
	v2 =	vadd.f32 v4, v2  }
0x2f3: {  	v9 =	vld [tilespmem:s22+$0x11900]  }
0x2f4: {  	v3 =	vld [tilespmem:s22+$0x12900];
	v2 =	vadd.f32 v5, v2  }
0x2f5: {  	v4 =	vld [tilespmem:s25+$0x16900]  }
0x2f6: {  	v5 =	vld [tilespmem:s25+$0x17900];
	v10 =	vadd.f32 v6, v2  }
0x2f7: {  	s11 =	simm.s32 $0x20;
	s7 =	simm.s32 $0x80;
	v6 =	vld [tilespmem:s22+$0x13900]  }
0x2f8: {  	s21 =	sand.u32 $0xE00, s7;
	s8 =	smov.u32 s25;
	s5 =	sand.u32 $0x70, s11;
	v8 =	vadd.f32 v9, v8;
	v2 =	vld [tilespmem:s22+$0x15900];
	v9 =	vadd.f32 v7, v10  }
0x2f9: {  	s9 =	simm.s32 $0x30;
	s6 =	sor.u32 s5, s21;
	s4 =	smov.u32 s22;
	v7 =	vld [tilespmem:s22+$0x14900]  }
.LBB2_29:
0x2fa: {  	p0 =	sne.s32 s9, $0x3F0;
	v10 =	vld [tilespmem:s6+$0x10900];
	v3 =	vadd.f32 v3, v8;
	v8 =	vadd.f32 v4, v9  }
0x2fb: {  	v9 =	vld [tilespmem:s6+$0x11900]  }
0x2fc: {  	v6 =	vadd.f32 v6, v3;
	v4 =	vld [tilespmem:s4+$0x16900];
	v8 =	vadd.f32 v5, v8  }
.Ltmp14:
0x2fd: {  	v3 =	vld [tilespmem:s6+$0x12900];
	(pc) =	sbr.rel @p0 .LBB2_29-.Ltmp14, $4  }
0x2fe: {  	v7 =	vadd.f32 v7, v6;
	v5 =	vld [tilespmem:s4+$0x17900];
	[tilespmem:s8+$0x18900] =	vst v8;
	s8 =	smov.u32 s4;
	s4 =	smov.u32 s6  }
0x2ff: {  	s7 =	sadd.s32 $0x40, s7;
	v6 =	vld [tilespmem:s4+$0x13900]  }
0x300: {  	s10 =	sand.u32 $0xE00, s7;
	s6 =	sand.u32 $0x70, s9;
	v8 =	vadd.f32 v9, v10;
	v9 =	vadd.f32 v2, v7;
	v2 =	vld [tilespmem:s4+$0x15900]  }
0x301: {  	s9 =	sadd.s32 $0x10, s9;
	s6 =	sor.u32 s6, s10;
	v7 =	vld [tilespmem:s4+$0x14900]  }
0x302: {  	v10 =	vld [tilespmem:s6+$0x10900];
	v4 =	vadd.f32 v4, v9  }
0x303: {  	v59 =	vld [tilespmem:s6+$0x11900]  }
0x304: {  	v11 =	vld [tilespmem:s4+$0x16900];
	v4 =	vadd.f32 v5, v4  }
0x305: {  	v60 =	vld [tilespmem:s6+$0x12900]  }
0x306: {  	v12 =	vld [tilespmem:s4+$0x17900];
	[tilespmem:s8+$0x18900] =	vst v4  }
0x307: {  	v4 =	vld [tilespmem:s6+$0x13900]  }
0x308: {  	v9 =	vadd.f32 v59, v10  }
0x309: {  	v3 =	vadd.f32 v3, v8;
	v61 =	vld [tilespmem:s6+$0x14900]  }
0x30a: {  	v5 =	vadd.f32 v60, v9  }
0x30b: {  	v3 =	vadd.f32 v6, v3;
	v62 =	vld [tilespmem:s6+$0x15900]  }
0x30c: {  	v4 =	vadd.f32 v4, v5  }
0x30d: {  	v3 =	vadd.f32 v7, v3;
	v63 =	vld [tilespmem:s6+$0x16900]  }
0x30e: {  	v4 =	vadd.f32 v61, v4  }
0x30f: {  	v2 =	vadd.f32 v2, v3;
	v3 =	vld [tilespmem:s6+$0x17900]  }
0x310: {  	v4 =	vadd.f32 v62, v4  }
0x311: {  	p2 =	por $0x0, $0x0;
	v2 =	vadd.f32 v11, v2  }
.Ltmp15:
0x312: {  	v4 =	vadd.f32 v63, v4;
	(pc) =	sbr.rel @p2 .LBB2_31-.Ltmp15, $4  }
0x313: {  	v2 =	vadd.f32 v12, v2  }
0x314: {  	v3 =	vadd.f32 v3, v4  }
0x315: {  	[tilespmem:s4+$0x18900] =	vst v2  }
0x316: {  	p0 =	por $0x0, $0x0;
	p1 =	por $0x0, $0x0;
	[tilespmem:s6+$0x18900] =	vst v3  }
0x317: {  	v4 =	vld [tilespmem:s25+$0x10980]  }
0x318: {  	v5 =	vld [tilespmem:s25+$0x11980];
	p2 =	por $0x0, $0x0  }
.Ltmp16:
0x319: {  	_ = 	snop;
	(pc) =	sbr.rel @p2 .LBB2_33-.Ltmp16, $4  }
0x31a: {  	v2 =	vld [tilespmem:s25+$0x12980]  }
0x31b: {  	v3 =	vld [tilespmem:s25+$0x13980]  }
0x31c: {  	v8 =	vld [tilespmem:s25+$0x15980]  }
0x31d: {  	p0 =	por $0x1, $0x1;
	v7 =	vadd.f32 v5, v4;
	v5 =	vld [tilespmem:s25+$0x14980]  }
0x31e: {  	_ = 	snop  }
0x31f: {  	v10 =	vld [tilespmem:s22+$0x10980];
	v2 =	vadd.f32 v2, v7  }
0x320: {  	v7 =	vld [tilespmem:s22+$0x11980]  }
0x321: {  	v4 =	vld [tilespmem:s25+$0x16980];
	p2 =	por $0x0, $0x0;
	v3 =	vadd.f32 v3, v2  }
.Ltmp17:
0x322: {  	v2 =	vld [tilespmem:s22+$0x12980];
	(pc) =	sbr.rel @p2 .LBB2_35-.Ltmp17, $4  }
0x323: {  	v6 =	vld [tilespmem:s25+$0x17980];
	v5 =	vadd.f32 v5, v3  }
0x324: {  	s4 =	simm.s32 $0x80;
	v3 =	vld [tilespmem:s22+$0x13980]  }
0x325: {  	v9 =	vld [tilespmem:s22+$0x15980];
	s6 =	sand.u32 $0xE00, s4;
	v7 =	vadd.f32 v7, v10;
	v10 =	vadd.f32 v8, v5  }
0x326: {  	p1 =	por $0x1, $0x1;
	s5 =	sor.u32 s5, s6;
	s6 =	simm.s32 $0x30;
	v5 =	vld [tilespmem:s22+$0x14980]  }
.LBB2_36:
0x327: {  	p2 =	seq.s32 s6, $0x3F0;
	v8 =	vld [tilespmem:s5+$0x10980];
	v2 =	vadd.f32 v2, v7;
	v7 =	vadd.f32 v4, v10  }
0x328: {  	v10 =	vld [tilespmem:s5+$0x11980]  }
0x329: {  	v3 =	vadd.f32 v3, v2;
	v4 =	vld [tilespmem:s22+$0x16980];
	v7 =	vadd.f32 v6, v7  }
.Ltmp18:
0x32a: {  	v2 =	vld [tilespmem:s5+$0x12980];
	(pc) =	sbr.rel @!p2 .LBB2_36-.Ltmp18, $4  }
0x32b: {  	v5 =	vadd.f32 v5, v3;
	v6 =	vld [tilespmem:s22+$0x17980];
	[tilespmem:s25+$0x18980] =	vst v7;
	s25 =	smov.u32 s22;
	s22 =	smov.u32 s5  }
0x32c: {  	s4 =	sadd.s32 $0x40, s4;
	v3 =	vld [tilespmem:s22+$0x13980]  }
0x32d: {  	s7 =	sand.u32 $0xE00, s4;
	s5 =	sand.u32 $0x70, s6;
	v7 =	vadd.f32 v10, v8;
	v10 =	vadd.f32 v9, v5;
	v9 =	vld [tilespmem:s22+$0x15980]  }
0x32e: {  	s6 =	sadd.s32 $0x10, s6;
	s5 =	sor.u32 s5, s7;
	v5 =	vld [tilespmem:s22+$0x14980]  }
.Ltmp19:
0x32f: {  	(pc) =	sbr.rel .LBB2_38-.Ltmp19, $2  }
0x330: {  	_ =	sdelay $0x2  }
0x331: {  	v8 =	vmov v9  }
.LBB2_6:
0x332: {  	v2 =	vld.msk [tilespmem:s5+$0x0], $0xf;
	_ =	sdelay $0x4  }
0x333: {  	v3 =	vshll.u32 v2, $0x3  }
0x334: {  	v2 =	vand.u32 $0x7, v2;
	v3 =	vand.u32 $0xFFFFFFC0, v3  }
0x335: {  	v2 =	vor.u32 v2, v3  }
0x336: {  	v2 =	vperm.xlane v2, v0;
	_ =	sdelay $0x1  }
0x337: {  	v2 =	vadd.s32 v1, v2;
	_ =	sdelay $0x3  }
0x338: {  	s4 =	simm.s32 $0x0;
	s6 =	simm.s32 $0x10800  }
0x339: {  	[tilespmem:s6], [sflag:$0x3] =	stream.indirect_vreg.gather [hbm4b:s2+s4], $0x80, v2, vm0, $0xb8;
	[tilespmem:$0x19800] =	vst v63  }
0x33a: {  	s22 =	simm.s32 $0x11000;
	s25 =	sor.u32 $0x80, s5  }
0x33b: {  	[tilespmem:s22], [sflag:$0x3] =	stream.indirect_vreg.gather [hbm4b:s12+s4], $0x80, v2, vm0, $0xb8;
	[tilespmem:$0x19800] =	vst v63  }
0x33c: {  	v2 =	vld.msk [tilespmem:s25+$0x0], $0xf;
	_ =	sdelay $0x4  }
0x33d: {  	v3 =	vshll.u32 v2, $0x3  }
0x33e: {  	v2 =	vand.u32 $0x7, v2;
	v3 =	vand.u32 $0xFFFFFFC0, v3  }
0x33f: {  	v2 =	vor.u32 v2, v3  }
0x340: {  	v2 =	vperm.xlane v2, v0;
	_ =	sdelay $0x1  }
0x341: {  	v2 =	vadd.s32 v1, v2;
	_ =	sdelay $0x3  }
0x342: {  	s7 =	simm.s32 $0x11800  }
0x343: {  	[tilespmem:s7], [sflag:$0x3] =	stream.indirect_vreg.gather [hbm4b:s2+s4], $0x80, v2, vm0, $0xb8;
	[tilespmem:$0x19800] =	vst v63  }
0x344: {  	s8 =	simm.s32 $0x12000;
	s9 =	sor.u32 $0x100, s5  }
0x345: {  	[tilespmem:s8], [sflag:$0x3] =	stream.indirect_vreg.gather [hbm4b:s12+s4], $0x80, v2, vm0, $0xb8;
	[tilespmem:$0x19800] =	vst v63  }
0x346: {  	v2 =	vld.msk [tilespmem:s9+$0x0], $0xf;
	_ =	sdelay $0x4  }
0x347: {  	v3 =	vshll.u32 v2, $0x3  }
0x348: {  	v2 =	vand.u32 $0x7, v2;
	v3 =	vand.u32 $0xFFFFFFC0, v3  }
0x349: {  	v2 =	vor.u32 v2, v3  }
0x34a: {  	v2 =	vperm.xlane v2, v0;
	_ =	sdelay $0x1  }
0x34b: {  	v2 =	vadd.s32 v1, v2;
	_ =	sdelay $0x3  }
0x34c: {  	s10 =	simm.s32 $0x12800  }
0x34d: {  	[tilespmem:s10], [sflag:$0x3] =	stream.indirect_vreg.gather [hbm4b:s2+s4], $0x80, v2, vm0, $0xb8;
	[tilespmem:$0x19800] =	vst v63  }
0x34e: {  	s11 =	simm.s32 $0x13000;
	s21 =	sor.u32 $0x180, s5  }
0x34f: {  	[tilespmem:s11], [sflag:$0x3] =	stream.indirect_vreg.gather [hbm4b:s12+s4], $0x80, v2, vm0, $0xb8;
	[tilespmem:$0x19800] =	vst v63  }
0x350: {  	v2 =	vld.msk [tilespmem:s21+$0x0], $0xf;
	_ =	sdelay $0x4  }
0x351: {  	v3 =	vshll.u32 v2, $0x3  }
0x352: {  	v2 =	vand.u32 $0x7, v2;
	v3 =	vand.u32 $0xFFFFFFC0, v3  }
0x353: {  	v2 =	vor.u32 v2, v3  }
0x354: {  	v2 =	vperm.xlane v2, v0;
	_ =	sdelay $0x1  }
0x355: {  	v2 =	vadd.s32 v1, v2;
	_ =	sdelay $0x3  }
0x356: {  	s22 =	simm.s32 $0x13800  }
0x357: {  	[tilespmem:s22], [sflag:$0x3] =	stream.indirect_vreg.gather [hbm4b:s2+s4], $0x80, v2, vm0, $0xb8;
	[tilespmem:$0x19800] =	vst v63  }
0x358: {  	s25 =	simm.s32 $0x14000;
	s7 =	sor.u32 $0x200, s5  }
0x359: {  	[tilespmem:s25], [sflag:$0x3] =	stream.indirect_vreg.gather [hbm4b:s12+s4], $0x80, v2, vm0, $0xb8;
	[tilespmem:$0x19800] =	vst v63  }
0x35a: {  	v2 =	vld.msk [tilespmem:s7+$0x0], $0xf;
	_ =	sdelay $0x4  }
0x35b: {  	v3 =	vshll.u32 v2, $0x3  }
0x35c: {  	v2 =	vand.u32 $0x7, v2;
	v3 =	vand.u32 $0xFFFFFFC0, v3  }
0x35d: {  	v2 =	vor.u32 v2, v3  }
0x35e: {  	v2 =	vperm.xlane v2, v0;
	_ =	sdelay $0x1  }
0x35f: {  	v2 =	vadd.s32 v1, v2;
	_ =	sdelay $0x3  }
0x360: {  	s8 =	simm.s32 $0x14800  }
0x361: {  	[tilespmem:s8], [sflag:$0x3] =	stream.indirect_vreg.gather [hbm4b:s2+s4], $0x80, v2, vm0, $0xb8;
	[tilespmem:$0x19800] =	vst v63  }
0x362: {  	s9 =	simm.s32 $0x15000;
	s10 =	sor.u32 $0x280, s5  }
0x363: {  	[tilespmem:s9], [sflag:$0x3] =	stream.indirect_vreg.gather [hbm4b:s12+s4], $0x80, v2, vm0, $0xb8;
	[tilespmem:$0x19800] =	vst v63  }
0x364: {  	v2 =	vld.msk [tilespmem:s10+$0x0], $0xf;
	_ =	sdelay $0x4  }
0x365: {  	v3 =	vshll.u32 v2, $0x3  }
0x366: {  	v2 =	vand.u32 $0x7, v2;
	v3 =	vand.u32 $0xFFFFFFC0, v3  }
0x367: {  	v2 =	vor.u32 v2, v3  }
0x368: {  	v2 =	vperm.xlane v2, v0;
	_ =	sdelay $0x1  }
0x369: {  	v2 =	vadd.s32 v1, v2;
	_ =	sdelay $0x3  }
0x36a: {  	s11 =	simm.s32 $0x15800  }
0x36b: {  	[tilespmem:s11], [sflag:$0x3] =	stream.indirect_vreg.gather [hbm4b:s2+s4], $0x80, v2, vm0, $0xb8;
	[tilespmem:$0x19800] =	vst v63  }
0x36c: {  	s21 =	simm.s32 $0x16000;
	s22 =	sor.u32 $0x300, s5  }
0x36d: {  	[tilespmem:s21], [sflag:$0x3] =	stream.indirect_vreg.gather [hbm4b:s12+s4], $0x80, v2, vm0, $0xb8;
	[tilespmem:$0x19800] =	vst v63  }
0x36e: {  	v2 =	vld.msk [tilespmem:s22+$0x0], $0xf;
	_ =	sdelay $0x4  }
0x36f: {  	v3 =	vshll.u32 v2, $0x3  }
0x370: {  	v2 =	vand.u32 $0x7, v2;
	v3 =	vand.u32 $0xFFFFFFC0, v3  }
0x371: {  	v2 =	vor.u32 v2, v3  }
0x372: {  	v2 =	vperm.xlane v2, v0;
	_ =	sdelay $0x1  }
0x373: {  	v2 =	vadd.s32 v1, v2;
	_ =	sdelay $0x3  }
0x374: {  	s25 =	simm.s32 $0x16800  }
0x375: {  	[tilespmem:s25], [sflag:$0x3] =	stream.indirect_vreg.gather [hbm4b:s2+s4], $0x80, v2, vm0, $0xb8;
	[tilespmem:$0x19800] =	vst v63  }
0x376: {  	s7 =	simm.s32 $0x17000;
	s8 =	sor.u32 $0x380, s5  }
0x377: {  	[tilespmem:s7], [sflag:$0x3] =	stream.indirect_vreg.gather [hbm4b:s12+s4], $0x80, v2, vm0, $0xb8;
	[tilespmem:$0x19800] =	vst v63  }
0x378: {  	v2 =	vld.msk [tilespmem:s8+$0x0], $0xf;
	_ =	sdelay $0x4  }
0x379: {  	v3 =	vshll.u32 v2, $0x3  }
0x37a: {  	v2 =	vand.u32 $0x7, v2;
	v3 =	vand.u32 $0xFFFFFFC0, v3  }
0x37b: {  	v2 =	vor.u32 v2, v3  }
0x37c: {  	v2 =	vperm.xlane v2, v0;
	_ =	sdelay $0x1  }
0x37d: {  	v2 =	vadd.s32 v1, v2;
	_ =	sdelay $0x3  }
0x37e: {  	s9 =	simm.s32 $0x17800  }
0x37f: {  	[tilespmem:s9], [sflag:$0x3] =	stream.indirect_vreg.gather [hbm4b:s2+s4], $0x80, v2, vm0, $0xb8;
	[tilespmem:$0x19800] =	vst v63  }
0x380: {  	s10 =	simm.s32 $0x18000  }
0x381: {  	[tilespmem:s10], [sflag:$0x3] =	stream.indirect_vreg.gather [hbm4b:s12+s4], $0x80, v2, vm0, $0xb8;
	[tilespmem:$0x19800] =	vst v63  }
0x382: {  	_ =	swait.ge [sflag:s14], $0x8000  }
0x383: {  	s5 =	sand.u32 $0x70, s4;
	s22 =	sand.u32 $0xE00, s4;
	[sflag:s14] =	ssyncset.done $0x0  }
0x384: {  	s8 =	sor.u32 s5, s22;
	[sflag:s14] =	ssyncadd.s32 $0xFFFF8000  }
0x385: {  	v2 =	vld [tilespmem:s8+$0x800]  }
0x386: {  	v3 =	vld [tilespmem:s8+$0x1800];
	_ =	sdelay $0x1  }
0x387: {  	v4 =	vld [tilespmem:s8+$0x2800];
	_ =	sdelay $0x1  }
0x388: {  	s11 =	simm.s32 $0x10;
	s21 =	simm.s32 $0x40;
	v5 =	vld [tilespmem:s8+$0x3800]  }
0x389: {  	s6 =	sand.u32 $0xE00, s21;
	s25 =	sand.u32 $0x70, s11;
	v7 =	vld [tilespmem:s8+$0x5800];
	v2 =	vadd.f32 v3, v2  }
0x38a: {  	s4 =	sor.u32 s25, s6;
	v6 =	vld [tilespmem:s8+$0x4800]  }
0x38b: {  	v8 =	vld [tilespmem:s4+$0x800];
	v2 =	vadd.f32 v4, v2  }
0x38c: {  	v9 =	vld [tilespmem:s4+$0x1800]  }
0x38d: {  	v3 =	vld [tilespmem:s4+$0x2800];
	v2 =	vadd.f32 v5, v2  }
0x38e: {  	v4 =	vld [tilespmem:s8+$0x6800]  }
0x38f: {  	v5 =	vld [tilespmem:s8+$0x7800];
	v10 =	vadd.f32 v6, v2  }
0x390: {  	s7 =	simm.s32 $0x20;
	s10 =	simm.s32 $0x80;
	v6 =	vld [tilespmem:s4+$0x3800]  }
0x391: {  	s7 =	sand.u32 $0x70, s7;
	s9 =	sand.u32 $0xE00, s10;
	v8 =	vadd.f32 v9, v8;
	v2 =	vld [tilespmem:s4+$0x5800];
	v9 =	vadd.f32 v7, v10  }
0x392: {  	s11 =	simm.s32 $0x30;
	s9 =	sor.u32 s7, s9;
	v7 =	vld [tilespmem:s4+$0x4800]  }
.LBB2_7:
0x393: {  	p0 =	sne.s32 s11, $0x3F0;
	v10 =	vld [tilespmem:s9+$0x800];
	v3 =	vadd.f32 v3, v8;
	v8 =	vadd.f32 v4, v9  }
0x394: {  	v9 =	vld [tilespmem:s9+$0x1800]  }
0x395: {  	v6 =	vadd.f32 v6, v3;
	v4 =	vld [tilespmem:s4+$0x6800];
	v8 =	vadd.f32 v5, v8  }
.Ltmp20:
0x396: {  	v3 =	vld [tilespmem:s9+$0x2800];
	(pc) =	sbr.rel @p0 .LBB2_7-.Ltmp20, $4  }
0x397: {  	v7 =	vadd.f32 v7, v6;
	v5 =	vld [tilespmem:s4+$0x7800];
	[tilespmem:s8+$0x18800] =	vst v8;
	s8 =	smov.u32 s4;
	s4 =	smov.u32 s9  }
0x398: {  	s10 =	sadd.s32 $0x40, s10;
	v6 =	vld [tilespmem:s4+$0x3800]  }
0x399: {  	s21 =	sand.u32 $0xE00, s10;
	s9 =	sand.u32 $0x70, s11;
	v8 =	vadd.f32 v9, v10;
	v9 =	vadd.f32 v2, v7;
	v2 =	vld [tilespmem:s4+$0x5800]  }
0x39a: {  	s11 =	sadd.s32 $0x10, s11;
	s9 =	sor.u32 s9, s21;
	v7 =	vld [tilespmem:s4+$0x4800]  }
0x39b: {  	v10 =	vld [tilespmem:s9+$0x800];
	v4 =	vadd.f32 v4, v9  }
0x39c: {  	v9 =	vld [tilespmem:s9+$0x1800]  }
0x39d: {  	v11 =	vld [tilespmem:s4+$0x6800];
	v4 =	vadd.f32 v5, v4  }
0x39e: {  	v5 =	vld [tilespmem:s9+$0x2800]  }
0x39f: {  	v12 =	vld [tilespmem:s4+$0x7800];
	[tilespmem:s8+$0x18800] =	vst v4  }
0x3a0: {  	v4 =	vld [tilespmem:s9+$0x3800]  }
0x3a1: {  	v9 =	vadd.f32 v9, v10  }
0x3a2: {  	v3 =	vadd.f32 v3, v8;
	v8 =	vld [tilespmem:s9+$0x4800]  }
0x3a3: {  	v5 =	vadd.f32 v5, v9  }
0x3a4: {  	v3 =	vadd.f32 v6, v3;
	v6 =	vld [tilespmem:s9+$0x5800]  }
0x3a5: {  	v4 =	vadd.f32 v4, v5  }
0x3a6: {  	v3 =	vadd.f32 v7, v3;
	v5 =	vld [tilespmem:s9+$0x6800]  }
0x3a7: {  	v4 =	vadd.f32 v8, v4  }
0x3a8: {  	v2 =	vadd.f32 v2, v3;
	v3 =	vld [tilespmem:s9+$0x7800]  }
0x3a9: {  	v4 =	vadd.f32 v6, v4  }
0x3aa: {  	v2 =	vadd.f32 v11, v2  }
0x3ab: {  	v4 =	vadd.f32 v5, v4  }
0x3ac: {  	v2 =	vadd.f32 v12, v2  }
0x3ad: {  	v3 =	vadd.f32 v3, v4  }
0x3ae: {  	[tilespmem:s4+$0x18800] =	vst v2  }
0x3af: {  	s5 =	sor.u32 s22, s5;
	[tilespmem:s9+$0x18800] =	vst v3  }
0x3b0: {  	v2 =	vld [tilespmem:s5+$0x880]  }
0x3b1: {  	v3 =	vld [tilespmem:s5+$0x1880];
	_ =	sdelay $0x1  }
0x3b2: {  	v4 =	vld [tilespmem:s5+$0x2880];
	_ =	sdelay $0x1  }
0x3b3: {  	v5 =	vld [tilespmem:s5+$0x3880]  }
0x3b4: {  	v7 =	vld [tilespmem:s5+$0x5880];
	v2 =	vadd.f32 v3, v2  }
0x3b5: {  	s4 =	sor.u32 s6, s25;
	v8 =	vld [tilespmem:s5+$0x4880]  }
0x3b6: {  	v9 =	vld [tilespmem:s4+$0x880];
	v2 =	vadd.f32 v4, v2  }
0x3b7: {  	v10 =	vld [tilespmem:s4+$0x1880]  }
0x3b8: {  	v3 =	vld [tilespmem:s4+$0x2880];
	v2 =	vadd.f32 v5, v2  }
0x3b9: {  	v4 =	vld [tilespmem:s5+$0x6880]  }
0x3ba: {  	v6 =	vld [tilespmem:s5+$0x7880];
	v11 =	vadd.f32 v8, v2  }
0x3bb: {  	s8 =	simm.s32 $0x80;
	v5 =	vld [tilespmem:s4+$0x3880]  }
0x3bc: {  	s25 =	sand.u32 $0xE00, s8;
	v2 =	vld [tilespmem:s4+$0x5880];
	v8 =	vadd.f32 v10, v9;
	v9 =	vadd.f32 v7, v11  }
0x3bd: {  	s6 =	sor.u32 s25, s7;
	s7 =	simm.s32 $0x30;
	v7 =	vld [tilespmem:s4+$0x4880]  }
.LBB2_9:
0x3be: {  	p0 =	sne.s32 s7, $0x3F0;
	v10 =	vld [tilespmem:s6+$0x880];
	v3 =	vadd.f32 v3, v8;
	v8 =	vadd.f32 v4, v9  }
0x3bf: {  	v9 =	vld [tilespmem:s6+$0x1880]  }
0x3c0: {  	v5 =	vadd.f32 v5, v3;
	v4 =	vld [tilespmem:s4+$0x6880];
	v8 =	vadd.f32 v6, v8  }
.Ltmp21:
0x3c1: {  	v3 =	vld [tilespmem:s6+$0x2880];
	(pc) =	sbr.rel @p0 .LBB2_9-.Ltmp21, $4  }
0x3c2: {  	v7 =	vadd.f32 v7, v5;
	v6 =	vld [tilespmem:s4+$0x7880];
	[tilespmem:s5+$0x18880] =	vst v8;
	s5 =	smov.u32 s4;
	s4 =	smov.u32 s6  }
0x3c3: {  	s8 =	sadd.s32 $0x40, s8;
	v5 =	vld [tilespmem:s4+$0x3880]  }
0x3c4: {  	s9 =	sand.u32 $0xE00, s8;
	s6 =	sand.u32 $0x70, s7;
	v8 =	vadd.f32 v9, v10;
	v9 =	vadd.f32 v2, v7;
	v2 =	vld [tilespmem:s4+$0x5880]  }
0x3c5: {  	s7 =	sadd.s32 $0x10, s7;
	s6 =	sor.u32 s9, s6;
	v7 =	vld [tilespmem:s4+$0x4880]  }
0x3c6: {  	v10 =	vld [tilespmem:s6+$0x880];
	v4 =	vadd.f32 v4, v9  }
0x3c7: {  	v9 =	vld [tilespmem:s6+$0x1880]  }
0x3c8: {  	v11 =	vld [tilespmem:s4+$0x6880];
	v4 =	vadd.f32 v6, v4  }
0x3c9: {  	v6 =	vld [tilespmem:s6+$0x2880]  }
0x3ca: {  	v12 =	vld [tilespmem:s4+$0x7880];
	[tilespmem:s5+$0x18880] =	vst v4  }
0x3cb: {  	v4 =	vld [tilespmem:s6+$0x3880]  }
0x3cc: {  	v9 =	vadd.f32 v9, v10  }
0x3cd: {  	v3 =	vadd.f32 v3, v8;
	v8 =	vld [tilespmem:s6+$0x4880]  }
0x3ce: {  	v6 =	vadd.f32 v6, v9  }
0x3cf: {  	v3 =	vadd.f32 v5, v3;
	v5 =	vld [tilespmem:s6+$0x5880]  }
0x3d0: {  	v4 =	vadd.f32 v4, v6  }
0x3d1: {  	v3 =	vadd.f32 v7, v3;
	v6 =	vld [tilespmem:s6+$0x6880]  }
0x3d2: {  	v4 =	vadd.f32 v8, v4  }
0x3d3: {  	v2 =	vadd.f32 v2, v3;
	v3 =	vld [tilespmem:s6+$0x7880]  }
0x3d4: {  	v4 =	vadd.f32 v5, v4  }
0x3d5: {  	v2 =	vadd.f32 v11, v2  }
0x3d6: {  	v4 =	vadd.f32 v6, v4  }
0x3d7: {  	v2 =	vadd.f32 v12, v2  }
0x3d8: {  	s7 =	simm.s32 $0x0;
	v3 =	vadd.f32 v3, v4  }
0x3d9: {  	s8 =	sand.u32 $0x70, s7;
	s5 =	sand.u32 $0xE00, s7;
	[tilespmem:s4+$0x18880] =	vst v2  }
0x3da: {  	s25 =	sor.u32 s5, s8;
	[tilespmem:s6+$0x18880] =	vst v3  }
0x3db: {  	v2 =	vld [tilespmem:s25+$0x900]  }
0x3dc: {  	v3 =	vld [tilespmem:s25+$0x1900];
	_ =	sdelay $0x1  }
0x3dd: {  	v4 =	vld [tilespmem:s25+$0x2900];
	_ =	sdelay $0x1  }
0x3de: {  	s9 =	simm.s32 $0x10;
	s10 =	simm.s32 $0x40;
	v5 =	vld [tilespmem:s25+$0x3900]  }
0x3df: {  	s5 =	sand.u32 $0xE00, s10;
	s4 =	sand.u32 $0x70, s9;
	v7 =	vld [tilespmem:s25+$0x5900];
	v2 =	vadd.f32 v3, v2  }
0x3e0: {  	s22 =	sor.u32 s5, s4;
	v6 =	vld [tilespmem:s25+$0x4900]  }
0x3e1: {  	v8 =	vld [tilespmem:s22+$0x900];
	v2 =	vadd.f32 v4, v2  }
0x3e2: {  	v9 =	vld [tilespmem:s22+$0x1900]  }
0x3e3: {  	v3 =	vld [tilespmem:s22+$0x2900];
	v2 =	vadd.f32 v5, v2  }
0x3e4: {  	v4 =	vld [tilespmem:s25+$0x6900]  }
0x3e5: {  	v5 =	vld [tilespmem:s25+$0x7900];
	v10 =	vadd.f32 v6, v2  }
0x3e6: {  	s11 =	simm.s32 $0x20;
	s7 =	simm.s32 $0x80;
	v6 =	vld [tilespmem:s22+$0x3900]  }
0x3e7: {  	s21 =	sand.u32 $0xE00, s7;
	s8 =	smov.u32 s25;
	s5 =	sand.u32 $0x70, s11;
	v8 =	vadd.f32 v9, v8;
	v2 =	vld [tilespmem:s22+$0x5900];
	v9 =	vadd.f32 v7, v10  }
0x3e8: {  	s9 =	simm.s32 $0x30;
	s4 =	smov.u32 s22;
	s6 =	sor.u32 s21, s5;
	v7 =	vld [tilespmem:s22+$0x4900]  }
.LBB2_11:
0x3e9: {  	p0 =	sne.s32 s9, $0x3F0;
	v10 =	vld [tilespmem:s6+$0x900];
	v3 =	vadd.f32 v3, v8;
	v8 =	vadd.f32 v4, v9  }
0x3ea: {  	v9 =	vld [tilespmem:s6+$0x1900]  }
0x3eb: {  	v6 =	vadd.f32 v6, v3;
	v4 =	vld [tilespmem:s4+$0x6900];
	v8 =	vadd.f32 v5, v8  }
.Ltmp22:
0x3ec: {  	v3 =	vld [tilespmem:s6+$0x2900];
	(pc) =	sbr.rel @p0 .LBB2_11-.Ltmp22, $4  }
0x3ed: {  	v7 =	vadd.f32 v7, v6;
	v5 =	vld [tilespmem:s4+$0x7900];
	[tilespmem:s8+$0x18900] =	vst v8;
	s8 =	smov.u32 s4;
	s4 =	smov.u32 s6  }
0x3ee: {  	s7 =	sadd.s32 $0x40, s7;
	v6 =	vld [tilespmem:s4+$0x3900]  }
0x3ef: {  	s10 =	sand.u32 $0xE00, s7;
	s6 =	sand.u32 $0x70, s9;
	v8 =	vadd.f32 v9, v10;
	v9 =	vadd.f32 v2, v7;
	v2 =	vld [tilespmem:s4+$0x5900]  }
0x3f0: {  	s9 =	sadd.s32 $0x10, s9;
	s6 =	sor.u32 s10, s6;
	v7 =	vld [tilespmem:s4+$0x4900]  }
0x3f1: {  	v10 =	vld [tilespmem:s6+$0x900];
	v4 =	vadd.f32 v4, v9  }
0x3f2: {  	v9 =	vld [tilespmem:s6+$0x1900]  }
0x3f3: {  	v11 =	vld [tilespmem:s4+$0x6900];
	v4 =	vadd.f32 v5, v4  }
0x3f4: {  	v5 =	vld [tilespmem:s6+$0x2900]  }
0x3f5: {  	v12 =	vld [tilespmem:s4+$0x7900];
	[tilespmem:s8+$0x18900] =	vst v4  }
0x3f6: {  	v4 =	vld [tilespmem:s6+$0x3900]  }
0x3f7: {  	v9 =	vadd.f32 v9, v10  }
0x3f8: {  	v3 =	vadd.f32 v3, v8;
	v8 =	vld [tilespmem:s6+$0x4900]  }
0x3f9: {  	v5 =	vadd.f32 v5, v9  }
0x3fa: {  	v3 =	vadd.f32 v6, v3;
	v6 =	vld [tilespmem:s6+$0x5900]  }
0x3fb: {  	v4 =	vadd.f32 v4, v5  }
0x3fc: {  	v3 =	vadd.f32 v7, v3;
	v5 =	vld [tilespmem:s6+$0x6900]  }
0x3fd: {  	v4 =	vadd.f32 v8, v4  }
0x3fe: {  	v2 =	vadd.f32 v2, v3;
	v3 =	vld [tilespmem:s6+$0x7900]  }
0x3ff: {  	v4 =	vadd.f32 v6, v4  }
0x400: {  	v2 =	vadd.f32 v11, v2  }
0x401: {  	v4 =	vadd.f32 v5, v4  }
0x402: {  	v2 =	vadd.f32 v12, v2  }
0x403: {  	v3 =	vadd.f32 v3, v4  }
0x404: {  	[tilespmem:s4+$0x18900] =	vst v2  }
0x405: {  	[tilespmem:s6+$0x18900] =	vst v3  }
0x406: {  	v2 =	vld [tilespmem:s25+$0x980]  }
0x407: {  	v3 =	vld [tilespmem:s25+$0x1980];
	_ =	sdelay $0x1  }
0x408: {  	v4 =	vld [tilespmem:s25+$0x2980];
	_ =	sdelay $0x1  }
0x409: {  	v5 =	vld [tilespmem:s25+$0x3980]  }
0x40a: {  	v7 =	vld [tilespmem:s25+$0x5980];
	v2 =	vadd.f32 v3, v2  }
0x40b: {  	v8 =	vld [tilespmem:s25+$0x4980]  }
0x40c: {  	v9 =	vld [tilespmem:s22+$0x980];
	v2 =	vadd.f32 v4, v2  }
0x40d: {  	v10 =	vld [tilespmem:s22+$0x1980]  }
0x40e: {  	v3 =	vld [tilespmem:s22+$0x2980];
	v2 =	vadd.f32 v5, v2  }
0x40f: {  	v4 =	vld [tilespmem:s25+$0x6980]  }
0x410: {  	v6 =	vld [tilespmem:s25+$0x7980];
	v11 =	vadd.f32 v8, v2  }
0x411: {  	s6 =	simm.s32 $0x80;
	v5 =	vld [tilespmem:s22+$0x3980]  }
0x412: {  	s21 =	sand.u32 $0xE00, s6;
	v2 =	vld [tilespmem:s22+$0x5980];
	v8 =	vadd.f32 v10, v9;
	v9 =	vadd.f32 v7, v11  }
0x413: {  	s4 =	sor.u32 s21, s5;
	s5 =	simm.s32 $0x30;
	v7 =	vld [tilespmem:s22+$0x4980]  }
.LBB2_13:
0x414: {  	p0 =	seq.s32 s5, $0x3F0;
	v10 =	vld [tilespmem:s4+$0x980];
	v3 =	vadd.f32 v3, v8;
	v8 =	vadd.f32 v4, v9  }
0x415: {  	v9 =	vld [tilespmem:s4+$0x1980]  }
0x416: {  	v5 =	vadd.f32 v5, v3;
	v4 =	vld [tilespmem:s22+$0x6980];
	v8 =	vadd.f32 v6, v8  }
.Ltmp23:
0x417: {  	v3 =	vld [tilespmem:s4+$0x2980];
	(pc) =	sbr.rel @!p0 .LBB2_13-.Ltmp23, $4  }
0x418: {  	v7 =	vadd.f32 v7, v5;
	v6 =	vld [tilespmem:s22+$0x7980];
	[tilespmem:s25+$0x18980] =	vst v8;
	s25 =	smov.u32 s22;
	s22 =	smov.u32 s4  }
0x419: {  	s6 =	sadd.s32 $0x40, s6;
	v5 =	vld [tilespmem:s22+$0x3980]  }
0x41a: {  	s7 =	sand.u32 $0xE00, s6;
	s4 =	sand.u32 $0x70, s5;
	v8 =	vadd.f32 v9, v10;
	v9 =	vadd.f32 v2, v7;
	v2 =	vld [tilespmem:s22+$0x5980]  }
0x41b: {  	s5 =	sadd.s32 $0x10, s5;
	s4 =	sor.u32 s7, s4;
	v7 =	vld [tilespmem:s22+$0x4980]  }
0x41c: {  	v10 =	vld [tilespmem:s4+$0x980];
	v4 =	vadd.f32 v4, v9  }
0x41d: {  	v59 =	vld [tilespmem:s4+$0x1980]  }
0x41e: {  	v11 =	vld [tilespmem:s22+$0x6980];
	v4 =	vadd.f32 v6, v4  }
0x41f: {  	v60 =	vld [tilespmem:s4+$0x2980]  }
0x420: {  	v12 =	vld [tilespmem:s22+$0x7980];
	[tilespmem:s25+$0x18980] =	vst v4  }
0x421: {  	v4 =	vld [tilespmem:s4+$0x3980]  }
0x422: {  	v9 =	vadd.f32 v59, v10  }
0x423: {  	v3 =	vadd.f32 v3, v8;
	v61 =	vld [tilespmem:s4+$0x4980]  }
0x424: {  	v6 =	vadd.f32 v60, v9  }
0x425: {  	v3 =	vadd.f32 v5, v3;
	v62 =	vld [tilespmem:s4+$0x5980]  }
0x426: {  	v4 =	vadd.f32 v4, v6  }
0x427: {  	v3 =	vadd.f32 v7, v3;
	v63 =	vld [tilespmem:s4+$0x6980]  }
0x428: {  	v4 =	vadd.f32 v61, v4  }
0x429: {  	v2 =	vadd.f32 v2, v3;
	v3 =	vld [tilespmem:s4+$0x7980]  }
0x42a: {  	v4 =	vadd.f32 v62, v4  }
0x42b: {  	v2 =	vadd.f32 v11, v2  }
.Ltmp24:
0x42c: {  	v4 =	vadd.f32 v63, v4;
	(pc) =	sbr.rel .LBB2_39-.Ltmp24, $4  }
0x42d: {  	v2 =	vadd.f32 v12, v2  }
0x42e: {  	v3 =	vadd.f32 v3, v4  }
0x42f: {  	[tilespmem:s22+$0x18980] =	vst v2  }
0x430: {  	[tilespmem:s4+$0x18980] =	vst v3;
	s4 =	simm.s32 $0x5  }
.LBB2_33:
.Ltmp25:
0x431: {  	(pc) =	sbr.rel .LBB2_38-.Ltmp25, $2  }
0x432: {  	_ =	sdelay $0x2  }
0x433: {  	s5 =	smov.u32 s22;
	s22 =	smov.u32 s25  }
.LBB2_35:
.Ltmp26:
0x434: {  	(pc) =	sbr.rel .LBB2_38-.Ltmp26, $2  }
0x435: {  	_ =	sdelay $0x2  }
0x436: {  	v8 =	vmov v9  }
.LBB2_41:
0x437: {  	_ =	sfence.sel $0x180000  }
0x438: {  	[bflag:$0x0] =	sbarrier.arrive $0xFFFF  }
0x439: {  	_ =	strace $0x90000047  }
0x43a: {  	s0 =	stileid.u32;
	[bflag:$0x2] =	sbarrier.arrive $0xFFFF  }
0x43b: {  	p0 =	sne.s32 s0, $0x0;
	s0 =	rddreg [dreg:$0x3]  }
0x43c: {  	s0 =	sadd.s32 @!p0 $0x100000, s0  }
0x43d: {  	[sflag:s0] =	ssyncadd.tile.s32 @!p0 $0x1;
	_ =	shalt  }
.Lfunc_end2:
_tile_overlayer_lowered:
.L_overlay_start_2:
0x43e: {  	(tag) =	ssettag $0x2  }
0x43f: {  	s0 =	rddreg [dreg:$0x0];
	s2 =	stileid.u32  }
0x440: {  	s1 =	rddreg [dreg:$0x1];
	p0 =	sne.s32 s2, $0x0  }
0x441: {  	s3 =	rddreg [dreg:$0x2];
	[bflag:$0x3] =	sbarrier.arrive $0xFFFF;
	s2 =	simm.s32 @!p0 $0x1C04  }
0x442: {  	[timem:s3], [sflag:s2] =	dma.local @!p0 [hbm:s0], s1  }
0x443: {  	s0 =	simm.s32 @!p0 $0x4  }
0x444: {  	_ =	swait.ge @!p0 [sflag:s0], s1  }
0x445: {  	s1 =	ssub.s32 @!p0 $0x0, s1;
	[sflag:s0] =	ssyncset.done @!p0 $0x0  }
0x446: {  	[sflag:s0] =	ssyncadd.s32 @!p0 s1  }
0x447: {  	[bflag:$0x3] =	sbarrier.arrive $0xFFFF  }
0x448: {  	_ =	shalt  }

</sc_bundles>
